<compile_context>
chip_gen: v7x
topology: tpu7x:2x2x1
jax: 0.10.2.dev20260603
libtpu: 0.0.44.dev20260713+nightly
codegen_flags: <defaults>
</compile_context>

<pallas_src>
import functools

import jax
import jax.numpy as jnp
from jax import lax
from jax.experimental import pallas as pl
from jax.experimental.pallas import tpu as pltpu
from jax.experimental.pallas import tpu_sc as plsc

_NC = 2
_NS = 16
_NW = _NC * _NS
_K = 128
_NBUF = 2
_IR = 4
_DEGW = 16


def _sc_aggregate(N, C, EPAD, with_deg):
    TW = EPAD // _NW // _K
    NPAD = -(-(N + 1) // _K) * _K
    TZ = NPAD // _K
    ZPT = -(-TZ // _NS)
    RPT = NPAD // _NS
    assert RPT % 8 == 0 and NPAD % _NS == 0 and TW % _IR == 0

    mesh = plsc.VectorSubcoreMesh(core_axis_name="c", subcore_axis_name="s",
                                  num_cores=_NC, num_subcores=_NS)

    out_type = [jax.ShapeDtypeStruct((_NC, NPAD, C), jnp.float32)]
    scratch = (
        [pltpu.VMEM((_IR, 2, _K), jnp.int32)]
        + [pltpu.VMEM((_K, C), jnp.float32) for _ in range(_NBUF)]
        + [pltpu.VMEM((_K, _DEGW), jnp.float32),
           pltpu.VMEM((_K, _DEGW), jnp.float32),
           pltpu.VMEM_SHARED((NPAD, C), jnp.float32)]
        + [pltpu.SemaphoreType.DMA for _ in range(2 * _NBUF + _IR)]
    )
    if with_deg:
        out_type.append(jax.ShapeDtypeStruct((_NC, NPAD, _DEGW), jnp.float32))
        scratch += ([pltpu.VMEM_SHARED((NPAD, _DEGW), jnp.float32)]
                    + [pltpu.SemaphoreType.DMA for _ in range(_NBUF)])

    @functools.partial(
        pl.kernel,
        out_type=tuple(out_type),
        mesh=mesh,
        scratch_types=scratch,
        compiler_params=pltpu.CompilerParams(use_tc_tiling_on_sc=False),
    )
    def agg(x_hbm, cr_hbm, sum_hbm, *rest):
        if with_deg:
            deg_hbm = rest[0]
            rest = rest[1:]
        idx_r = rest[0]
        rowbufs = rest[1:1 + _NBUF]
        ones_v, zeros16_v, acc_sh = rest[1 + _NBUF:4 + _NBUF]
        gsems = rest[4 + _NBUF:4 + 2 * _NBUF]
        ssems = rest[4 + 2 * _NBUF:4 + 3 * _NBUF]
        isems = rest[4 + 3 * _NBUF:4 + 3 * _NBUF + _IR]
        if with_deg:
            deg_sh = rest[4 + 3 * _NBUF + _IR]
            dsems = rest[5 + 3 * _NBUF + _IR:5 + 4 * _NBUF + _IR]

        c = lax.axis_index("c")
        s = lax.axis_index("s")
        wbase = (c * _NS + s) * TW

        zeros = jnp.zeros((16,), jnp.float32)
        ones = jnp.ones((16,), jnp.float32)

        def memset_row(i, carry):
            for j in range(C // 16):
                rowbufs[0][i, pl.ds(16 * j, 16)] = zeros
            ones_v[i, pl.ds(0, 16)] = ones
            zeros16_v[i, pl.ds(0, 16)] = zeros
            return carry
        lax.fori_loop(0, _K, memset_row, 0)

        def zero_chunk(k, carry):
            g = k * _NS + s
            @pl.when(g < TZ)
            def _():
                r0 = g * _K
                pltpu.sync_copy(rowbufs[0], acc_sh.at[pl.ds(r0, _K)])
                if with_deg:
                    pltpu.sync_copy(zeros16_v, deg_sh.at[pl.ds(r0, _K)])
            return carry
        lax.fori_loop(0, ZPT, zero_chunk, 0)

        plsc.subcore_barrier()

        def prefetch(g, r):
            pltpu.async_copy(cr_hbm.at[wbase + g], idx_r.at[r], isems[r])

        def idx_wait(g, r):
            pltpu.make_async_copy(cr_hbm.at[wbase + g], idx_r.at[r],
                                  isems[r]).wait()

        def gather(r, b):
            pltpu.async_copy(x_hbm.at[idx_r.at[r, 0]], rowbufs[b], gsems[b])

        def gather_wait(r, b):
            pltpu.make_async_copy(x_hbm.at[idx_r.at[r, 0]], rowbufs[b],
                                  gsems[b]).wait()

        def scatter(r, b):
            pltpu.async_copy(rowbufs[b], acc_sh.at[idx_r.at[r, 1]],
                             ssems[b], add=True)
            if with_deg:
                pltpu.async_copy(ones_v, deg_sh.at[idx_r.at[r, 1]],
                                 dsems[b], add=True)

        def scatter_wait(r, b):
            pltpu.make_async_copy(rowbufs[b], acc_sh.at[idx_r.at[r, 1]],
                                  ssems[b]).wait()
            if with_deg:
                pltpu.make_async_copy(ones_v, deg_sh.at[idx_r.at[r, 1]],
                                      dsems[b]).wait()

        prefetch(0, 0)
        prefetch(1, 1)

        def pipe(u, carry):
            for r in range(_IR):
                g = u * _IR + r
                b = r % _NBUF

                @pl.when(g >= _NBUF)
                def _():
                    scatter_wait((r - _NBUF) % _IR, b)

                idx_wait(g, r)
                gather(r, b)

                @pl.when(g + 2 < TW)
                def _():
                    prefetch(g + 2, (r + 2) % _IR)

                @pl.when(g >= 1)
                def _():
                    gather_wait((r - 1) % _IR, 1 - b)
                    scatter((r - 1) % _IR, 1 - b)
            return carry
        lax.fori_loop(0, TW // _IR, pipe, 0)

        gather_wait((TW - 1) % _IR, (TW - 1) % _NBUF)
        scatter((TW - 1) % _IR, (TW - 1) % _NBUF)
        scatter_wait((TW - 2) % _IR, (TW - 2) % _NBUF)
        scatter_wait((TW - 1) % _IR, (TW - 1) % _NBUF)

        plsc.subcore_barrier()

        r0 = s * RPT
        pltpu.sync_copy(acc_sh.at[pl.ds(r0, RPT)], sum_hbm.at[c, pl.ds(r0, RPT)])
        if with_deg:
            pltpu.sync_copy(deg_sh.at[pl.ds(r0, RPT)],
                            deg_hbm.at[c, pl.ds(r0, RPT)])

    return agg


def _dense_layer(N, C, H, relu, BN=2000):

    def body(x_ref, p0_ref, p1_ref, d0_ref, d1_ref, w_ref, b_ref, o_ref):
        inv = 1.0 / jnp.maximum(d0_ref[0, :, 0:1] + d1_ref[0, :, 0:1], 1.0)
        agg = (p0_ref[0] + p1_ref[0]) * inv
        y = b_ref[...]
        y = y + lax.dot_general(x_ref[...], w_ref[:, :C],
                                (((1,), (1,)), ((), ())),
                                preferred_element_type=jnp.float32)
        y = y + lax.dot_general(agg, w_ref[:, C:],
                                (((1,), (1,)), ((), ())),
                                preferred_element_type=jnp.float32)
        if relu:
            y = jnp.maximum(y, 0.0)
        o_ref[...] = y

    return pl.pallas_call(
        body,
        grid=(N // BN,),
        in_specs=[
            pl.BlockSpec((BN, C), lambda i: (i, 0)),
            pl.BlockSpec((1, BN, C), lambda i: (0, i, 0)),
            pl.BlockSpec((1, BN, C), lambda i: (1, i, 0)),
            pl.BlockSpec((1, BN, _DEGW), lambda i: (0, i, 0)),
            pl.BlockSpec((1, BN, _DEGW), lambda i: (1, i, 0)),
            pl.BlockSpec((H, 2 * C), lambda i: (0, 0)),
            pl.BlockSpec((1, H), lambda i: (0, 0)),
        ],
        out_specs=pl.BlockSpec((BN, H), lambda i: (i, 0)),
        out_shape=jax.ShapeDtypeStruct((N, H), jnp.float32),
    )


def kernel(x, edge_index, W1, b1, W2, b2):
    N, C = x.shape
    H = W1.shape[0]
    O = W2.shape[0]
    E = edge_index.shape[1]
    align = _NW * _K * _IR
    EPAD = -(-E // align) * align

    rows = edge_index[0]
    cols = edge_index[1]
    pad = EPAD - E
    if pad:
        NPAD = -(-(N + 1) // _K) * _K
        arp = jnp.arange(pad, dtype=jnp.int32)
        rows = jnp.concatenate([rows, N + arp % (NPAD - N)])
        cols = jnp.concatenate([cols, arp % N])
    cr = jnp.stack([cols.reshape(EPAD // _K, _K),
                    rows.reshape(EPAD // _K, _K)], axis=1)

    sums, degs = _sc_aggregate(N, C, EPAD, True)(x, cr)
    h = _dense_layer(N, C, H, True)(
        x, sums, sums, degs, degs, W1, b1.reshape(1, H))

    (sums2,) = _sc_aggregate(N, H, EPAD, False)(h, cr)
    out = _dense_layer(N, H, O, False)(
        h, sums2, sums2, degs, degs, W2, b2.reshape(1, O))
    return out

# --- scband reference (transcript-rebuilt; emitter-appended) ---
"""Pipeline reference for scband-graph-sage-55490977464722 (READ-ONLY COPY).

The authoritative reference and input builder live on the scoring server;
editing this copy changes nothing except your own understanding.
"""

import jax, jax.numpy as jnp
import numpy as np


def sage_conv(x, edge_index, W, b):
    # x: [N, C], edge_index: [2, E], W: [out, 2*C], b: [out]
    row = edge_index[0]
    col = edge_index[1]
    num_nodes = x.shape[0]
    neighbor_sum = jnp.zeros_like(x).at[row].add(x[col])
    deg = jnp.bincount(row, length=num_nodes).astype(x.dtype)
    deg = jnp.clip(deg, 1.0, None)
    neighbor_agg = neighbor_sum / deg[:, None]
    h = jnp.concatenate([x, neighbor_agg], axis=-1)
    return h @ W.T + b


def setup_inputs(seed: int = 0) -> dict:
    key = jax.random.key(seed)
    k1, k2, k3, k4 = jax.random.split(key, 4)
    N = 10000
    E = 320000
    C = 128   # in_channels
    H = 128   # hidden_channels
    O = 128   # out_channels
    x = jax.random.normal(k1, (N, C), dtype=jnp.float32)
    edge_index = jax.random.randint(k2, (2, E), 0, N, dtype=jnp.int32)
    W1 = jax.random.normal(k3, (H, 2 * C), dtype=jnp.float32) * 0.05
    b1 = jnp.zeros((H,), dtype=jnp.float32)
    W2 = jax.random.normal(k4, (O, 2 * H), dtype=jnp.float32) * 0.05
    b2 = jnp.zeros((O,), dtype=jnp.float32)
    return {"x": x, "edge_index": edge_index, "W1": W1, "b1": b1, "W2": W2, "b2": b2}


def reference(x, edge_index, W1, b1, W2, b2):
    # GraphSAGE with num_layers=2 (eval mode: dropout is identity)
    h = sage_conv(x, edge_index, W1, b1)
    h = jax.nn.relu(h)
    out = sage_conv(h, edge_index, W2, b2)
    return out

if __name__ == "__main__":
    import jax
    _d = setup_inputs()
    print(jax.jit(kernel)(*tuple(_d.values())))

</pallas_src>

<mosaic_0001>
#map = affine_map<(d0, d1) -> (0, 0)>
#map1 = affine_map<(d0, d1) -> (0, 0, 0)>
module attributes {stable_mosaic.version = 14 : i64} {
  func.func @agg(%arg0: i32, %arg1: i32, %arg2: memref<10000x128xf32, #tpu.memory_space<hbm>>, %arg3: memref<2560x2x128xi32, #tpu.memory_space<hbm>>, %arg4: memref<2x10112x128xf32, #tpu.memory_space<hbm>>, %arg5: memref<2x10112x16xf32, #tpu.memory_space<hbm>>, %arg6: memref<4x2x128xi32, #tpu.memory_space<vmem>>, %arg7: memref<128x128xf32, #tpu.memory_space<vmem>>, %arg8: memref<128x128xf32, #tpu.memory_space<vmem>>, %arg9: memref<128x16xf32, #tpu.memory_space<vmem>>, %arg10: memref<128x16xf32, #tpu.memory_space<vmem>>, %arg11: memref<10112x128xf32, #tpu.memory_space<vmem_shared>>, %arg12: memref<!tpu.dma_semaphore, #tpu.memory_space<semaphore_mem>>, %arg13: memref<!tpu.dma_semaphore, #tpu.memory_space<semaphore_mem>>, %arg14: memref<!tpu.dma_semaphore, #tpu.memory_space<semaphore_mem>>, %arg15: memref<!tpu.dma_semaphore, #tpu.memory_space<semaphore_mem>>, %arg16: memref<!tpu.dma_semaphore, #tpu.memory_space<semaphore_mem>>, %arg17: memref<!tpu.dma_semaphore, #tpu.memory_space<semaphore_mem>>, %arg18: memref<!tpu.dma_semaphore, #tpu.memory_space<semaphore_mem>>, %arg19: memref<!tpu.dma_semaphore, #tpu.memory_space<semaphore_mem>>, %arg20: memref<10112x16xf32, #tpu.memory_space<vmem_shared>>, %arg21: memref<!tpu.dma_semaphore, #tpu.memory_space<semaphore_mem>>, %arg22: memref<!tpu.dma_semaphore, #tpu.memory_space<semaphore_mem>>) attributes {dimension_semantics = [#tpu.dimension_semantics<core_parallel>, #tpu.dimension_semantics<subcore_parallel>], iteration_bounds = array<i64: 2, 16>, scalar_prefetch = 0 : i64, scratch_operands = 17 : i64, tpu.core_type = #tpu.core_type<sc_vector_subcore>, window_params = [{transform_indices = #map}, {transform_indices = #map1}, {transform_indices = #map1}, {transform_indices = #map1}]} {
    %mul3A = arith.constant 16 : i32
    %mul3A_0 = arith.muli %arg0, %mul3A : i32
    %add3A = arith.addi %mul3A_0, %arg1 : i32
    %mul3A_1 = arith.constant 80 : i32
    %mul3A_2 = arith.muli %add3A, %mul3A_1 : i32
    %broadcast_in_dim3A = arith.constant 0.000000e+00 : f32
    %broadcast_in_dim3A_3 = vector.broadcast %broadcast_in_dim3A : f32 to vector<16xf32>
    %broadcast_in_dim3A_4 = arith.constant 1.000000e+00 : f32
    %broadcast_in_dim3A_5 = vector.broadcast %broadcast_in_dim3A_4 : f32 to vector<16xf32>
    %scan3A = arith.constant 0 : i32
    %scan3A_6 = arith.constant 0 : i32
    %scan3A_7 = arith.constant 128 : i32
    %scan3A_8 = arith.addi %scan3A_6, %scan3A_7 : i32
    %scan3A_9 = arith.constant 1 : i32
    scf.for %scan3A_118 = %scan3A_6 to %scan3A_8 step %scan3A_9  : i32 {
      %swap3A = arith.index_cast %scan3A_118 : i32 to index
      %swap3A_119 = arith.constant 0 : index
      %swap3A_120 = tpu.vector_load %arg7[%swap3A, %swap3A_119] {strides = array<i32>} : memref<128x128xf32, #tpu.memory_space<vmem>>, vector<1x16xf32>,
      %swap3A_121 = vector.shape_cast %swap3A_120 : vector<1x16xf32> to vector<16xf32>
      %swap3A_122 = vector.shape_cast %broadcast_in_dim3A_3 : vector<16xf32> to vector<1x16xf32>
      tpu.vector_store %arg7[%swap3A, %swap3A_119], %swap3A_122 {strides = array<i32>} : memref<128x128xf32, #tpu.memory_space<vmem>>, vector<1x16xf32>,
      %swap3A_123 = arith.index_cast %scan3A_118 : i32 to index
      %swap3A_124 = arith.constant 16 : index
      %swap3A_125 = tpu.vector_load %arg7[%swap3A_123, %swap3A_124] {strides = array<i32>} : memref<128x128xf32, #tpu.memory_space<vmem>>, vector<1x16xf32>,
      %swap3A_126 = vector.shape_cast %swap3A_125 : vector<1x16xf32> to vector<16xf32>
      %swap3A_127 = vector.shape_cast %broadcast_in_dim3A_3 : vector<16xf32> to vector<1x16xf32>
      tpu.vector_store %arg7[%swap3A_123, %swap3A_124], %swap3A_127 {strides = array<i32>} : memref<128x128xf32, #tpu.memory_space<vmem>>, vector<1x16xf32>,
      %swap3A_128 = arith.index_cast %scan3A_118 : i32 to index
      %swap3A_129 = arith.constant 32 : index
      %swap3A_130 = tpu.vector_load %arg7[%swap3A_128, %swap3A_129] {strides = array<i32>} : memref<128x128xf32, #tpu.memory_space<vmem>>, vector<1x16xf32>,
      %swap3A_131 = vector.shape_cast %swap3A_130 : vector<1x16xf32> to vector<16xf32>
      %swap3A_132 = vector.shape_cast %broadcast_in_dim3A_3 : vector<16xf32> to vector<1x16xf32>
      tpu.vector_store %arg7[%swap3A_128, %swap3A_129], %swap3A_132 {strides = array<i32>} : memref<128x128xf32, #tpu.memory_space<vmem>>, vector<1x16xf32>,
      %swap3A_133 = arith.index_cast %scan3A_118 : i32 to index
      %swap3A_134 = arith.constant 48 : index
      %swap3A_135 = tpu.vector_load %arg7[%swap3A_133, %swap3A_134] {strides = array<i32>} : memref<128x128xf32, #tpu.memory_space<vmem>>, vector<1x16xf32>,
      %swap3A_136 = vector.shape_cast %swap3A_135 : vector<1x16xf32> to vector<16xf32>
      %swap3A_137 = vector.shape_cast %broadcast_in_dim3A_3 : vector<16xf32> to vector<1x16xf32>
      tpu.vector_store %arg7[%swap3A_133, %swap3A_134], %swap3A_137 {strides = array<i32>} : memref<128x128xf32, #tpu.memory_space<vmem>>, vector<1x16xf32>,
      %swap3A_138 = arith.index_cast %scan3A_118 : i32 to index
      %swap3A_139 = arith.constant 64 : index
      %swap3A_140 = tpu.vector_load %arg7[%swap3A_138, %swap3A_139] {strides = array<i32>} : memref<128x128xf32, #tpu.memory_space<vmem>>, vector<1x16xf32>,
      %swap3A_141 = vector.shape_cast %swap3A_140 : vector<1x16xf32> to vector<16xf32>
      %swap3A_142 = vector.shape_cast %broadcast_in_dim3A_3 : vector<16xf32> to vector<1x16xf32>
      tpu.vector_store %arg7[%swap3A_138, %swap3A_139], %swap3A_142 {strides = array<i32>} : memref<128x128xf32, #tpu.memory_space<vmem>>, vector<1x16xf32>,
      %swap3A_143 = arith.index_cast %scan3A_118 : i32 to index
      %swap3A_144 = arith.constant 80 : index
      %swap3A_145 = tpu.vector_load %arg7[%swap3A_143, %swap3A_144] {strides = array<i32>} : memref<128x128xf32, #tpu.memory_space<vmem>>, vector<1x16xf32>,
      %swap3A_146 = vector.shape_cast %swap3A_145 : vector<1x16xf32> to vector<16xf32>
      %swap3A_147 = vector.shape_cast %broadcast_in_dim3A_3 : vector<16xf32> to vector<1x16xf32>
      tpu.vector_store %arg7[%swap3A_143, %swap3A_144], %swap3A_147 {strides = array<i32>} : memref<128x128xf32, #tpu.memory_space<vmem>>, vector<1x16xf32>,
      %swap3A_148 = arith.index_cast %scan3A_118 : i32 to index
      %swap3A_149 = arith.constant 96 : index
      %swap3A_150 = tpu.vector_load %arg7[%swap3A_148, %swap3A_149] {strides = array<i32>} : memref<128x128xf32, #tpu.memory_space<vmem>>, vector<1x16xf32>,
      %swap3A_151 = vector.shape_cast %swap3A_150 : vector<1x16xf32> to vector<16xf32>
      %swap3A_152 = vector.shape_cast %broadcast_in_dim3A_3 : vector<16xf32> to vector<1x16xf32>
      tpu.vector_store %arg7[%swap3A_148, %swap3A_149], %swap3A_152 {strides = array<i32>} : memref<128x128xf32, #tpu.memory_space<vmem>>, vector<1x16xf32>,
      %swap3A_153 = arith.index_cast %scan3A_118 : i32 to index
      %swap3A_154 = arith.constant 112 : index
      %swap3A_155 = tpu.vector_load %arg7[%swap3A_153, %swap3A_154] {strides = array<i32>} : memref<128x128xf32, #tpu.memory_space<vmem>>, vector<1x16xf32>,
      %swap3A_156 = vector.shape_cast %swap3A_155 : vector<1x16xf32> to vector<16xf32>
      %swap3A_157 = vector.shape_cast %broadcast_in_dim3A_3 : vector<16xf32> to vector<1x16xf32>
      tpu.vector_store %arg7[%swap3A_153, %swap3A_154], %swap3A_157 {strides = array<i32>} : memref<128x128xf32, #tpu.memory_space<vmem>>, vector<1x16xf32>,
      %swap3A_158 = arith.index_cast %scan3A_118 : i32 to index
      %swap3A_159 = arith.constant 0 : index
      %swap3A_160 = tpu.vector_load %arg9[%swap3A_158, %swap3A_159] {strides = array<i32>} : memref<128x16xf32, #tpu.memory_space<vmem>>, vector<1x16xf32>,
      %swap3A_161 = vector.shape_cast %swap3A_160 : vector<1x16xf32> to vector<16xf32>
      %swap3A_162 = vector.shape_cast %broadcast_in_dim3A_5 : vector<16xf32> to vector<1x16xf32>
      tpu.vector_store %arg9[%swap3A_158, %swap3A_159], %swap3A_162 {strides = array<i32>} : memref<128x16xf32, #tpu.memory_space<vmem>>, vector<1x16xf32>,
      %swap3A_163 = arith.index_cast %scan3A_118 : i32 to index
      %swap3A_164 = arith.constant 0 : index
      %swap3A_165 = tpu.vector_load %arg10[%swap3A_163, %swap3A_164] {strides = array<i32>} : memref<128x16xf32, #tpu.memory_space<vmem>>, vector<1x16xf32>,
      %swap3A_166 = vector.shape_cast %swap3A_165 : vector<1x16xf32> to vector<16xf32>
      %swap3A_167 = vector.shape_cast %broadcast_in_dim3A_3 : vector<16xf32> to vector<1x16xf32>
      tpu.vector_store %arg10[%swap3A_163, %swap3A_164], %swap3A_167 {strides = array<i32>} : memref<128x16xf32, #tpu.memory_space<vmem>>, vector<1x16xf32>,
    }
    %scan3A_10 = arith.constant 128 : i32
    %scan3A_11 = arith.constant 0 : i32
    %scan3A_12 = arith.constant 0 : i32
    %scan3A_13 = arith.constant 5 : i32
    %scan3A_14 = arith.addi %scan3A_12, %scan3A_13 : i32
    %scan3A_15 = arith.constant 1 : i32
    scf.for %scan3A_118 = %scan3A_12 to %scan3A_14 step %scan3A_15  : i32 {
      %mul3A_119 = arith.constant 16 : i32
      %mul3A_120 = arith.muli %scan3A_118, %mul3A_119 : i32
      %add3A_121 = arith.addi %mul3A_120, %arg1 : i32
      %lt3A = arith.constant 79 : i32
      %lt3A_122 = arith.cmpi slt, %add3A_121, %lt3A : i32
      %convert_element_type3A = arith.extui %lt3A_122 : i1 to i32
      %cond3A = arith.constant 0 : i32
      %cond3A_123 = arith.cmpi ne, %convert_element_type3A, %cond3A : i32
      scf.if %cond3A_123 {
        %mul3A_124 = arith.constant 128 : i32
        %mul3A_125 = arith.muli %add3A_121, %mul3A_124 : i32
        "tpu.region"() ({
          %run_scoped3A = tpu.sem_alloc : memref<!tpu.dma_semaphore, #tpu.memory_space<semaphore_mem>>
          %dma_start3A_126 = arith.constant 0 : i32
          %dma_start3A_127 = tpu.memref_slice %arg11[%mul3A_125, %dma_start3A_126] : memref<10112x128xf32, #tpu.memory_space<vmem_shared>> -> memref<128x128xf32, #tpu.memory_space<vmem_shared>>
          %dma_start3A_128 = arith.constant 0 : i32
          %dma_start3A_129 = tpu.memref_slice %arg11[%mul3A_125, %dma_start3A_128] : memref<10112x128xf32, #tpu.memory_space<vmem_shared>> -> memref<128x128xf32, #tpu.memory_space<vmem_shared>>
          tpu.enqueue_dma source(%arg7 : memref<128x128xf32, #tpu.memory_space<vmem>>) target(%dma_start3A_129 : memref<128x128xf32, #tpu.memory_space<vmem_shared>>) target_semaphore(%run_scoped3A : memref<!tpu.dma_semaphore, #tpu.memory_space<semaphore_mem>>)
          %dma_wait3A_130 = arith.constant 0 : i32
          %dma_wait3A_131 = tpu.memref_slice %arg11[%mul3A_125, %dma_wait3A_130] : memref<10112x128xf32, #tpu.memory_space<vmem_shared>> -> memref<128x128xf32, #tpu.memory_space<vmem_shared>>
          %dma_wait3A_132 = arith.constant 0 : i32
          %dma_wait3A_133 = tpu.memref_slice %arg11[%mul3A_125, %dma_wait3A_132] : memref<10112x128xf32, #tpu.memory_space<vmem_shared>> -> memref<128x128xf32, #tpu.memory_space<vmem_shared>>
          tpu.wait_dma2 semaphore(%run_scoped3A : memref<!tpu.dma_semaphore, #tpu.memory_space<semaphore_mem>>) src(%arg7 : memref<128x128xf32, #tpu.memory_space<vmem>>) dst(%dma_wait3A_133 : memref<128x128xf32, #tpu.memory_space<vmem_shared>>)
          tpu.yield
        }) : () -> ()
        "tpu.region"() ({
          %run_scoped3A = tpu.sem_alloc : memref<!tpu.dma_semaphore, #tpu.memory_space<semaphore_mem>>
          %dma_start3A_126 = arith.constant 0 : i32
          %dma_start3A_127 = tpu.memref_slice %arg20[%mul3A_125, %dma_start3A_126] : memref<10112x16xf32, #tpu.memory_space<vmem_shared>> -> memref<128x16xf32, #tpu.memory_space<vmem_shared>>
          %dma_start3A_128 = arith.constant 0 : i32
          %dma_start3A_129 = tpu.memref_slice %arg20[%mul3A_125, %dma_start3A_128] : memref<10112x16xf32, #tpu.memory_space<vmem_shared>> -> memref<128x16xf32, #tpu.memory_space<vmem_shared>>
          tpu.enqueue_dma source(%arg10 : memref<128x16xf32, #tpu.memory_space<vmem>>) target(%dma_start3A_129 : memref<128x16xf32, #tpu.memory_space<vmem_shared>>) target_semaphore(%run_scoped3A : memref<!tpu.dma_semaphore, #tpu.memory_space<semaphore_mem>>)
          %dma_wait3A_130 = arith.constant 0 : i32
          %dma_wait3A_131 = tpu.memref_slice %arg20[%mul3A_125, %dma_wait3A_130] : memref<10112x16xf32, #tpu.memory_space<vmem_shared>> -> memref<128x16xf32, #tpu.memory_space<vmem_shared>>
          %dma_wait3A_132 = arith.constant 0 : i32
          %dma_wait3A_133 = tpu.memref_slice %arg20[%mul3A_125, %dma_wait3A_132] : memref<10112x16xf32, #tpu.memory_space<vmem_shared>> -> memref<128x16xf32, #tpu.memory_space<vmem_shared>>
          tpu.wait_dma2 semaphore(%run_scoped3A : memref<!tpu.dma_semaphore, #tpu.memory_space<semaphore_mem>>) src(%arg10 : memref<128x16xf32, #tpu.memory_space<vmem>>) dst(%dma_wait3A_133 : memref<128x16xf32, #tpu.memory_space<vmem_shared>>)
          tpu.yield
        }) : () -> ()
      } else {
      }
    }
    %scan3A_16 = arith.constant 5 : i32
    %barrier3A = arith.constant 0 : index
    tpu.barrier barrier_id(%barrier3A)
    %add3A_17 = arith.constant 0 : i32
    %add3A_18 = arith.addi %mul3A_2, %add3A_17 : i32
    %dma_start3A = arith.constant 0 : i32
    %dma_start3A_19 = arith.constant 0 : i32
    %dma_start3A_20 = arith.constant 0 : i32
    %dma_start3A_21 = tpu.memref_slice %arg6[%dma_start3A, %dma_start3A_19, %dma_start3A_20] : memref<4x2x128xi32, #tpu.memory_space<vmem>> -> memref<1x2x128xi32, #tpu.memory_space<vmem>>
    %dma_start3A_22 = tpu.memref_squeeze %dma_start3A_21 : memref<1x2x128xi32, #tpu.memory_space<vmem>> -> memref<2x128xi32, #tpu.memory_space<vmem>>
    %dma_start3A_23 = arith.constant 0 : i32
    %dma_start3A_24 = arith.constant 0 : i32
    %dma_start3A_25 = tpu.memref_slice %arg3[%add3A_18, %dma_start3A_23, %dma_start3A_24] : memref<2560x2x128xi32, #tpu.memory_space<hbm>> -> memref<1x2x128xi32, #tpu.memory_space<hbm>>
    %dma_start3A_26 = tpu.memref_squeeze %dma_start3A_25 : memref<1x2x128xi32, #tpu.memory_space<hbm>> -> memref<2x128xi32, #tpu.memory_space<hbm>>
    %dma_start3A_27 = arith.constant 0 : i32
    %dma_start3A_28 = arith.constant 0 : i32
    %dma_start3A_29 = tpu.memref_slice %arg6[%dma_start3A, %dma_start3A_27, %dma_start3A_28] : memref<4x2x128xi32, #tpu.memory_space<vmem>> -> memref<1x2x128xi32, #tpu.memory_space<vmem>>
    %dma_start3A_30 = tpu.memref_squeeze %dma_start3A_29 : memref<1x2x128xi32, #tpu.memory_space<vmem>> -> memref<2x128xi32, #tpu.memory_space<vmem>>
    %dma_start3A_31 = arith.constant 0 : i32
    %dma_start3A_32 = arith.constant 0 : i32
    %dma_start3A_33 = tpu.memref_slice %arg3[%add3A_18, %dma_start3A_31, %dma_start3A_32] : memref<2560x2x128xi32, #tpu.memory_space<hbm>> -> memref<1x2x128xi32, #tpu.memory_space<hbm>>
    %dma_start3A_34 = tpu.memref_squeeze %dma_start3A_33 : memref<1x2x128xi32, #tpu.memory_space<hbm>> -> memref<2x128xi32, #tpu.memory_space<hbm>>
    tpu.enqueue_dma source(%dma_start3A_34 : memref<2x128xi32, #tpu.memory_space<hbm>>) target(%dma_start3A_30 : memref<2x128xi32, #tpu.memory_space<vmem>>) target_semaphore(%arg16 : memref<!tpu.dma_semaphore, #tpu.memory_space<semaphore_mem>>)
    %add3A_35 = arith.constant 1 : i32
    %add3A_36 = arith.addi %mul3A_2, %add3A_35 : i32
    %dma_start3A_37 = arith.constant 1 : i32
    %dma_start3A_38 = arith.constant 0 : i32
    %dma_start3A_39 = arith.constant 0 : i32
    %dma_start3A_40 = tpu.memref_slice %arg6[%dma_start3A_37, %dma_start3A_38, %dma_start3A_39] : memref<4x2x128xi32, #tpu.memory_space<vmem>> -> memref<1x2x128xi32, #tpu.memory_space<vmem>>
    %dma_start3A_41 = tpu.memref_squeeze %dma_start3A_40 : memref<1x2x128xi32, #tpu.memory_space<vmem>> -> memref<2x128xi32, #tpu.memory_space<vmem>>
    %dma_start3A_42 = arith.constant 0 : i32
    %dma_start3A_43 = arith.constant 0 : i32
    %dma_start3A_44 = tpu.memref_slice %arg3[%add3A_36, %dma_start3A_42, %dma_start3A_43] : memref<2560x2x128xi32, #tpu.memory_space<hbm>> -> memref<1x2x128xi32, #tpu.memory_space<hbm>>
    %dma_start3A_45 = tpu.memref_squeeze %dma_start3A_44 : memref<1x2x128xi32, #tpu.memory_space<hbm>> -> memref<2x128xi32, #tpu.memory_space<hbm>>
    %dma_start3A_46 = arith.constant 0 : i32
    %dma_start3A_47 = arith.constant 0 : i32
    %dma_start3A_48 = tpu.memref_slice %arg6[%dma_start3A_37, %dma_start3A_46, %dma_start3A_47] : memref<4x2x128xi32, #tpu.memory_space<vmem>> -> memref<1x2x128xi32, #tpu.memory_space<vmem>>
    %dma_start3A_49 = tpu.memref_squeeze %dma_start3A_48 : memref<1x2x128xi32, #tpu.memory_space<vmem>> -> memref<2x128xi32, #tpu.memory_space<vmem>>
    %dma_start3A_50 = arith.constant 0 : i32
    %dma_start3A_51 = arith.constant 0 : i32
    %dma_start3A_52 = tpu.memref_slice %arg3[%add3A_36, %dma_start3A_50, %dma_start3A_51] : memref<2560x2x128xi32, #tpu.memory_space<hbm>> -> memref<1x2x128xi32, #tpu.memory_space<hbm>>
    %dma_start3A_53 = tpu.memref_squeeze %dma_start3A_52 : memref<1x2x128xi32, #tpu.memory_space<hbm>> -> memref<2x128xi32, #tpu.memory_space<hbm>>
    tpu.enqueue_dma source(%dma_start3A_53 : memref<2x128xi32, #tpu.memory_space<hbm>>) target(%dma_start3A_49 : memref<2x128xi32, #tpu.memory_space<vmem>>) target_semaphore(%arg17 : memref<!tpu.dma_semaphore, #tpu.memory_space<semaphore_mem>>)
    %scan3A_54 = arith.constant 0 : i32
    %scan3A_55 = arith.constant 0 : i32
    %scan3A_56 = arith.constant 20 : i32
    %scan3A_57 = arith.addi %scan3A_55, %scan3A_56 : i32
    %scan3A_58 = arith.constant 1 : i32
    scf.for %scan3A_118 = %scan3A_55 to %scan3A_57 step %scan3A_58  : i32 {
      %mul3A_119 = arith.constant 4 : i32
      %mul3A_120 = arith.muli %scan3A_118, %mul3A_119 : i32
      %add3A_121 = arith.constant 0 : i32
      %add3A_122 = arith.addi %mul3A_120, %add3A_121 : i32
      %ge3A = arith.constant 2 : i32
      %ge3A_123 = arith.cmpi sge, %add3A_122, %ge3A : i32
      %convert_element_type3A = arith.extui %ge3A_123 : i1 to i32
      %cond3A = arith.constant 0 : i32
      %cond3A_124 = arith.cmpi ne, %convert_element_type3A, %cond3A : i32
      scf.if %cond3A_124 {
        %dma_wait3A_303 = arith.constant 2 : i32
        %dma_wait3A_304 = arith.constant 1 : i32
        %dma_wait3A_305 = arith.constant 0 : i32
        %dma_wait3A_306 = tpu.memref_slice %arg6[%dma_wait3A_303, %dma_wait3A_304, %dma_wait3A_305] : memref<4x2x128xi32, #tpu.memory_space<vmem>> -> memref<1x1x128xi32, #tpu.memory_space<vmem>>
        %dma_wait3A_307 = tpu.memref_squeeze %dma_wait3A_306 : memref<1x1x128xi32, #tpu.memory_space<vmem>> -> memref<128xi32, #tpu.memory_space<vmem>>
        %dma_wait3A_308 = arith.constant 0 : i32
        %dma_wait3A_309 = arith.constant 0 : i32
        %dma_wait3A_310 = tpu.memref_slice %arg11[%dma_wait3A_308, %dma_wait3A_309] : memref<10112x128xf32, #tpu.memory_space<vmem_shared>> -> memref<10112x128xf32, #tpu.memory_space<vmem_shared>>
        tpu.wait_indirect_dma semaphore(%arg14 : memref<!tpu.dma_semaphore, #tpu.memory_space<semaphore_mem>>) src(%arg7 : memref<128x128xf32, #tpu.memory_space<vmem>>) dst(%dma_wait3A_310 : memref<10112x128xf32, #tpu.memory_space<vmem_shared>>)
        %dma_wait3A_311 = arith.constant 2 : i32
        %dma_wait3A_312 = arith.constant 1 : i32
        %dma_wait3A_313 = arith.constant 0 : i32
        %dma_wait3A_314 = tpu.memref_slice %arg6[%dma_wait3A_311, %dma_wait3A_312, %dma_wait3A_313] : memref<4x2x128xi32, #tpu.memory_space<vmem>> -> memref<1x1x128xi32, #tpu.memory_space<vmem>>
        %dma_wait3A_315 = tpu.memref_squeeze %dma_wait3A_314 : memref<1x1x128xi32, #tpu.memory_space<vmem>> -> memref<128xi32, #tpu.memory_space<vmem>>
        %dma_wait3A_316 = arith.constant 0 : i32
        %dma_wait3A_317 = arith.constant 0 : i32
        %dma_wait3A_318 = tpu.memref_slice %arg20[%dma_wait3A_316, %dma_wait3A_317] : memref<10112x16xf32, #tpu.memory_space<vmem_shared>> -> memref<10112x16xf32, #tpu.memory_space<vmem_shared>>
        tpu.wait_indirect_dma semaphore(%arg21 : memref<!tpu.dma_semaphore, #tpu.memory_space<semaphore_mem>>) src(%arg9 : memref<128x16xf32, #tpu.memory_space<vmem>>) dst(%dma_wait3A_318 : memref<10112x16xf32, #tpu.memory_space<vmem_shared>>)
      } else {
      }
      %add3A_125 = arith.addi %mul3A_2, %add3A_122 : i32
      %dma_wait3A_126 = arith.constant 0 : i32
      %dma_wait3A_127 = arith.constant 0 : i32
      %dma_wait3A_128 = arith.constant 0 : i32
      %dma_wait3A_129 = tpu.memref_slice %arg6[%dma_wait3A_126, %dma_wait3A_127, %dma_wait3A_128] : memref<4x2x128xi32, #tpu.memory_space<vmem>> -> memref<1x2x128xi32, #tpu.memory_space<vmem>>
      %dma_wait3A_130 = tpu.memref_squeeze %dma_wait3A_129 : memref<1x2x128xi32, #tpu.memory_space<vmem>> -> memref<2x128xi32, #tpu.memory_space<vmem>>
      %dma_wait3A_131 = arith.constant 0 : i32
      %dma_wait3A_132 = arith.constant 0 : i32
      %dma_wait3A_133 = tpu.memref_slice %arg3[%add3A_125, %dma_wait3A_131, %dma_wait3A_132] : memref<2560x2x128xi32, #tpu.memory_space<hbm>> -> memref<1x2x128xi32, #tpu.memory_space<hbm>>
      %dma_wait3A_134 = tpu.memref_squeeze %dma_wait3A_133 : memref<1x2x128xi32, #tpu.memory_space<hbm>> -> memref<2x128xi32, #tpu.memory_space<hbm>>
      %dma_wait3A_135 = arith.constant 0 : i32
      %dma_wait3A_136 = arith.constant 0 : i32
      %dma_wait3A_137 = tpu.memref_slice %arg6[%dma_wait3A_126, %dma_wait3A_135, %dma_wait3A_136] : memref<4x2x128xi32, #tpu.memory_space<vmem>> -> memref<1x2x128xi32, #tpu.memory_space<vmem>>
      %dma_wait3A_138 = tpu.memref_squeeze %dma_wait3A_137 : memref<1x2x128xi32, #tpu.memory_space<vmem>> -> memref<2x128xi32, #tpu.memory_space<vmem>>
      %dma_wait3A_139 = arith.constant 0 : i32
      %dma_wait3A_140 = arith.constant 0 : i32
      %dma_wait3A_141 = tpu.memref_slice %arg3[%add3A_125, %dma_wait3A_139, %dma_wait3A_140] : memref<2560x2x128xi32, #tpu.memory_space<hbm>> -> memref<1x2x128xi32, #tpu.memory_space<hbm>>
      %dma_wait3A_142 = tpu.memref_squeeze %dma_wait3A_141 : memref<1x2x128xi32, #tpu.memory_space<hbm>> -> memref<2x128xi32, #tpu.memory_space<hbm>>
      tpu.wait_dma2 semaphore(%arg16 : memref<!tpu.dma_semaphore, #tpu.memory_space<semaphore_mem>>) src(%dma_wait3A_142 : memref<2x128xi32, #tpu.memory_space<hbm>>) dst(%dma_wait3A_138 : memref<2x128xi32, #tpu.memory_space<vmem>>)
      %dma_start3A_143 = arith.constant 0 : i32
      %dma_start3A_144 = arith.constant 0 : i32
      %dma_start3A_145 = arith.constant 0 : i32
      %dma_start3A_146 = tpu.memref_slice %arg6[%dma_start3A_143, %dma_start3A_144, %dma_start3A_145] : memref<4x2x128xi32, #tpu.memory_space<vmem>> -> memref<1x1x128xi32, #tpu.memory_space<vmem>>
      %dma_start3A_147 = tpu.memref_squeeze %dma_start3A_146 : memref<1x1x128xi32, #tpu.memory_space<vmem>> -> memref<128xi32, #tpu.memory_space<vmem>>
      %dma_start3A_148 = arith.constant 0 : i32
      %dma_start3A_149 = arith.constant 0 : i32
      %dma_start3A_150 = tpu.memref_slice %arg2[%dma_start3A_148, %dma_start3A_149] : memref<10000x128xf32, #tpu.memory_space<hbm>> -> memref<10000x128xf32, #tpu.memory_space<hbm>>
      tpu.enqueue_indirect_dma source(%dma_start3A_150 : memref<10000x128xf32, #tpu.memory_space<hbm>>) target(%arg7 : memref<128x128xf32, #tpu.memory_space<vmem>>) offsets(%dma_start3A_147 : memref<128xi32, #tpu.memory_space<vmem>>) semaphore(%arg12 : memref<!tpu.dma_semaphore, #tpu.memory_space<semaphore_mem>>)
      %add3A_151 = arith.constant 2 : i32
      %add3A_152 = arith.addi %add3A_122, %add3A_151 : i32
      %lt3A = arith.constant 80 : i32
      %lt3A_153 = arith.cmpi slt, %add3A_152, %lt3A : i32
      %convert_element_type3A_154 = arith.extui %lt3A_153 : i1 to i32
      %cond3A_155 = arith.constant 0 : i32
      %cond3A_156 = arith.cmpi ne, %convert_element_type3A_154, %cond3A_155 : i32
      scf.if %cond3A_156 {
        %add3A_303 = arith.constant 2 : i32
        %add3A_304 = arith.addi %add3A_122, %add3A_303 : i32
        %add3A_305 = arith.addi %mul3A_2, %add3A_304 : i32
        %dma_start3A_306 = arith.constant 2 : i32
        %dma_start3A_307 = arith.constant 0 : i32
        %dma_start3A_308 = arith.constant 0 : i32
        %dma_start3A_309 = tpu.memref_slice %arg6[%dma_start3A_306, %dma_start3A_307, %dma_start3A_308] : memref<4x2x128xi32, #tpu.memory_space<vmem>> -> memref<1x2x128xi32, #tpu.memory_space<vmem>>
        %dma_start3A_310 = tpu.memref_squeeze %dma_start3A_309 : memref<1x2x128xi32, #tpu.memory_space<vmem>> -> memref<2x128xi32, #tpu.memory_space<vmem>>
        %dma_start3A_311 = arith.constant 0 : i32
        %dma_start3A_312 = arith.constant 0 : i32
        %dma_start3A_313 = tpu.memref_slice %arg3[%add3A_305, %dma_start3A_311, %dma_start3A_312] : memref<2560x2x128xi32, #tpu.memory_space<hbm>> -> memref<1x2x128xi32, #tpu.memory_space<hbm>>
        %dma_start3A_314 = tpu.memref_squeeze %dma_start3A_313 : memref<1x2x128xi32, #tpu.memory_space<hbm>> -> memref<2x128xi32, #tpu.memory_space<hbm>>
        %dma_start3A_315 = arith.constant 0 : i32
        %dma_start3A_316 = arith.constant 0 : i32
        %dma_start3A_317 = tpu.memref_slice %arg6[%dma_start3A_306, %dma_start3A_315, %dma_start3A_316] : memref<4x2x128xi32, #tpu.memory_space<vmem>> -> memref<1x2x128xi32, #tpu.memory_space<vmem>>
        %dma_start3A_318 = tpu.memref_squeeze %dma_start3A_317 : memref<1x2x128xi32, #tpu.memory_space<vmem>> -> memref<2x128xi32, #tpu.memory_space<vmem>>
        %dma_start3A_319 = arith.constant 0 : i32
        %dma_start3A_320 = arith.constant 0 : i32
        %dma_start3A_321 = tpu.memref_slice %arg3[%add3A_305, %dma_start3A_319, %dma_start3A_320] : memref<2560x2x128xi32, #tpu.memory_space<hbm>> -> memref<1x2x128xi32, #tpu.memory_space<hbm>>
        %dma_start3A_322 = tpu.memref_squeeze %dma_start3A_321 : memref<1x2x128xi32, #tpu.memory_space<hbm>> -> memref<2x128xi32, #tpu.memory_space<hbm>>
        tpu.enqueue_dma source(%dma_start3A_322 : memref<2x128xi32, #tpu.memory_space<hbm>>) target(%dma_start3A_318 : memref<2x128xi32, #tpu.memory_space<vmem>>) target_semaphore(%arg18 : memref<!tpu.dma_semaphore, #tpu.memory_space<semaphore_mem>>)
      } else {
      }
      %ge3A_157 = arith.constant 1 : i32
      %ge3A_158 = arith.cmpi sge, %add3A_122, %ge3A_157 : i32
      %convert_element_type3A_159 = arith.extui %ge3A_158 : i1 to i32
      %cond3A_160 = arith.constant 0 : i32
      %cond3A_161 = arith.cmpi ne, %convert_element_type3A_159, %cond3A_160 : i32
      scf.if %cond3A_161 {
        %dma_wait3A_303 = arith.constant 3 : i32
        %dma_wait3A_304 = arith.constant 0 : i32
        %dma_wait3A_305 = arith.constant 0 : i32
        %dma_wait3A_306 = tpu.memref_slice %arg6[%dma_wait3A_303, %dma_wait3A_304, %dma_wait3A_305] : memref<4x2x128xi32, #tpu.memory_space<vmem>> -> memref<1x1x128xi32, #tpu.memory_space<vmem>>
        %dma_wait3A_307 = tpu.memref_squeeze %dma_wait3A_306 : memref<1x1x128xi32, #tpu.memory_space<vmem>> -> memref<128xi32, #tpu.memory_space<vmem>>
        %dma_wait3A_308 = arith.constant 0 : i32
        %dma_wait3A_309 = arith.constant 0 : i32
        %dma_wait3A_310 = tpu.memref_slice %arg2[%dma_wait3A_308, %dma_wait3A_309] : memref<10000x128xf32, #tpu.memory_space<hbm>> -> memref<10000x128xf32, #tpu.memory_space<hbm>>
        tpu.wait_indirect_dma semaphore(%arg13 : memref<!tpu.dma_semaphore, #tpu.memory_space<semaphore_mem>>) src(%dma_wait3A_310 : memref<10000x128xf32, #tpu.memory_space<hbm>>) dst(%arg8 : memref<128x128xf32, #tpu.memory_space<vmem>>)
        %dma_start3A_311 = arith.constant 3 : i32
        %dma_start3A_312 = arith.constant 1 : i32
        %dma_start3A_313 = arith.constant 0 : i32
        %dma_start3A_314 = tpu.memref_slice %arg6[%dma_start3A_311, %dma_start3A_312, %dma_start3A_313] : memref<4x2x128xi32, #tpu.memory_space<vmem>> -> memref<1x1x128xi32, #tpu.memory_space<vmem>>
        %dma_start3A_315 = tpu.memref_squeeze %dma_start3A_314 : memref<1x1x128xi32, #tpu.memory_space<vmem>> -> memref<128xi32, #tpu.memory_space<vmem>>
        %dma_start3A_316 = arith.constant 0 : i32
        %dma_start3A_317 = arith.constant 0 : i32
        %dma_start3A_318 = tpu.memref_slice %arg11[%dma_start3A_316, %dma_start3A_317] : memref<10112x128xf32, #tpu.memory_space<vmem_shared>> -> memref<10112x128xf32, #tpu.memory_space<vmem_shared>>
        tpu.enqueue_indirect_dma source(%arg8 : memref<128x128xf32, #tpu.memory_space<vmem>>) target(%dma_start3A_318 : memref<10112x128xf32, #tpu.memory_space<vmem_shared>>) offsets(%dma_start3A_315 : memref<128xi32, #tpu.memory_space<vmem>>) semaphore(%arg15 : memref<!tpu.dma_semaphore, #tpu.memory_space<semaphore_mem>>) {add = true}
        %dma_start3A_319 = arith.constant 3 : i32
        %dma_start3A_320 = arith.constant 1 : i32
        %dma_start3A_321 = arith.constant 0 : i32
        %dma_start3A_322 = tpu.memref_slice %arg6[%dma_start3A_319, %dma_start3A_320, %dma_start3A_321] : memref<4x2x128xi32, #tpu.memory_space<vmem>> -> memref<1x1x128xi32, #tpu.memory_space<vmem>>
        %dma_start3A_323 = tpu.memref_squeeze %dma_start3A_322 : memref<1x1x128xi32, #tpu.memory_space<vmem>> -> memref<128xi32, #tpu.memory_space<vmem>>
        %dma_start3A_324 = arith.constant 0 : i32
        %dma_start3A_325 = arith.constant 0 : i32
        %dma_start3A_326 = tpu.memref_slice %arg20[%dma_start3A_324, %dma_start3A_325] : memref<10112x16xf32, #tpu.memory_space<vmem_shared>> -> memref<10112x16xf32, #tpu.memory_space<vmem_shared>>
        tpu.enqueue_indirect_dma source(%arg9 : memref<128x16xf32, #tpu.memory_space<vmem>>) target(%dma_start3A_326 : memref<10112x16xf32, #tpu.memory_space<vmem_shared>>) offsets(%dma_start3A_323 : memref<128xi32, #tpu.memory_space<vmem>>) semaphore(%arg22 : memref<!tpu.dma_semaphore, #tpu.memory_space<semaphore_mem>>) {add = true}
      } else {
      }
      %mul3A_162 = arith.constant 4 : i32
      %mul3A_163 = arith.muli %scan3A_118, %mul3A_162 : i32
      %add3A_164 = arith.constant 1 : i32
      %add3A_165 = arith.addi %mul3A_163, %add3A_164 : i32
      %ge3A_166 = arith.constant 2 : i32
      %ge3A_167 = arith.cmpi sge, %add3A_165, %ge3A_166 : i32
      %convert_element_type3A_168 = arith.extui %ge3A_167 : i1 to i32
      %cond3A_169 = arith.constant 0 : i32
      %cond3A_170 = arith.cmpi ne, %convert_element_type3A_168, %cond3A_169 : i32
      scf.if %cond3A_170 {
        %dma_wait3A_303 = arith.constant 3 : i32
        %dma_wait3A_304 = arith.constant 1 : i32
        %dma_wait3A_305 = arith.constant 0 : i32
        %dma_wait3A_306 = tpu.memref_slice %arg6[%dma_wait3A_303, %dma_wait3A_304, %dma_wait3A_305] : memref<4x2x128xi32, #tpu.memory_space<vmem>> -> memref<1x1x128xi32, #tpu.memory_space<vmem>>
        %dma_wait3A_307 = tpu.memref_squeeze %dma_wait3A_306 : memref<1x1x128xi32, #tpu.memory_space<vmem>> -> memref<128xi32, #tpu.memory_space<vmem>>
        %dma_wait3A_308 = arith.constant 0 : i32
        %dma_wait3A_309 = arith.constant 0 : i32
        %dma_wait3A_310 = tpu.memref_slice %arg11[%dma_wait3A_308, %dma_wait3A_309] : memref<10112x128xf32, #tpu.memory_space<vmem_shared>> -> memref<10112x128xf32, #tpu.memory_space<vmem_shared>>
        tpu.wait_indirect_dma semaphore(%arg15 : memref<!tpu.dma_semaphore, #tpu.memory_space<semaphore_mem>>) src(%arg8 : memref<128x128xf32, #tpu.memory_space<vmem>>) dst(%dma_wait3A_310 : memref<10112x128xf32, #tpu.memory_space<vmem_shared>>)
        %dma_wait3A_311 = arith.constant 3 : i32
        %dma_wait3A_312 = arith.constant 1 : i32
        %dma_wait3A_313 = arith.constant 0 : i32
        %dma_wait3A_314 = tpu.memref_slice %arg6[%dma_wait3A_311, %dma_wait3A_312, %dma_wait3A_313] : memref<4x2x128xi32, #tpu.memory_space<vmem>> -> memref<1x1x128xi32, #tpu.memory_space<vmem>>
        %dma_wait3A_315 = tpu.memref_squeeze %dma_wait3A_314 : memref<1x1x128xi32, #tpu.memory_space<vmem>> -> memref<128xi32, #tpu.memory_space<vmem>>
        %dma_wait3A_316 = arith.constant 0 : i32
        %dma_wait3A_317 = arith.constant 0 : i32
        %dma_wait3A_318 = tpu.memref_slice %arg20[%dma_wait3A_316, %dma_wait3A_317] : memref<10112x16xf32, #tpu.memory_space<vmem_shared>> -> memref<10112x16xf32, #tpu.memory_space<vmem_shared>>
        tpu.wait_indirect_dma semaphore(%arg22 : memref<!tpu.dma_semaphore, #tpu.memory_space<semaphore_mem>>) src(%arg9 : memref<128x16xf32, #tpu.memory_space<vmem>>) dst(%dma_wait3A_318 : memref<10112x16xf32, #tpu.memory_space<vmem_shared>>)
      } else {
      }
      %add3A_171 = arith.addi %mul3A_2, %add3A_165 : i32
      %dma_wait3A_172 = arith.constant 1 : i32
      %dma_wait3A_173 = arith.constant 0 : i32
      %dma_wait3A_174 = arith.constant 0 : i32
      %dma_wait3A_175 = tpu.memref_slice %arg6[%dma_wait3A_172, %dma_wait3A_173, %dma_wait3A_174] : memref<4x2x128xi32, #tpu.memory_space<vmem>> -> memref<1x2x128xi32, #tpu.memory_space<vmem>>
      %dma_wait3A_176 = tpu.memref_squeeze %dma_wait3A_175 : memref<1x2x128xi32, #tpu.memory_space<vmem>> -> memref<2x128xi32, #tpu.memory_space<vmem>>
      %dma_wait3A_177 = arith.constant 0 : i32
      %dma_wait3A_178 = arith.constant 0 : i32
      %dma_wait3A_179 = tpu.memref_slice %arg3[%add3A_171, %dma_wait3A_177, %dma_wait3A_178] : memref<2560x2x128xi32, #tpu.memory_space<hbm>> -> memref<1x2x128xi32, #tpu.memory_space<hbm>>
      %dma_wait3A_180 = tpu.memref_squeeze %dma_wait3A_179 : memref<1x2x128xi32, #tpu.memory_space<hbm>> -> memref<2x128xi32, #tpu.memory_space<hbm>>
      %dma_wait3A_181 = arith.constant 0 : i32
      %dma_wait3A_182 = arith.constant 0 : i32
      %dma_wait3A_183 = tpu.memref_slice %arg6[%dma_wait3A_172, %dma_wait3A_181, %dma_wait3A_182] : memref<4x2x128xi32, #tpu.memory_space<vmem>> -> memref<1x2x128xi32, #tpu.memory_space<vmem>>
      %dma_wait3A_184 = tpu.memref_squeeze %dma_wait3A_183 : memref<1x2x128xi32, #tpu.memory_space<vmem>> -> memref<2x128xi32, #tpu.memory_space<vmem>>
      %dma_wait3A_185 = arith.constant 0 : i32
      %dma_wait3A_186 = arith.constant 0 : i32
      %dma_wait3A_187 = tpu.memref_slice %arg3[%add3A_171, %dma_wait3A_185, %dma_wait3A_186] : memref<2560x2x128xi32, #tpu.memory_space<hbm>> -> memref<1x2x128xi32, #tpu.memory_space<hbm>>
      %dma_wait3A_188 = tpu.memref_squeeze %dma_wait3A_187 : memref<1x2x128xi32, #tpu.memory_space<hbm>> -> memref<2x128xi32, #tpu.memory_space<hbm>>
      tpu.wait_dma2 semaphore(%arg17 : memref<!tpu.dma_semaphore, #tpu.memory_space<semaphore_mem>>) src(%dma_wait3A_188 : memref<2x128xi32, #tpu.memory_space<hbm>>) dst(%dma_wait3A_184 : memref<2x128xi32, #tpu.memory_space<vmem>>)
      %dma_start3A_189 = arith.constant 1 : i32
      %dma_start3A_190 = arith.constant 0 : i32
      %dma_start3A_191 = arith.constant 0 : i32
      %dma_start3A_192 = tpu.memref_slice %arg6[%dma_start3A_189, %dma_start3A_190, %dma_start3A_191] : memref<4x2x128xi32, #tpu.memory_space<vmem>> -> memref<1x1x128xi32, #tpu.memory_space<vmem>>
      %dma_start3A_193 = tpu.memref_squeeze %dma_start3A_192 : memref<1x1x128xi32, #tpu.memory_space<vmem>> -> memref<128xi32, #tpu.memory_space<vmem>>
      %dma_start3A_194 = arith.constant 0 : i32
      %dma_start3A_195 = arith.constant 0 : i32
      %dma_start3A_196 = tpu.memref_slice %arg2[%dma_start3A_194, %dma_start3A_195] : memref<10000x128xf32, #tpu.memory_space<hbm>> -> memref<10000x128xf32, #tpu.memory_space<hbm>>
      tpu.enqueue_indirect_dma source(%dma_start3A_196 : memref<10000x128xf32, #tpu.memory_space<hbm>>) target(%arg8 : memref<128x128xf32, #tpu.memory_space<vmem>>) offsets(%dma_start3A_193 : memref<128xi32, #tpu.memory_space<vmem>>) semaphore(%arg13 : memref<!tpu.dma_semaphore, #tpu.memory_space<semaphore_mem>>)
      %add3A_197 = arith.constant 2 : i32
      %add3A_198 = arith.addi %add3A_165, %add3A_197 : i32
      %lt3A_199 = arith.constant 80 : i32
      %lt3A_200 = arith.cmpi slt, %add3A_198, %lt3A_199 : i32
      %convert_element_type3A_201 = arith.extui %lt3A_200 : i1 to i32
      %cond3A_202 = arith.constant 0 : i32
      %cond3A_203 = arith.cmpi ne, %convert_element_type3A_201, %cond3A_202 : i32
      scf.if %cond3A_203 {
        %add3A_303 = arith.constant 2 : i32
        %add3A_304 = arith.addi %add3A_165, %add3A_303 : i32
        %add3A_305 = arith.addi %mul3A_2, %add3A_304 : i32
        %dma_start3A_306 = arith.constant 3 : i32
        %dma_start3A_307 = arith.constant 0 : i32
        %dma_start3A_308 = arith.constant 0 : i32
        %dma_start3A_309 = tpu.memref_slice %arg6[%dma_start3A_306, %dma_start3A_307, %dma_start3A_308] : memref<4x2x128xi32, #tpu.memory_space<vmem>> -> memref<1x2x128xi32, #tpu.memory_space<vmem>>
        %dma_start3A_310 = tpu.memref_squeeze %dma_start3A_309 : memref<1x2x128xi32, #tpu.memory_space<vmem>> -> memref<2x128xi32, #tpu.memory_space<vmem>>
        %dma_start3A_311 = arith.constant 0 : i32
        %dma_start3A_312 = arith.constant 0 : i32
        %dma_start3A_313 = tpu.memref_slice %arg3[%add3A_305, %dma_start3A_311, %dma_start3A_312] : memref<2560x2x128xi32, #tpu.memory_space<hbm>> -> memref<1x2x128xi32, #tpu.memory_space<hbm>>
        %dma_start3A_314 = tpu.memref_squeeze %dma_start3A_313 : memref<1x2x128xi32, #tpu.memory_space<hbm>> -> memref<2x128xi32, #tpu.memory_space<hbm>>
        %dma_start3A_315 = arith.constant 0 : i32
        %dma_start3A_316 = arith.constant 0 : i32
        %dma_start3A_317 = tpu.memref_slice %arg6[%dma_start3A_306, %dma_start3A_315, %dma_start3A_316] : memref<4x2x128xi32, #tpu.memory_space<vmem>> -> memref<1x2x128xi32, #tpu.memory_space<vmem>>
        %dma_start3A_318 = tpu.memref_squeeze %dma_start3A_317 : memref<1x2x128xi32, #tpu.memory_space<vmem>> -> memref<2x128xi32, #tpu.memory_space<vmem>>
        %dma_start3A_319 = arith.constant 0 : i32
        %dma_start3A_320 = arith.constant 0 : i32
        %dma_start3A_321 = tpu.memref_slice %arg3[%add3A_305, %dma_start3A_319, %dma_start3A_320] : memref<2560x2x128xi32, #tpu.memory_space<hbm>> -> memref<1x2x128xi32, #tpu.memory_space<hbm>>
        %dma_start3A_322 = tpu.memref_squeeze %dma_start3A_321 : memref<1x2x128xi32, #tpu.memory_space<hbm>> -> memref<2x128xi32, #tpu.memory_space<hbm>>
        tpu.enqueue_dma source(%dma_start3A_322 : memref<2x128xi32, #tpu.memory_space<hbm>>) target(%dma_start3A_318 : memref<2x128xi32, #tpu.memory_space<vmem>>) target_semaphore(%arg19 : memref<!tpu.dma_semaphore, #tpu.memory_space<semaphore_mem>>)
      } else {
      }
      %ge3A_204 = arith.constant 1 : i32
      %ge3A_205 = arith.cmpi sge, %add3A_165, %ge3A_204 : i32
      %convert_element_type3A_206 = arith.extui %ge3A_205 : i1 to i32
      %cond3A_207 = arith.constant 0 : i32
      %cond3A_208 = arith.cmpi ne, %convert_element_type3A_206, %cond3A_207 : i32
      scf.if %cond3A_208 {
        %dma_wait3A_303 = arith.constant 0 : i32
        %dma_wait3A_304 = arith.constant 0 : i32
        %dma_wait3A_305 = arith.constant 0 : i32
        %dma_wait3A_306 = tpu.memref_slice %arg6[%dma_wait3A_303, %dma_wait3A_304, %dma_wait3A_305] : memref<4x2x128xi32, #tpu.memory_space<vmem>> -> memref<1x1x128xi32, #tpu.memory_space<vmem>>
        %dma_wait3A_307 = tpu.memref_squeeze %dma_wait3A_306 : memref<1x1x128xi32, #tpu.memory_space<vmem>> -> memref<128xi32, #tpu.memory_space<vmem>>
        %dma_wait3A_308 = arith.constant 0 : i32
        %dma_wait3A_309 = arith.constant 0 : i32
        %dma_wait3A_310 = tpu.memref_slice %arg2[%dma_wait3A_308, %dma_wait3A_309] : memref<10000x128xf32, #tpu.memory_space<hbm>> -> memref<10000x128xf32, #tpu.memory_space<hbm>>
        tpu.wait_indirect_dma semaphore(%arg12 : memref<!tpu.dma_semaphore, #tpu.memory_space<semaphore_mem>>) src(%dma_wait3A_310 : memref<10000x128xf32, #tpu.memory_space<hbm>>) dst(%arg7 : memref<128x128xf32, #tpu.memory_space<vmem>>)
        %dma_start3A_311 = arith.constant 0 : i32
        %dma_start3A_312 = arith.constant 1 : i32
        %dma_start3A_313 = arith.constant 0 : i32
        %dma_start3A_314 = tpu.memref_slice %arg6[%dma_start3A_311, %dma_start3A_312, %dma_start3A_313] : memref<4x2x128xi32, #tpu.memory_space<vmem>> -> memref<1x1x128xi32, #tpu.memory_space<vmem>>
        %dma_start3A_315 = tpu.memref_squeeze %dma_start3A_314 : memref<1x1x128xi32, #tpu.memory_space<vmem>> -> memref<128xi32, #tpu.memory_space<vmem>>
        %dma_start3A_316 = arith.constant 0 : i32
        %dma_start3A_317 = arith.constant 0 : i32
        %dma_start3A_318 = tpu.memref_slice %arg11[%dma_start3A_316, %dma_start3A_317] : memref<10112x128xf32, #tpu.memory_space<vmem_shared>> -> memref<10112x128xf32, #tpu.memory_space<vmem_shared>>
        tpu.enqueue_indirect_dma source(%arg7 : memref<128x128xf32, #tpu.memory_space<vmem>>) target(%dma_start3A_318 : memref<10112x128xf32, #tpu.memory_space<vmem_shared>>) offsets(%dma_start3A_315 : memref<128xi32, #tpu.memory_space<vmem>>) semaphore(%arg14 : memref<!tpu.dma_semaphore, #tpu.memory_space<semaphore_mem>>) {add = true}
        %dma_start3A_319 = arith.constant 0 : i32
        %dma_start3A_320 = arith.constant 1 : i32
        %dma_start3A_321 = arith.constant 0 : i32
        %dma_start3A_322 = tpu.memref_slice %arg6[%dma_start3A_319, %dma_start3A_320, %dma_start3A_321] : memref<4x2x128xi32, #tpu.memory_space<vmem>> -> memref<1x1x128xi32, #tpu.memory_space<vmem>>
        %dma_start3A_323 = tpu.memref_squeeze %dma_start3A_322 : memref<1x1x128xi32, #tpu.memory_space<vmem>> -> memref<128xi32, #tpu.memory_space<vmem>>
        %dma_start3A_324 = arith.constant 0 : i32
        %dma_start3A_325 = arith.constant 0 : i32
        %dma_start3A_326 = tpu.memref_slice %arg20[%dma_start3A_324, %dma_start3A_325] : memref<10112x16xf32, #tpu.memory_space<vmem_shared>> -> memref<10112x16xf32, #tpu.memory_space<vmem_shared>>
        tpu.enqueue_indirect_dma source(%arg9 : memref<128x16xf32, #tpu.memory_space<vmem>>) target(%dma_start3A_326 : memref<10112x16xf32, #tpu.memory_space<vmem_shared>>) offsets(%dma_start3A_323 : memref<128xi32, #tpu.memory_space<vmem>>) semaphore(%arg21 : memref<!tpu.dma_semaphore, #tpu.memory_space<semaphore_mem>>) {add = true}
      } else {
      }
      %mul3A_209 = arith.constant 4 : i32
      %mul3A_210 = arith.muli %scan3A_118, %mul3A_209 : i32
      %add3A_211 = arith.constant 2 : i32
      %add3A_212 = arith.addi %mul3A_210, %add3A_211 : i32
      %ge3A_213 = arith.constant 2 : i32
      %ge3A_214 = arith.cmpi sge, %add3A_212, %ge3A_213 : i32
      %convert_element_type3A_215 = arith.extui %ge3A_214 : i1 to i32
      %cond3A_216 = arith.constant 0 : i32
      %cond3A_217 = arith.cmpi ne, %convert_element_type3A_215, %cond3A_216 : i32
      scf.if %cond3A_217 {
        %dma_wait3A_303 = arith.constant 0 : i32
        %dma_wait3A_304 = arith.constant 1 : i32
        %dma_wait3A_305 = arith.constant 0 : i32
        %dma_wait3A_306 = tpu.memref_slice %arg6[%dma_wait3A_303, %dma_wait3A_304, %dma_wait3A_305] : memref<4x2x128xi32, #tpu.memory_space<vmem>> -> memref<1x1x128xi32, #tpu.memory_space<vmem>>
        %dma_wait3A_307 = tpu.memref_squeeze %dma_wait3A_306 : memref<1x1x128xi32, #tpu.memory_space<vmem>> -> memref<128xi32, #tpu.memory_space<vmem>>
        %dma_wait3A_308 = arith.constant 0 : i32
        %dma_wait3A_309 = arith.constant 0 : i32
        %dma_wait3A_310 = tpu.memref_slice %arg11[%dma_wait3A_308, %dma_wait3A_309] : memref<10112x128xf32, #tpu.memory_space<vmem_shared>> -> memref<10112x128xf32, #tpu.memory_space<vmem_shared>>
        tpu.wait_indirect_dma semaphore(%arg14 : memref<!tpu.dma_semaphore, #tpu.memory_space<semaphore_mem>>) src(%arg7 : memref<128x128xf32, #tpu.memory_space<vmem>>) dst(%dma_wait3A_310 : memref<10112x128xf32, #tpu.memory_space<vmem_shared>>)
        %dma_wait3A_311 = arith.constant 0 : i32
        %dma_wait3A_312 = arith.constant 1 : i32
        %dma_wait3A_313 = arith.constant 0 : i32
        %dma_wait3A_314 = tpu.memref_slice %arg6[%dma_wait3A_311, %dma_wait3A_312, %dma_wait3A_313] : memref<4x2x128xi32, #tpu.memory_space<vmem>> -> memref<1x1x128xi32, #tpu.memory_space<vmem>>
        %dma_wait3A_315 = tpu.memref_squeeze %dma_wait3A_314 : memref<1x1x128xi32, #tpu.memory_space<vmem>> -> memref<128xi32, #tpu.memory_space<vmem>>
        %dma_wait3A_316 = arith.constant 0 : i32
        %dma_wait3A_317 = arith.constant 0 : i32
        %dma_wait3A_318 = tpu.memref_slice %arg20[%dma_wait3A_316, %dma_wait3A_317] : memref<10112x16xf32, #tpu.memory_space<vmem_shared>> -> memref<10112x16xf32, #tpu.memory_space<vmem_shared>>
        tpu.wait_indirect_dma semaphore(%arg21 : memref<!tpu.dma_semaphore, #tpu.memory_space<semaphore_mem>>) src(%arg9 : memref<128x16xf32, #tpu.memory_space<vmem>>) dst(%dma_wait3A_318 : memref<10112x16xf32, #tpu.memory_space<vmem_shared>>)
      } else {
      }
      %add3A_218 = arith.addi %mul3A_2, %add3A_212 : i32
      %dma_wait3A_219 = arith.constant 2 : i32
      %dma_wait3A_220 = arith.constant 0 : i32
      %dma_wait3A_221 = arith.constant 0 : i32
      %dma_wait3A_222 = tpu.memref_slice %arg6[%dma_wait3A_219, %dma_wait3A_220, %dma_wait3A_221] : memref<4x2x128xi32, #tpu.memory_space<vmem>> -> memref<1x2x128xi32, #tpu.memory_space<vmem>>
      %dma_wait3A_223 = tpu.memref_squeeze %dma_wait3A_222 : memref<1x2x128xi32, #tpu.memory_space<vmem>> -> memref<2x128xi32, #tpu.memory_space<vmem>>
      %dma_wait3A_224 = arith.constant 0 : i32
      %dma_wait3A_225 = arith.constant 0 : i32
      %dma_wait3A_226 = tpu.memref_slice %arg3[%add3A_218, %dma_wait3A_224, %dma_wait3A_225] : memref<2560x2x128xi32, #tpu.memory_space<hbm>> -> memref<1x2x128xi32, #tpu.memory_space<hbm>>
      %dma_wait3A_227 = tpu.memref_squeeze %dma_wait3A_226 : memref<1x2x128xi32, #tpu.memory_space<hbm>> -> memref<2x128xi32, #tpu.memory_space<hbm>>
      %dma_wait3A_228 = arith.constant 0 : i32
      %dma_wait3A_229 = arith.constant 0 : i32
      %dma_wait3A_230 = tpu.memref_slice %arg6[%dma_wait3A_219, %dma_wait3A_228, %dma_wait3A_229] : memref<4x2x128xi32, #tpu.memory_space<vmem>> -> memref<1x2x128xi32, #tpu.memory_space<vmem>>
      %dma_wait3A_231 = tpu.memref_squeeze %dma_wait3A_230 : memref<1x2x128xi32, #tpu.memory_space<vmem>> -> memref<2x128xi32, #tpu.memory_space<vmem>>
      %dma_wait3A_232 = arith.constant 0 : i32
      %dma_wait3A_233 = arith.constant 0 : i32
      %dma_wait3A_234 = tpu.memref_slice %arg3[%add3A_218, %dma_wait3A_232, %dma_wait3A_233] : memref<2560x2x128xi32, #tpu.memory_space<hbm>> -> memref<1x2x128xi32, #tpu.memory_space<hbm>>
      %dma_wait3A_235 = tpu.memref_squeeze %dma_wait3A_234 : memref<1x2x128xi32, #tpu.memory_space<hbm>> -> memref<2x128xi32, #tpu.memory_space<hbm>>
      tpu.wait_dma2 semaphore(%arg18 : memref<!tpu.dma_semaphore, #tpu.memory_space<semaphore_mem>>) src(%dma_wait3A_235 : memref<2x128xi32, #tpu.memory_space<hbm>>) dst(%dma_wait3A_231 : memref<2x128xi32, #tpu.memory_space<vmem>>)
      %dma_start3A_236 = arith.constant 2 : i32
      %dma_start3A_237 = arith.constant 0 : i32
      %dma_start3A_238 = arith.constant 0 : i32
      %dma_start3A_239 = tpu.memref_slice %arg6[%dma_start3A_236, %dma_start3A_237, %dma_start3A_238] : memref<4x2x128xi32, #tpu.memory_space<vmem>> -> memref<1x1x128xi32, #tpu.memory_space<vmem>>
      %dma_start3A_240 = tpu.memref_squeeze %dma_start3A_239 : memref<1x1x128xi32, #tpu.memory_space<vmem>> -> memref<128xi32, #tpu.memory_space<vmem>>
      %dma_start3A_241 = arith.constant 0 : i32
      %dma_start3A_242 = arith.constant 0 : i32
      %dma_start3A_243 = tpu.memref_slice %arg2[%dma_start3A_241, %dma_start3A_242] : memref<10000x128xf32, #tpu.memory_space<hbm>> -> memref<10000x128xf32, #tpu.memory_space<hbm>>
      tpu.enqueue_indirect_dma source(%dma_start3A_243 : memref<10000x128xf32, #tpu.memory_space<hbm>>) target(%arg7 : memref<128x128xf32, #tpu.memory_space<vmem>>) offsets(%dma_start3A_240 : memref<128xi32, #tpu.memory_space<vmem>>) semaphore(%arg12 : memref<!tpu.dma_semaphore, #tpu.memory_space<semaphore_mem>>)
      %add3A_244 = arith.constant 2 : i32
      %add3A_245 = arith.addi %add3A_212, %add3A_244 : i32
      %lt3A_246 = arith.constant 80 : i32
      %lt3A_247 = arith.cmpi slt, %add3A_245, %lt3A_246 : i32
      %convert_element_type3A_248 = arith.extui %lt3A_247 : i1 to i32
      %cond3A_249 = arith.constant 0 : i32
      %cond3A_250 = arith.cmpi ne, %convert_element_type3A_248, %cond3A_249 : i32
      scf.if %cond3A_250 {
        %add3A_303 = arith.constant 2 : i32
        %add3A_304 = arith.addi %add3A_212, %add3A_303 : i32
        %add3A_305 = arith.addi %mul3A_2, %add3A_304 : i32
        %dma_start3A_306 = arith.constant 0 : i32
        %dma_start3A_307 = arith.constant 0 : i32
        %dma_start3A_308 = arith.constant 0 : i32
        %dma_start3A_309 = tpu.memref_slice %arg6[%dma_start3A_306, %dma_start3A_307, %dma_start3A_308] : memref<4x2x128xi32, #tpu.memory_space<vmem>> -> memref<1x2x128xi32, #tpu.memory_space<vmem>>
        %dma_start3A_310 = tpu.memref_squeeze %dma_start3A_309 : memref<1x2x128xi32, #tpu.memory_space<vmem>> -> memref<2x128xi32, #tpu.memory_space<vmem>>
        %dma_start3A_311 = arith.constant 0 : i32
        %dma_start3A_312 = arith.constant 0 : i32
        %dma_start3A_313 = tpu.memref_slice %arg3[%add3A_305, %dma_start3A_311, %dma_start3A_312] : memref<2560x2x128xi32, #tpu.memory_space<hbm>> -> memref<1x2x128xi32, #tpu.memory_space<hbm>>
        %dma_start3A_314 = tpu.memref_squeeze %dma_start3A_313 : memref<1x2x128xi32, #tpu.memory_space<hbm>> -> memref<2x128xi32, #tpu.memory_space<hbm>>
        %dma_start3A_315 = arith.constant 0 : i32
        %dma_start3A_316 = arith.constant 0 : i32
        %dma_start3A_317 = tpu.memref_slice %arg6[%dma_start3A_306, %dma_start3A_315, %dma_start3A_316] : memref<4x2x128xi32, #tpu.memory_space<vmem>> -> memref<1x2x128xi32, #tpu.memory_space<vmem>>
        %dma_start3A_318 = tpu.memref_squeeze %dma_start3A_317 : memref<1x2x128xi32, #tpu.memory_space<vmem>> -> memref<2x128xi32, #tpu.memory_space<vmem>>
        %dma_start3A_319 = arith.constant 0 : i32
        %dma_start3A_320 = arith.constant 0 : i32
        %dma_start3A_321 = tpu.memref_slice %arg3[%add3A_305, %dma_start3A_319, %dma_start3A_320] : memref<2560x2x128xi32, #tpu.memory_space<hbm>> -> memref<1x2x128xi32, #tpu.memory_space<hbm>>
        %dma_start3A_322 = tpu.memref_squeeze %dma_start3A_321 : memref<1x2x128xi32, #tpu.memory_space<hbm>> -> memref<2x128xi32, #tpu.memory_space<hbm>>
        tpu.enqueue_dma source(%dma_start3A_322 : memref<2x128xi32, #tpu.memory_space<hbm>>) target(%dma_start3A_318 : memref<2x128xi32, #tpu.memory_space<vmem>>) target_semaphore(%arg16 : memref<!tpu.dma_semaphore, #tpu.memory_space<semaphore_mem>>)
      } else {
      }
      %ge3A_251 = arith.constant 1 : i32
      %ge3A_252 = arith.cmpi sge, %add3A_212, %ge3A_251 : i32
      %convert_element_type3A_253 = arith.extui %ge3A_252 : i1 to i32
      %cond3A_254 = arith.constant 0 : i32
      %cond3A_255 = arith.cmpi ne, %convert_element_type3A_253, %cond3A_254 : i32
      scf.if %cond3A_255 {
        %dma_wait3A_303 = arith.constant 1 : i32
        %dma_wait3A_304 = arith.constant 0 : i32
        %dma_wait3A_305 = arith.constant 0 : i32
        %dma_wait3A_306 = tpu.memref_slice %arg6[%dma_wait3A_303, %dma_wait3A_304, %dma_wait3A_305] : memref<4x2x128xi32, #tpu.memory_space<vmem>> -> memref<1x1x128xi32, #tpu.memory_space<vmem>>
        %dma_wait3A_307 = tpu.memref_squeeze %dma_wait3A_306 : memref<1x1x128xi32, #tpu.memory_space<vmem>> -> memref<128xi32, #tpu.memory_space<vmem>>
        %dma_wait3A_308 = arith.constant 0 : i32
        %dma_wait3A_309 = arith.constant 0 : i32
        %dma_wait3A_310 = tpu.memref_slice %arg2[%dma_wait3A_308, %dma_wait3A_309] : memref<10000x128xf32, #tpu.memory_space<hbm>> -> memref<10000x128xf32, #tpu.memory_space<hbm>>
        tpu.wait_indirect_dma semaphore(%arg13 : memref<!tpu.dma_semaphore, #tpu.memory_space<semaphore_mem>>) src(%dma_wait3A_310 : memref<10000x128xf32, #tpu.memory_space<hbm>>) dst(%arg8 : memref<128x128xf32, #tpu.memory_space<vmem>>)
        %dma_start3A_311 = arith.constant 1 : i32
        %dma_start3A_312 = arith.constant 1 : i32
        %dma_start3A_313 = arith.constant 0 : i32
        %dma_start3A_314 = tpu.memref_slice %arg6[%dma_start3A_311, %dma_start3A_312, %dma_start3A_313] : memref<4x2x128xi32, #tpu.memory_space<vmem>> -> memref<1x1x128xi32, #tpu.memory_space<vmem>>
        %dma_start3A_315 = tpu.memref_squeeze %dma_start3A_314 : memref<1x1x128xi32, #tpu.memory_space<vmem>> -> memref<128xi32, #tpu.memory_space<vmem>>
        %dma_start3A_316 = arith.constant 0 : i32
        %dma_start3A_317 = arith.constant 0 : i32
        %dma_start3A_318 = tpu.memref_slice %arg11[%dma_start3A_316, %dma_start3A_317] : memref<10112x128xf32, #tpu.memory_space<vmem_shared>> -> memref<10112x128xf32, #tpu.memory_space<vmem_shared>>
        tpu.enqueue_indirect_dma source(%arg8 : memref<128x128xf32, #tpu.memory_space<vmem>>) target(%dma_start3A_318 : memref<10112x128xf32, #tpu.memory_space<vmem_shared>>) offsets(%dma_start3A_315 : memref<128xi32, #tpu.memory_space<vmem>>) semaphore(%arg15 : memref<!tpu.dma_semaphore, #tpu.memory_space<semaphore_mem>>) {add = true}
        %dma_start3A_319 = arith.constant 1 : i32
        %dma_start3A_320 = arith.constant 1 : i32
        %dma_start3A_321 = arith.constant 0 : i32
        %dma_start3A_322 = tpu.memref_slice %arg6[%dma_start3A_319, %dma_start3A_320, %dma_start3A_321] : memref<4x2x128xi32, #tpu.memory_space<vmem>> -> memref<1x1x128xi32, #tpu.memory_space<vmem>>
        %dma_start3A_323 = tpu.memref_squeeze %dma_start3A_322 : memref<1x1x128xi32, #tpu.memory_space<vmem>> -> memref<128xi32, #tpu.memory_space<vmem>>
        %dma_start3A_324 = arith.constant 0 : i32
        %dma_start3A_325 = arith.constant 0 : i32
        %dma_start3A_326 = tpu.memref_slice %arg20[%dma_start3A_324, %dma_start3A_325] : memref<10112x16xf32, #tpu.memory_space<vmem_shared>> -> memref<10112x16xf32, #tpu.memory_space<vmem_shared>>
        tpu.enqueue_indirect_dma source(%arg9 : memref<128x16xf32, #tpu.memory_space<vmem>>) target(%dma_start3A_326 : memref<10112x16xf32, #tpu.memory_space<vmem_shared>>) offsets(%dma_start3A_323 : memref<128xi32, #tpu.memory_space<vmem>>) semaphore(%arg22 : memref<!tpu.dma_semaphore, #tpu.memory_space<semaphore_mem>>) {add = true}
      } else {
      }
      %mul3A_256 = arith.constant 4 : i32
      %mul3A_257 = arith.muli %scan3A_118, %mul3A_256 : i32
      %add3A_258 = arith.constant 3 : i32
      %add3A_259 = arith.addi %mul3A_257, %add3A_258 : i32
      %ge3A_260 = arith.constant 2 : i32
      %ge3A_261 = arith.cmpi sge, %add3A_259, %ge3A_260 : i32
      %convert_element_type3A_262 = arith.extui %ge3A_261 : i1 to i32
      %cond3A_263 = arith.constant 0 : i32
      %cond3A_264 = arith.cmpi ne, %convert_element_type3A_262, %cond3A_263 : i32
      scf.if %cond3A_264 {
        %dma_wait3A_303 = arith.constant 1 : i32
        %dma_wait3A_304 = arith.constant 1 : i32
        %dma_wait3A_305 = arith.constant 0 : i32
        %dma_wait3A_306 = tpu.memref_slice %arg6[%dma_wait3A_303, %dma_wait3A_304, %dma_wait3A_305] : memref<4x2x128xi32, #tpu.memory_space<vmem>> -> memref<1x1x128xi32, #tpu.memory_space<vmem>>
        %dma_wait3A_307 = tpu.memref_squeeze %dma_wait3A_306 : memref<1x1x128xi32, #tpu.memory_space<vmem>> -> memref<128xi32, #tpu.memory_space<vmem>>
        %dma_wait3A_308 = arith.constant 0 : i32
        %dma_wait3A_309 = arith.constant 0 : i32
        %dma_wait3A_310 = tpu.memref_slice %arg11[%dma_wait3A_308, %dma_wait3A_309] : memref<10112x128xf32, #tpu.memory_space<vmem_shared>> -> memref<10112x128xf32, #tpu.memory_space<vmem_shared>>
        tpu.wait_indirect_dma semaphore(%arg15 : memref<!tpu.dma_semaphore, #tpu.memory_space<semaphore_mem>>) src(%arg8 : memref<128x128xf32, #tpu.memory_space<vmem>>) dst(%dma_wait3A_310 : memref<10112x128xf32, #tpu.memory_space<vmem_shared>>)
        %dma_wait3A_311 = arith.constant 1 : i32
        %dma_wait3A_312 = arith.constant 1 : i32
        %dma_wait3A_313 = arith.constant 0 : i32
        %dma_wait3A_314 = tpu.memref_slice %arg6[%dma_wait3A_311, %dma_wait3A_312, %dma_wait3A_313] : memref<4x2x128xi32, #tpu.memory_space<vmem>> -> memref<1x1x128xi32, #tpu.memory_space<vmem>>
        %dma_wait3A_315 = tpu.memref_squeeze %dma_wait3A_314 : memref<1x1x128xi32, #tpu.memory_space<vmem>> -> memref<128xi32, #tpu.memory_space<vmem>>
        %dma_wait3A_316 = arith.constant 0 : i32
        %dma_wait3A_317 = arith.constant 0 : i32
        %dma_wait3A_318 = tpu.memref_slice %arg20[%dma_wait3A_316, %dma_wait3A_317] : memref<10112x16xf32, #tpu.memory_space<vmem_shared>> -> memref<10112x16xf32, #tpu.memory_space<vmem_shared>>
        tpu.wait_indirect_dma semaphore(%arg22 : memref<!tpu.dma_semaphore, #tpu.memory_space<semaphore_mem>>) src(%arg9 : memref<128x16xf32, #tpu.memory_space<vmem>>) dst(%dma_wait3A_318 : memref<10112x16xf32, #tpu.memory_space<vmem_shared>>)
      } else {
      }
      %add3A_265 = arith.addi %mul3A_2, %add3A_259 : i32
      %dma_wait3A_266 = arith.constant 3 : i32
      %dma_wait3A_267 = arith.constant 0 : i32
      %dma_wait3A_268 = arith.constant 0 : i32
      %dma_wait3A_269 = tpu.memref_slice %arg6[%dma_wait3A_266, %dma_wait3A_267, %dma_wait3A_268] : memref<4x2x128xi32, #tpu.memory_space<vmem>> -> memref<1x2x128xi32, #tpu.memory_space<vmem>>
      %dma_wait3A_270 = tpu.memref_squeeze %dma_wait3A_269 : memref<1x2x128xi32, #tpu.memory_space<vmem>> -> memref<2x128xi32, #tpu.memory_space<vmem>>
      %dma_wait3A_271 = arith.constant 0 : i32
      %dma_wait3A_272 = arith.constant 0 : i32
      %dma_wait3A_273 = tpu.memref_slice %arg3[%add3A_265, %dma_wait3A_271, %dma_wait3A_272] : memref<2560x2x128xi32, #tpu.memory_space<hbm>> -> memref<1x2x128xi32, #tpu.memory_space<hbm>>
      %dma_wait3A_274 = tpu.memref_squeeze %dma_wait3A_273 : memref<1x2x128xi32, #tpu.memory_space<hbm>> -> memref<2x128xi32, #tpu.memory_space<hbm>>
      %dma_wait3A_275 = arith.constant 0 : i32
      %dma_wait3A_276 = arith.constant 0 : i32
      %dma_wait3A_277 = tpu.memref_slice %arg6[%dma_wait3A_266, %dma_wait3A_275, %dma_wait3A_276] : memref<4x2x128xi32, #tpu.memory_space<vmem>> -> memref<1x2x128xi32, #tpu.memory_space<vmem>>
      %dma_wait3A_278 = tpu.memref_squeeze %dma_wait3A_277 : memref<1x2x128xi32, #tpu.memory_space<vmem>> -> memref<2x128xi32, #tpu.memory_space<vmem>>
      %dma_wait3A_279 = arith.constant 0 : i32
      %dma_wait3A_280 = arith.constant 0 : i32
      %dma_wait3A_281 = tpu.memref_slice %arg3[%add3A_265, %dma_wait3A_279, %dma_wait3A_280] : memref<2560x2x128xi32, #tpu.memory_space<hbm>> -> memref<1x2x128xi32, #tpu.memory_space<hbm>>
      %dma_wait3A_282 = tpu.memref_squeeze %dma_wait3A_281 : memref<1x2x128xi32, #tpu.memory_space<hbm>> -> memref<2x128xi32, #tpu.memory_space<hbm>>
      tpu.wait_dma2 semaphore(%arg19 : memref<!tpu.dma_semaphore, #tpu.memory_space<semaphore_mem>>) src(%dma_wait3A_282 : memref<2x128xi32, #tpu.memory_space<hbm>>) dst(%dma_wait3A_278 : memref<2x128xi32, #tpu.memory_space<vmem>>)
      %dma_start3A_283 = arith.constant 3 : i32
      %dma_start3A_284 = arith.constant 0 : i32
      %dma_start3A_285 = arith.constant 0 : i32
      %dma_start3A_286 = tpu.memref_slice %arg6[%dma_start3A_283, %dma_start3A_284, %dma_start3A_285] : memref<4x2x128xi32, #tpu.memory_space<vmem>> -> memref<1x1x128xi32, #tpu.memory_space<vmem>>
      %dma_start3A_287 = tpu.memref_squeeze %dma_start3A_286 : memref<1x1x128xi32, #tpu.memory_space<vmem>> -> memref<128xi32, #tpu.memory_space<vmem>>
      %dma_start3A_288 = arith.constant 0 : i32
      %dma_start3A_289 = arith.constant 0 : i32
      %dma_start3A_290 = tpu.memref_slice %arg2[%dma_start3A_288, %dma_start3A_289] : memref<10000x128xf32, #tpu.memory_space<hbm>> -> memref<10000x128xf32, #tpu.memory_space<hbm>>
      tpu.enqueue_indirect_dma source(%dma_start3A_290 : memref<10000x128xf32, #tpu.memory_space<hbm>>) target(%arg8 : memref<128x128xf32, #tpu.memory_space<vmem>>) offsets(%dma_start3A_287 : memref<128xi32, #tpu.memory_space<vmem>>) semaphore(%arg13 : memref<!tpu.dma_semaphore, #tpu.memory_space<semaphore_mem>>)
      %add3A_291 = arith.constant 2 : i32
      %add3A_292 = arith.addi %add3A_259, %add3A_291 : i32
      %lt3A_293 = arith.constant 80 : i32
      %lt3A_294 = arith.cmpi slt, %add3A_292, %lt3A_293 : i32
      %convert_element_type3A_295 = arith.extui %lt3A_294 : i1 to i32
      %cond3A_296 = arith.constant 0 : i32
      %cond3A_297 = arith.cmpi ne, %convert_element_type3A_295, %cond3A_296 : i32
      scf.if %cond3A_297 {
        %add3A_303 = arith.constant 2 : i32
        %add3A_304 = arith.addi %add3A_259, %add3A_303 : i32
        %add3A_305 = arith.addi %mul3A_2, %add3A_304 : i32
        %dma_start3A_306 = arith.constant 1 : i32
        %dma_start3A_307 = arith.constant 0 : i32
        %dma_start3A_308 = arith.constant 0 : i32
        %dma_start3A_309 = tpu.memref_slice %arg6[%dma_start3A_306, %dma_start3A_307, %dma_start3A_308] : memref<4x2x128xi32, #tpu.memory_space<vmem>> -> memref<1x2x128xi32, #tpu.memory_space<vmem>>
        %dma_start3A_310 = tpu.memref_squeeze %dma_start3A_309 : memref<1x2x128xi32, #tpu.memory_space<vmem>> -> memref<2x128xi32, #tpu.memory_space<vmem>>
        %dma_start3A_311 = arith.constant 0 : i32
        %dma_start3A_312 = arith.constant 0 : i32
        %dma_start3A_313 = tpu.memref_slice %arg3[%add3A_305, %dma_start3A_311, %dma_start3A_312] : memref<2560x2x128xi32, #tpu.memory_space<hbm>> -> memref<1x2x128xi32, #tpu.memory_space<hbm>>
        %dma_start3A_314 = tpu.memref_squeeze %dma_start3A_313 : memref<1x2x128xi32, #tpu.memory_space<hbm>> -> memref<2x128xi32, #tpu.memory_space<hbm>>
        %dma_start3A_315 = arith.constant 0 : i32
        %dma_start3A_316 = arith.constant 0 : i32
        %dma_start3A_317 = tpu.memref_slice %arg6[%dma_start3A_306, %dma_start3A_315, %dma_start3A_316] : memref<4x2x128xi32, #tpu.memory_space<vmem>> -> memref<1x2x128xi32, #tpu.memory_space<vmem>>
        %dma_start3A_318 = tpu.memref_squeeze %dma_start3A_317 : memref<1x2x128xi32, #tpu.memory_space<vmem>> -> memref<2x128xi32, #tpu.memory_space<vmem>>
        %dma_start3A_319 = arith.constant 0 : i32
        %dma_start3A_320 = arith.constant 0 : i32
        %dma_start3A_321 = tpu.memref_slice %arg3[%add3A_305, %dma_start3A_319, %dma_start3A_320] : memref<2560x2x128xi32, #tpu.memory_space<hbm>> -> memref<1x2x128xi32, #tpu.memory_space<hbm>>
        %dma_start3A_322 = tpu.memref_squeeze %dma_start3A_321 : memref<1x2x128xi32, #tpu.memory_space<hbm>> -> memref<2x128xi32, #tpu.memory_space<hbm>>
        tpu.enqueue_dma source(%dma_start3A_322 : memref<2x128xi32, #tpu.memory_space<hbm>>) target(%dma_start3A_318 : memref<2x128xi32, #tpu.memory_space<vmem>>) target_semaphore(%arg17 : memref<!tpu.dma_semaphore, #tpu.memory_space<semaphore_mem>>)
      } else {
      }
      %ge3A_298 = arith.constant 1 : i32
      %ge3A_299 = arith.cmpi sge, %add3A_259, %ge3A_298 : i32
      %convert_element_type3A_300 = arith.extui %ge3A_299 : i1 to i32
      %cond3A_301 = arith.constant 0 : i32
      %cond3A_302 = arith.cmpi ne, %convert_element_type3A_300, %cond3A_301 : i32
      scf.if %cond3A_302 {
        %dma_wait3A_303 = arith.constant 2 : i32
        %dma_wait3A_304 = arith.constant 0 : i32
        %dma_wait3A_305 = arith.constant 0 : i32
        %dma_wait3A_306 = tpu.memref_slice %arg6[%dma_wait3A_303, %dma_wait3A_304, %dma_wait3A_305] : memref<4x2x128xi32, #tpu.memory_space<vmem>> -> memref<1x1x128xi32, #tpu.memory_space<vmem>>
        %dma_wait3A_307 = tpu.memref_squeeze %dma_wait3A_306 : memref<1x1x128xi32, #tpu.memory_space<vmem>> -> memref<128xi32, #tpu.memory_space<vmem>>
        %dma_wait3A_308 = arith.constant 0 : i32
        %dma_wait3A_309 = arith.constant 0 : i32
        %dma_wait3A_310 = tpu.memref_slice %arg2[%dma_wait3A_308, %dma_wait3A_309] : memref<10000x128xf32, #tpu.memory_space<hbm>> -> memref<10000x128xf32, #tpu.memory_space<hbm>>
        tpu.wait_indirect_dma semaphore(%arg12 : memref<!tpu.dma_semaphore, #tpu.memory_space<semaphore_mem>>) src(%dma_wait3A_310 : memref<10000x128xf32, #tpu.memory_space<hbm>>) dst(%arg7 : memref<128x128xf32, #tpu.memory_space<vmem>>)
        %dma_start3A_311 = arith.constant 2 : i32
        %dma_start3A_312 = arith.constant 1 : i32
        %dma_start3A_313 = arith.constant 0 : i32
        %dma_start3A_314 = tpu.memref_slice %arg6[%dma_start3A_311, %dma_start3A_312, %dma_start3A_313] : memref<4x2x128xi32, #tpu.memory_space<vmem>> -> memref<1x1x128xi32, #tpu.memory_space<vmem>>
        %dma_start3A_315 = tpu.memref_squeeze %dma_start3A_314 : memref<1x1x128xi32, #tpu.memory_space<vmem>> -> memref<128xi32, #tpu.memory_space<vmem>>
        %dma_start3A_316 = arith.constant 0 : i32
        %dma_start3A_317 = arith.constant 0 : i32
        %dma_start3A_318 = tpu.memref_slice %arg11[%dma_start3A_316, %dma_start3A_317] : memref<10112x128xf32, #tpu.memory_space<vmem_shared>> -> memref<10112x128xf32, #tpu.memory_space<vmem_shared>>
        tpu.enqueue_indirect_dma source(%arg7 : memref<128x128xf32, #tpu.memory_space<vmem>>) target(%dma_start3A_318 : memref<10112x128xf32, #tpu.memory_space<vmem_shared>>) offsets(%dma_start3A_315 : memref<128xi32, #tpu.memory_space<vmem>>) semaphore(%arg14 : memref<!tpu.dma_semaphore, #tpu.memory_space<semaphore_mem>>) {add = true}
        %dma_start3A_319 = arith.constant 2 : i32
        %dma_start3A_320 = arith.constant 1 : i32
        %dma_start3A_321 = arith.constant 0 : i32
        %dma_start3A_322 = tpu.memref_slice %arg6[%dma_start3A_319, %dma_start3A_320, %dma_start3A_321] : memref<4x2x128xi32, #tpu.memory_space<vmem>> -> memref<1x1x128xi32, #tpu.memory_space<vmem>>
        %dma_start3A_323 = tpu.memref_squeeze %dma_start3A_322 : memref<1x1x128xi32, #tpu.memory_space<vmem>> -> memref<128xi32, #tpu.memory_space<vmem>>
        %dma_start3A_324 = arith.constant 0 : i32
        %dma_start3A_325 = arith.constant 0 : i32
        %dma_start3A_326 = tpu.memref_slice %arg20[%dma_start3A_324, %dma_start3A_325] : memref<10112x16xf32, #tpu.memory_space<vmem_shared>> -> memref<10112x16xf32, #tpu.memory_space<vmem_shared>>
        tpu.enqueue_indirect_dma source(%arg9 : memref<128x16xf32, #tpu.memory_space<vmem>>) target(%dma_start3A_326 : memref<10112x16xf32, #tpu.memory_space<vmem_shared>>) offsets(%dma_start3A_323 : memref<128xi32, #tpu.memory_space<vmem>>) semaphore(%arg21 : memref<!tpu.dma_semaphore, #tpu.memory_space<semaphore_mem>>) {add = true}
      } else {
      }
    }
    %scan3A_59 = arith.constant 20 : i32
    %dma_wait3A = arith.constant 3 : i32
    %dma_wait3A_60 = arith.constant 0 : i32
    %dma_wait3A_61 = arith.constant 0 : i32
    %dma_wait3A_62 = tpu.memref_slice %arg6[%dma_wait3A, %dma_wait3A_60, %dma_wait3A_61] : memref<4x2x128xi32, #tpu.memory_space<vmem>> -> memref<1x1x128xi32, #tpu.memory_space<vmem>>
    %dma_wait3A_63 = tpu.memref_squeeze %dma_wait3A_62 : memref<1x1x128xi32, #tpu.memory_space<vmem>> -> memref<128xi32, #tpu.memory_space<vmem>>
    %dma_wait3A_64 = arith.constant 0 : i32
    %dma_wait3A_65 = arith.constant 0 : i32
    %dma_wait3A_66 = tpu.memref_slice %arg2[%dma_wait3A_64, %dma_wait3A_65] : memref<10000x128xf32, #tpu.memory_space<hbm>> -> memref<10000x128xf32, #tpu.memory_space<hbm>>
    tpu.wait_indirect_dma semaphore(%arg13 : memref<!tpu.dma_semaphore, #tpu.memory_space<semaphore_mem>>) src(%dma_wait3A_66 : memref<10000x128xf32, #tpu.memory_space<hbm>>) dst(%arg8 : memref<128x128xf32, #tpu.memory_space<vmem>>)
    %dma_start3A_67 = arith.constant 3 : i32
    %dma_start3A_68 = arith.constant 1 : i32
    %dma_start3A_69 = arith.constant 0 : i32
    %dma_start3A_70 = tpu.memref_slice %arg6[%dma_start3A_67, %dma_start3A_68, %dma_start3A_69] : memref<4x2x128xi32, #tpu.memory_space<vmem>> -> memref<1x1x128xi32, #tpu.memory_space<vmem>>
    %dma_start3A_71 = tpu.memref_squeeze %dma_start3A_70 : memref<1x1x128xi32, #tpu.memory_space<vmem>> -> memref<128xi32, #tpu.memory_space<vmem>>
    %dma_start3A_72 = arith.constant 0 : i32
    %dma_start3A_73 = arith.constant 0 : i32
    %dma_start3A_74 = tpu.memref_slice %arg11[%dma_start3A_72, %dma_start3A_73] : memref<10112x128xf32, #tpu.memory_space<vmem_shared>> -> memref<10112x128xf32, #tpu.memory_space<vmem_shared>>
    tpu.enqueue_indirect_dma source(%arg8 : memref<128x128xf32, #tpu.memory_space<vmem>>) target(%dma_start3A_74 : memref<10112x128xf32, #tpu.memory_space<vmem_shared>>) offsets(%dma_start3A_71 : memref<128xi32, #tpu.memory_space<vmem>>) semaphore(%arg15 : memref<!tpu.dma_semaphore, #tpu.memory_space<semaphore_mem>>) {add = true}
    %dma_start3A_75 = arith.constant 3 : i32
    %dma_start3A_76 = arith.constant 1 : i32
    %dma_start3A_77 = arith.constant 0 : i32
    %dma_start3A_78 = tpu.memref_slice %arg6[%dma_start3A_75, %dma_start3A_76, %dma_start3A_77] : memref<4x2x128xi32, #tpu.memory_space<vmem>> -> memref<1x1x128xi32, #tpu.memory_space<vmem>>
    %dma_start3A_79 = tpu.memref_squeeze %dma_start3A_78 : memref<1x1x128xi32, #tpu.memory_space<vmem>> -> memref<128xi32, #tpu.memory_space<vmem>>
    %dma_start3A_80 = arith.constant 0 : i32
    %dma_start3A_81 = arith.constant 0 : i32
    %dma_start3A_82 = tpu.memref_slice %arg20[%dma_start3A_80, %dma_start3A_81] : memref<10112x16xf32, #tpu.memory_space<vmem_shared>> -> memref<10112x16xf32, #tpu.memory_space<vmem_shared>>
    tpu.enqueue_indirect_dma source(%arg9 : memref<128x16xf32, #tpu.memory_space<vmem>>) target(%dma_start3A_82 : memref<10112x16xf32, #tpu.memory_space<vmem_shared>>) offsets(%dma_start3A_79 : memref<128xi32, #tpu.memory_space<vmem>>) semaphore(%arg22 : memref<!tpu.dma_semaphore, #tpu.memory_space<semaphore_mem>>) {add = true}
    %dma_wait3A_83 = arith.constant 2 : i32
    %dma_wait3A_84 = arith.constant 1 : i32
    %dma_wait3A_85 = arith.constant 0 : i32
    %dma_wait3A_86 = tpu.memref_slice %arg6[%dma_wait3A_83, %dma_wait3A_84, %dma_wait3A_85] : memref<4x2x128xi32, #tpu.memory_space<vmem>> -> memref<1x1x128xi32, #tpu.memory_space<vmem>>
    %dma_wait3A_87 = tpu.memref_squeeze %dma_wait3A_86 : memref<1x1x128xi32, #tpu.memory_space<vmem>> -> memref<128xi32, #tpu.memory_space<vmem>>
    %dma_wait3A_88 = arith.constant 0 : i32
    %dma_wait3A_89 = arith.constant 0 : i32
    %dma_wait3A_90 = tpu.memref_slice %arg11[%dma_wait3A_88, %dma_wait3A_89] : memref<10112x128xf32, #tpu.memory_space<vmem_shared>> -> memref<10112x128xf32, #tpu.memory_space<vmem_shared>>
    tpu.wait_indirect_dma semaphore(%arg14 : memref<!tpu.dma_semaphore, #tpu.memory_space<semaphore_mem>>) src(%arg7 : memref<128x128xf32, #tpu.memory_space<vmem>>) dst(%dma_wait3A_90 : memref<10112x128xf32, #tpu.memory_space<vmem_shared>>)
    %dma_wait3A_91 = arith.constant 2 : i32
    %dma_wait3A_92 = arith.constant 1 : i32
    %dma_wait3A_93 = arith.constant 0 : i32
    %dma_wait3A_94 = tpu.memref_slice %arg6[%dma_wait3A_91, %dma_wait3A_92, %dma_wait3A_93] : memref<4x2x128xi32, #tpu.memory_space<vmem>> -> memref<1x1x128xi32, #tpu.memory_space<vmem>>
    %dma_wait3A_95 = tpu.memref_squeeze %dma_wait3A_94 : memref<1x1x128xi32, #tpu.memory_space<vmem>> -> memref<128xi32, #tpu.memory_space<vmem>>
    %dma_wait3A_96 = arith.constant 0 : i32
    %dma_wait3A_97 = arith.constant 0 : i32
    %dma_wait3A_98 = tpu.memref_slice %arg20[%dma_wait3A_96, %dma_wait3A_97] : memref<10112x16xf32, #tpu.memory_space<vmem_shared>> -> memref<10112x16xf32, #tpu.memory_space<vmem_shared>>
    tpu.wait_indirect_dma semaphore(%arg21 : memref<!tpu.dma_semaphore, #tpu.memory_space<semaphore_mem>>) src(%arg9 : memref<128x16xf32, #tpu.memory_space<vmem>>) dst(%dma_wait3A_98 : memref<10112x16xf32, #tpu.memory_space<vmem_shared>>)
    %dma_wait3A_99 = arith.constant 3 : i32
    %dma_wait3A_100 = arith.constant 1 : i32
    %dma_wait3A_101 = arith.constant 0 : i32
    %dma_wait3A_102 = tpu.memref_slice %arg6[%dma_wait3A_99, %dma_wait3A_100, %dma_wait3A_101] : memref<4x2x128xi32, #tpu.memory_space<vmem>> -> memref<1x1x128xi32, #tpu.memory_space<vmem>>
    %dma_wait3A_103 = tpu.memref_squeeze %dma_wait3A_102 : memref<1x1x128xi32, #tpu.memory_space<vmem>> -> memref<128xi32, #tpu.memory_space<vmem>>
    %dma_wait3A_104 = arith.constant 0 : i32
    %dma_wait3A_105 = arith.constant 0 : i32
    %dma_wait3A_106 = tpu.memref_slice %arg11[%dma_wait3A_104, %dma_wait3A_105] : memref<10112x128xf32, #tpu.memory_space<vmem_shared>> -> memref<10112x128xf32, #tpu.memory_space<vmem_shared>>
    tpu.wait_indirect_dma semaphore(%arg15 : memref<!tpu.dma_semaphore, #tpu.memory_space<semaphore_mem>>) src(%arg8 : memref<128x128xf32, #tpu.memory_space<vmem>>) dst(%dma_wait3A_106 : memref<10112x128xf32, #tpu.memory_space<vmem_shared>>)
    %dma_wait3A_107 = arith.constant 3 : i32
    %dma_wait3A_108 = arith.constant 1 : i32
    %dma_wait3A_109 = arith.constant 0 : i32
    %dma_wait3A_110 = tpu.memref_slice %arg6[%dma_wait3A_107, %dma_wait3A_108, %dma_wait3A_109] : memref<4x2x128xi32, #tpu.memory_space<vmem>> -> memref<1x1x128xi32, #tpu.memory_space<vmem>>
    %dma_wait3A_111 = tpu.memref_squeeze %dma_wait3A_110 : memref<1x1x128xi32, #tpu.memory_space<vmem>> -> memref<128xi32, #tpu.memory_space<vmem>>
    %dma_wait3A_112 = arith.constant 0 : i32
    %dma_wait3A_113 = arith.constant 0 : i32
    %dma_wait3A_114 = tpu.memref_slice %arg20[%dma_wait3A_112, %dma_wait3A_113] : memref<10112x16xf32, #tpu.memory_space<vmem_shared>> -> memref<10112x16xf32, #tpu.memory_space<vmem_shared>>
    tpu.wait_indirect_dma semaphore(%arg22 : memref<!tpu.dma_semaphore, #tpu.memory_space<semaphore_mem>>) src(%arg9 : memref<128x16xf32, #tpu.memory_space<vmem>>) dst(%dma_wait3A_114 : memref<10112x16xf32, #tpu.memory_space<vmem_shared>>)
    %barrier3A_115 = arith.constant 0 : index
    tpu.barrier barrier_id(%barrier3A_115)
    %mul3A_116 = arith.constant 632 : i32
    %mul3A_117 = arith.muli %arg1, %mul3A_116 : i32
    "tpu.region"() ({
      %run_scoped3A = tpu.sem_alloc : memref<!tpu.dma_semaphore, #tpu.memory_space<semaphore_mem>>
      %dma_start3A_118 = arith.constant 0 : i32
      %dma_start3A_119 = tpu.memref_slice %arg4[%arg0, %mul3A_117, %dma_start3A_118] : memref<2x10112x128xf32, #tpu.memory_space<hbm>> -> memref<1x632x128xf32, #tpu.memory_space<hbm>>
      %dma_start3A_120 = tpu.memref_squeeze %dma_start3A_119 : memref<1x632x128xf32, #tpu.memory_space<hbm>> -> memref<632x128xf32, #tpu.memory_space<hbm>>
      %dma_start3A_121 = arith.constant 0 : i32
      %dma_start3A_122 = tpu.memref_slice %arg11[%mul3A_117, %dma_start3A_121] : memref<10112x128xf32, #tpu.memory_space<vmem_shared>> -> memref<632x128xf32, #tpu.memory_space<vmem_shared>>
      tpu.enqueue_dma source(%dma_start3A_122 : memref<632x128xf32, #tpu.memory_space<vmem_shared>>) target(%dma_start3A_120 : memref<632x128xf32, #tpu.memory_space<hbm>>) target_semaphore(%run_scoped3A : memref<!tpu.dma_semaphore, #tpu.memory_space<semaphore_mem>>)
      %dma_wait3A_123 = arith.constant 0 : i32
      %dma_wait3A_124 = tpu.memref_slice %arg4[%arg0, %mul3A_117, %dma_wait3A_123] : memref<2x10112x128xf32, #tpu.memory_space<hbm>> -> memref<1x632x128xf32, #tpu.memory_space<hbm>>
      %dma_wait3A_125 = tpu.memref_squeeze %dma_wait3A_124 : memref<1x632x128xf32, #tpu.memory_space<hbm>> -> memref<632x128xf32, #tpu.memory_space<hbm>>
      %dma_wait3A_126 = arith.constant 0 : i32
      %dma_wait3A_127 = tpu.memref_slice %arg11[%mul3A_117, %dma_wait3A_126] : memref<10112x128xf32, #tpu.memory_space<vmem_shared>> -> memref<632x128xf32, #tpu.memory_space<vmem_shared>>
      tpu.wait_dma2 semaphore(%run_scoped3A : memref<!tpu.dma_semaphore, #tpu.memory_space<semaphore_mem>>) src(%dma_wait3A_127 : memref<632x128xf32, #tpu.memory_space<vmem_shared>>) dst(%dma_wait3A_125 : memref<632x128xf32, #tpu.memory_space<hbm>>)
      tpu.yield
    }) : () -> ()
    "tpu.region"() ({
      %run_scoped3A = tpu.sem_alloc : memref<!tpu.dma_semaphore, #tpu.memory_space<semaphore_mem>>
      %dma_start3A_118 = arith.constant 0 : i32
      %dma_start3A_119 = tpu.memref_slice %arg5[%arg0, %mul3A_117, %dma_start3A_118] : memref<2x10112x16xf32, #tpu.memory_space<hbm>> -> memref<1x632x16xf32, #tpu.memory_space<hbm>>
      %dma_start3A_120 = tpu.memref_squeeze %dma_start3A_119 : memref<1x632x16xf32, #tpu.memory_space<hbm>> -> memref<632x16xf32, #tpu.memory_space<hbm>>
      %dma_start3A_121 = arith.constant 0 : i32
      %dma_start3A_122 = tpu.memref_slice %arg20[%mul3A_117, %dma_start3A_121] : memref<10112x16xf32, #tpu.memory_space<vmem_shared>> -> memref<632x16xf32, #tpu.memory_space<vmem_shared>>
      tpu.enqueue_dma source(%dma_start3A_122 : memref<632x16xf32, #tpu.memory_space<vmem_shared>>) target(%dma_start3A_120 : memref<632x16xf32, #tpu.memory_space<hbm>>) target_semaphore(%run_scoped3A : memref<!tpu.dma_semaphore, #tpu.memory_space<semaphore_mem>>)
      %dma_wait3A_123 = arith.constant 0 : i32
      %dma_wait3A_124 = tpu.memref_slice %arg5[%arg0, %mul3A_117, %dma_wait3A_123] : memref<2x10112x16xf32, #tpu.memory_space<hbm>> -> memref<1x632x16xf32, #tpu.memory_space<hbm>>
      %dma_wait3A_125 = tpu.memref_squeeze %dma_wait3A_124 : memref<1x632x16xf32, #tpu.memory_space<hbm>> -> memref<632x16xf32, #tpu.memory_space<hbm>>
      %dma_wait3A_126 = arith.constant 0 : i32
      %dma_wait3A_127 = tpu.memref_slice %arg20[%mul3A_117, %dma_wait3A_126] : memref<10112x16xf32, #tpu.memory_space<vmem_shared>> -> memref<632x16xf32, #tpu.memory_space<vmem_shared>>
      tpu.wait_dma2 semaphore(%run_scoped3A : memref<!tpu.dma_semaphore, #tpu.memory_space<semaphore_mem>>) src(%dma_wait3A_127 : memref<632x16xf32, #tpu.memory_space<vmem_shared>>) dst(%dma_wait3A_125 : memref<632x16xf32, #tpu.memory_space<hbm>>)
      tpu.yield
    }) : () -> ()
    return
  }
}

#map = affine_map<(d0, d1) -> (0, 0)>
#map1 = affine_map<(d0, d1) -> (0, 0, 0)>
module attributes {stable_mosaic.version = 14 : i64} {
  func.func @agg(%arg0: i32, %arg1: i32, %arg2: memref<10000x128xf32, #tpu.memory_space<hbm>>, %arg3: memref<2560x2x128xi32, #tpu.memory_space<hbm>>, %arg4: memref<2x10112x128xf32, #tpu.memory_space<hbm>>, %arg5: memref<4x2x128xi32, #tpu.memory_space<vmem>>, %arg6: memref<128x128xf32, #tpu.memory_space<vmem>>, %arg7: memref<128x128xf32, #tpu.memory_space<vmem>>, %arg8: memref<128x16xf32, #tpu.memory_space<vmem>>, %arg9: memref<128x16xf32, #tpu.memory_space<vmem>>, %arg10: memref<10112x128xf32, #tpu.memory_space<vmem_shared>>, %arg11: memref<!tpu.dma_semaphore, #tpu.memory_space<semaphore_mem>>, %arg12: memref<!tpu.dma_semaphore, #tpu.memory_space<semaphore_mem>>, %arg13: memref<!tpu.dma_semaphore, #tpu.memory_space<semaphore_mem>>, %arg14: memref<!tpu.dma_semaphore, #tpu.memory_space<semaphore_mem>>, %arg15: memref<!tpu.dma_semaphore, #tpu.memory_space<semaphore_mem>>, %arg16: memref<!tpu.dma_semaphore, #tpu.memory_space<semaphore_mem>>, %arg17: memref<!tpu.dma_semaphore, #tpu.memory_space<semaphore_mem>>, %arg18: memref<!tpu.dma_semaphore, #tpu.memory_space<semaphore_mem>>) attributes {dimension_semantics = [#tpu.dimension_semantics<core_parallel>, #tpu.dimension_semantics<subcore_parallel>], iteration_bounds = array<i64: 2, 16>, scalar_prefetch = 0 : i64, scratch_operands = 14 : i64, tpu.core_type = #tpu.core_type<sc_vector_subcore>, window_params = [{transform_indices = #map}, {transform_indices = #map1}, {transform_indices = #map1}]} {
    %mul3A = arith.constant 16 : i32
    %mul3A_0 = arith.muli %arg0, %mul3A : i32
    %add3A = arith.addi %mul3A_0, %arg1 : i32
    %mul3A_1 = arith.constant 80 : i32
    %mul3A_2 = arith.muli %add3A, %mul3A_1 : i32
    %broadcast_in_dim3A = arith.constant 0.000000e+00 : f32
    %broadcast_in_dim3A_3 = vector.broadcast %broadcast_in_dim3A : f32 to vector<16xf32>
    %broadcast_in_dim3A_4 = arith.constant 1.000000e+00 : f32
    %broadcast_in_dim3A_5 = vector.broadcast %broadcast_in_dim3A_4 : f32 to vector<16xf32>
    %scan3A = arith.constant 0 : i32
    %scan3A_6 = arith.constant 0 : i32
    %scan3A_7 = arith.constant 128 : i32
    %scan3A_8 = arith.addi %scan3A_6, %scan3A_7 : i32
    %scan3A_9 = arith.constant 1 : i32
    scf.for %scan3A_94 = %scan3A_6 to %scan3A_8 step %scan3A_9  : i32 {
      %swap3A = arith.index_cast %scan3A_94 : i32 to index
      %swap3A_95 = arith.constant 0 : index
      %swap3A_96 = tpu.vector_load %arg6[%swap3A, %swap3A_95] {strides = array<i32>} : memref<128x128xf32, #tpu.memory_space<vmem>>, vector<1x16xf32>,
      %swap3A_97 = vector.shape_cast %swap3A_96 : vector<1x16xf32> to vector<16xf32>
      %swap3A_98 = vector.shape_cast %broadcast_in_dim3A_3 : vector<16xf32> to vector<1x16xf32>
      tpu.vector_store %arg6[%swap3A, %swap3A_95], %swap3A_98 {strides = array<i32>} : memref<128x128xf32, #tpu.memory_space<vmem>>, vector<1x16xf32>,
      %swap3A_99 = arith.index_cast %scan3A_94 : i32 to index
      %swap3A_100 = arith.constant 16 : index
      %swap3A_101 = tpu.vector_load %arg6[%swap3A_99, %swap3A_100] {strides = array<i32>} : memref<128x128xf32, #tpu.memory_space<vmem>>, vector<1x16xf32>,
      %swap3A_102 = vector.shape_cast %swap3A_101 : vector<1x16xf32> to vector<16xf32>
      %swap3A_103 = vector.shape_cast %broadcast_in_dim3A_3 : vector<16xf32> to vector<1x16xf32>
      tpu.vector_store %arg6[%swap3A_99, %swap3A_100], %swap3A_103 {strides = array<i32>} : memref<128x128xf32, #tpu.memory_space<vmem>>, vector<1x16xf32>,
      %swap3A_104 = arith.index_cast %scan3A_94 : i32 to index
      %swap3A_105 = arith.constant 32 : index
      %swap3A_106 = tpu.vector_load %arg6[%swap3A_104, %swap3A_105] {strides = array<i32>} : memref<128x128xf32, #tpu.memory_space<vmem>>, vector<1x16xf32>,
      %swap3A_107 = vector.shape_cast %swap3A_106 : vector<1x16xf32> to vector<16xf32>
      %swap3A_108 = vector.shape_cast %broadcast_in_dim3A_3 : vector<16xf32> to vector<1x16xf32>
      tpu.vector_store %arg6[%swap3A_104, %swap3A_105], %swap3A_108 {strides = array<i32>} : memref<128x128xf32, #tpu.memory_space<vmem>>, vector<1x16xf32>,
      %swap3A_109 = arith.index_cast %scan3A_94 : i32 to index
      %swap3A_110 = arith.constant 48 : index
      %swap3A_111 = tpu.vector_load %arg6[%swap3A_109, %swap3A_110] {strides = array<i32>} : memref<128x128xf32, #tpu.memory_space<vmem>>, vector<1x16xf32>,
      %swap3A_112 = vector.shape_cast %swap3A_111 : vector<1x16xf32> to vector<16xf32>
      %swap3A_113 = vector.shape_cast %broadcast_in_dim3A_3 : vector<16xf32> to vector<1x16xf32>
      tpu.vector_store %arg6[%swap3A_109, %swap3A_110], %swap3A_113 {strides = array<i32>} : memref<128x128xf32, #tpu.memory_space<vmem>>, vector<1x16xf32>,
      %swap3A_114 = arith.index_cast %scan3A_94 : i32 to index
      %swap3A_115 = arith.constant 64 : index
      %swap3A_116 = tpu.vector_load %arg6[%swap3A_114, %swap3A_115] {strides = array<i32>} : memref<128x128xf32, #tpu.memory_space<vmem>>, vector<1x16xf32>,
      %swap3A_117 = vector.shape_cast %swap3A_116 : vector<1x16xf32> to vector<16xf32>
      %swap3A_118 = vector.shape_cast %broadcast_in_dim3A_3 : vector<16xf32> to vector<1x16xf32>
      tpu.vector_store %arg6[%swap3A_114, %swap3A_115], %swap3A_118 {strides = array<i32>} : memref<128x128xf32, #tpu.memory_space<vmem>>, vector<1x16xf32>,
      %swap3A_119 = arith.index_cast %scan3A_94 : i32 to index
      %swap3A_120 = arith.constant 80 : index
      %swap3A_121 = tpu.vector_load %arg6[%swap3A_119, %swap3A_120] {strides = array<i32>} : memref<128x128xf32, #tpu.memory_space<vmem>>, vector<1x16xf32>,
      %swap3A_122 = vector.shape_cast %swap3A_121 : vector<1x16xf32> to vector<16xf32>
      %swap3A_123 = vector.shape_cast %broadcast_in_dim3A_3 : vector<16xf32> to vector<1x16xf32>
      tpu.vector_store %arg6[%swap3A_119, %swap3A_120], %swap3A_123 {strides = array<i32>} : memref<128x128xf32, #tpu.memory_space<vmem>>, vector<1x16xf32>,
      %swap3A_124 = arith.index_cast %scan3A_94 : i32 to index
      %swap3A_125 = arith.constant 96 : index
      %swap3A_126 = tpu.vector_load %arg6[%swap3A_124, %swap3A_125] {strides = array<i32>} : memref<128x128xf32, #tpu.memory_space<vmem>>, vector<1x16xf32>,
      %swap3A_127 = vector.shape_cast %swap3A_126 : vector<1x16xf32> to vector<16xf32>
      %swap3A_128 = vector.shape_cast %broadcast_in_dim3A_3 : vector<16xf32> to vector<1x16xf32>
      tpu.vector_store %arg6[%swap3A_124, %swap3A_125], %swap3A_128 {strides = array<i32>} : memref<128x128xf32, #tpu.memory_space<vmem>>, vector<1x16xf32>,
      %swap3A_129 = arith.index_cast %scan3A_94 : i32 to index
      %swap3A_130 = arith.constant 112 : index
      %swap3A_131 = tpu.vector_load %arg6[%swap3A_129, %swap3A_130] {strides = array<i32>} : memref<128x128xf32, #tpu.memory_space<vmem>>, vector<1x16xf32>,
      %swap3A_132 = vector.shape_cast %swap3A_131 : vector<1x16xf32> to vector<16xf32>
      %swap3A_133 = vector.shape_cast %broadcast_in_dim3A_3 : vector<16xf32> to vector<1x16xf32>
      tpu.vector_store %arg6[%swap3A_129, %swap3A_130], %swap3A_133 {strides = array<i32>} : memref<128x128xf32, #tpu.memory_space<vmem>>, vector<1x16xf32>,
      %swap3A_134 = arith.index_cast %scan3A_94 : i32 to index
      %swap3A_135 = arith.constant 0 : index
      %swap3A_136 = tpu.vector_load %arg8[%swap3A_134, %swap3A_135] {strides = array<i32>} : memref<128x16xf32, #tpu.memory_space<vmem>>, vector<1x16xf32>,
      %swap3A_137 = vector.shape_cast %swap3A_136 : vector<1x16xf32> to vector<16xf32>
      %swap3A_138 = vector.shape_cast %broadcast_in_dim3A_5 : vector<16xf32> to vector<1x16xf32>
      tpu.vector_store %arg8[%swap3A_134, %swap3A_135], %swap3A_138 {strides = array<i32>} : memref<128x16xf32, #tpu.memory_space<vmem>>, vector<1x16xf32>,
      %swap3A_139 = arith.index_cast %scan3A_94 : i32 to index
      %swap3A_140 = arith.constant 0 : index
      %swap3A_141 = tpu.vector_load %arg9[%swap3A_139, %swap3A_140] {strides = array<i32>} : memref<128x16xf32, #tpu.memory_space<vmem>>, vector<1x16xf32>,
      %swap3A_142 = vector.shape_cast %swap3A_141 : vector<1x16xf32> to vector<16xf32>
      %swap3A_143 = vector.shape_cast %broadcast_in_dim3A_3 : vector<16xf32> to vector<1x16xf32>
      tpu.vector_store %arg9[%swap3A_139, %swap3A_140], %swap3A_143 {strides = array<i32>} : memref<128x16xf32, #tpu.memory_space<vmem>>, vector<1x16xf32>,
    }
    %scan3A_10 = arith.constant 128 : i32
    %scan3A_11 = arith.constant 0 : i32
    %scan3A_12 = arith.constant 0 : i32
    %scan3A_13 = arith.constant 5 : i32
    %scan3A_14 = arith.addi %scan3A_12, %scan3A_13 : i32
    %scan3A_15 = arith.constant 1 : i32
    scf.for %scan3A_94 = %scan3A_12 to %scan3A_14 step %scan3A_15  : i32 {
      %mul3A_95 = arith.constant 16 : i32
      %mul3A_96 = arith.muli %scan3A_94, %mul3A_95 : i32
      %add3A_97 = arith.addi %mul3A_96, %arg1 : i32
      %lt3A = arith.constant 79 : i32
      %lt3A_98 = arith.cmpi slt, %add3A_97, %lt3A : i32
      %convert_element_type3A = arith.extui %lt3A_98 : i1 to i32
      %cond3A = arith.constant 0 : i32
      %cond3A_99 = arith.cmpi ne, %convert_element_type3A, %cond3A : i32
      scf.if %cond3A_99 {
        %mul3A_100 = arith.constant 128 : i32
        %mul3A_101 = arith.muli %add3A_97, %mul3A_100 : i32
        "tpu.region"() ({
          %run_scoped3A = tpu.sem_alloc : memref<!tpu.dma_semaphore, #tpu.memory_space<semaphore_mem>>
          %dma_start3A_102 = arith.constant 0 : i32
          %dma_start3A_103 = tpu.memref_slice %arg10[%mul3A_101, %dma_start3A_102] : memref<10112x128xf32, #tpu.memory_space<vmem_shared>> -> memref<128x128xf32, #tpu.memory_space<vmem_shared>>
          %dma_start3A_104 = arith.constant 0 : i32
          %dma_start3A_105 = tpu.memref_slice %arg10[%mul3A_101, %dma_start3A_104] : memref<10112x128xf32, #tpu.memory_space<vmem_shared>> -> memref<128x128xf32, #tpu.memory_space<vmem_shared>>
          tpu.enqueue_dma source(%arg6 : memref<128x128xf32, #tpu.memory_space<vmem>>) target(%dma_start3A_105 : memref<128x128xf32, #tpu.memory_space<vmem_shared>>) target_semaphore(%run_scoped3A : memref<!tpu.dma_semaphore, #tpu.memory_space<semaphore_mem>>)
          %dma_wait3A_106 = arith.constant 0 : i32
          %dma_wait3A_107 = tpu.memref_slice %arg10[%mul3A_101, %dma_wait3A_106] : memref<10112x128xf32, #tpu.memory_space<vmem_shared>> -> memref<128x128xf32, #tpu.memory_space<vmem_shared>>
          %dma_wait3A_108 = arith.constant 0 : i32
          %dma_wait3A_109 = tpu.memref_slice %arg10[%mul3A_101, %dma_wait3A_108] : memref<10112x128xf32, #tpu.memory_space<vmem_shared>> -> memref<128x128xf32, #tpu.memory_space<vmem_shared>>
          tpu.wait_dma2 semaphore(%run_scoped3A : memref<!tpu.dma_semaphore, #tpu.memory_space<semaphore_mem>>) src(%arg6 : memref<128x128xf32, #tpu.memory_space<vmem>>) dst(%dma_wait3A_109 : memref<128x128xf32, #tpu.memory_space<vmem_shared>>)
          tpu.yield
        }) : () -> ()
      } else {
      }
    }
    %scan3A_16 = arith.constant 5 : i32
    %barrier3A = arith.constant 0 : index
    tpu.barrier barrier_id(%barrier3A)
    %add3A_17 = arith.constant 0 : i32
    %add3A_18 = arith.addi %mul3A_2, %add3A_17 : i32
    %dma_start3A = arith.constant 0 : i32
    %dma_start3A_19 = arith.constant 0 : i32
    %dma_start3A_20 = arith.constant 0 : i32
    %dma_start3A_21 = tpu.memref_slice %arg5[%dma_start3A, %dma_start3A_19, %dma_start3A_20] : memref<4x2x128xi32, #tpu.memory_space<vmem>> -> memref<1x2x128xi32, #tpu.memory_space<vmem>>
    %dma_start3A_22 = tpu.memref_squeeze %dma_start3A_21 : memref<1x2x128xi32, #tpu.memory_space<vmem>> -> memref<2x128xi32, #tpu.memory_space<vmem>>
    %dma_start3A_23 = arith.constant 0 : i32
    %dma_start3A_24 = arith.constant 0 : i32
    %dma_start3A_25 = tpu.memref_slice %arg3[%add3A_18, %dma_start3A_23, %dma_start3A_24] : memref<2560x2x128xi32, #tpu.memory_space<hbm>> -> memref<1x2x128xi32, #tpu.memory_space<hbm>>
    %dma_start3A_26 = tpu.memref_squeeze %dma_start3A_25 : memref<1x2x128xi32, #tpu.memory_space<hbm>> -> memref<2x128xi32, #tpu.memory_space<hbm>>
    %dma_start3A_27 = arith.constant 0 : i32
    %dma_start3A_28 = arith.constant 0 : i32
    %dma_start3A_29 = tpu.memref_slice %arg5[%dma_start3A, %dma_start3A_27, %dma_start3A_28] : memref<4x2x128xi32, #tpu.memory_space<vmem>> -> memref<1x2x128xi32, #tpu.memory_space<vmem>>
    %dma_start3A_30 = tpu.memref_squeeze %dma_start3A_29 : memref<1x2x128xi32, #tpu.memory_space<vmem>> -> memref<2x128xi32, #tpu.memory_space<vmem>>
    %dma_start3A_31 = arith.constant 0 : i32
    %dma_start3A_32 = arith.constant 0 : i32
    %dma_start3A_33 = tpu.memref_slice %arg3[%add3A_18, %dma_start3A_31, %dma_start3A_32] : memref<2560x2x128xi32, #tpu.memory_space<hbm>> -> memref<1x2x128xi32, #tpu.memory_space<hbm>>
    %dma_start3A_34 = tpu.memref_squeeze %dma_start3A_33 : memref<1x2x128xi32, #tpu.memory_space<hbm>> -> memref<2x128xi32, #tpu.memory_space<hbm>>
    tpu.enqueue_dma source(%dma_start3A_34 : memref<2x128xi32, #tpu.memory_space<hbm>>) target(%dma_start3A_30 : memref<2x128xi32, #tpu.memory_space<vmem>>) target_semaphore(%arg15 : memref<!tpu.dma_semaphore, #tpu.memory_space<semaphore_mem>>)
    %add3A_35 = arith.constant 1 : i32
    %add3A_36 = arith.addi %mul3A_2, %add3A_35 : i32
    %dma_start3A_37 = arith.constant 1 : i32
    %dma_start3A_38 = arith.constant 0 : i32
    %dma_start3A_39 = arith.constant 0 : i32
    %dma_start3A_40 = tpu.memref_slice %arg5[%dma_start3A_37, %dma_start3A_38, %dma_start3A_39] : memref<4x2x128xi32, #tpu.memory_space<vmem>> -> memref<1x2x128xi32, #tpu.memory_space<vmem>>
    %dma_start3A_41 = tpu.memref_squeeze %dma_start3A_40 : memref<1x2x128xi32, #tpu.memory_space<vmem>> -> memref<2x128xi32, #tpu.memory_space<vmem>>
    %dma_start3A_42 = arith.constant 0 : i32
    %dma_start3A_43 = arith.constant 0 : i32
    %dma_start3A_44 = tpu.memref_slice %arg3[%add3A_36, %dma_start3A_42, %dma_start3A_43] : memref<2560x2x128xi32, #tpu.memory_space<hbm>> -> memref<1x2x128xi32, #tpu.memory_space<hbm>>
    %dma_start3A_45 = tpu.memref_squeeze %dma_start3A_44 : memref<1x2x128xi32, #tpu.memory_space<hbm>> -> memref<2x128xi32, #tpu.memory_space<hbm>>
    %dma_start3A_46 = arith.constant 0 : i32
    %dma_start3A_47 = arith.constant 0 : i32
    %dma_start3A_48 = tpu.memref_slice %arg5[%dma_start3A_37, %dma_start3A_46, %dma_start3A_47] : memref<4x2x128xi32, #tpu.memory_space<vmem>> -> memref<1x2x128xi32, #tpu.memory_space<vmem>>
    %dma_start3A_49 = tpu.memref_squeeze %dma_start3A_48 : memref<1x2x128xi32, #tpu.memory_space<vmem>> -> memref<2x128xi32, #tpu.memory_space<vmem>>
    %dma_start3A_50 = arith.constant 0 : i32
    %dma_start3A_51 = arith.constant 0 : i32
    %dma_start3A_52 = tpu.memref_slice %arg3[%add3A_36, %dma_start3A_50, %dma_start3A_51] : memref<2560x2x128xi32, #tpu.memory_space<hbm>> -> memref<1x2x128xi32, #tpu.memory_space<hbm>>
    %dma_start3A_53 = tpu.memref_squeeze %dma_start3A_52 : memref<1x2x128xi32, #tpu.memory_space<hbm>> -> memref<2x128xi32, #tpu.memory_space<hbm>>
    tpu.enqueue_dma source(%dma_start3A_53 : memref<2x128xi32, #tpu.memory_space<hbm>>) target(%dma_start3A_49 : memref<2x128xi32, #tpu.memory_space<vmem>>) target_semaphore(%arg16 : memref<!tpu.dma_semaphore, #tpu.memory_space<semaphore_mem>>)
    %scan3A_54 = arith.constant 0 : i32
    %scan3A_55 = arith.constant 0 : i32
    %scan3A_56 = arith.constant 20 : i32
    %scan3A_57 = arith.addi %scan3A_55, %scan3A_56 : i32
    %scan3A_58 = arith.constant 1 : i32
    scf.for %scan3A_94 = %scan3A_55 to %scan3A_57 step %scan3A_58  : i32 {
      %mul3A_95 = arith.constant 4 : i32
      %mul3A_96 = arith.muli %scan3A_94, %mul3A_95 : i32
      %add3A_97 = arith.constant 0 : i32
      %add3A_98 = arith.addi %mul3A_96, %add3A_97 : i32
      %ge3A = arith.constant 2 : i32
      %ge3A_99 = arith.cmpi sge, %add3A_98, %ge3A : i32
      %convert_element_type3A = arith.extui %ge3A_99 : i1 to i32
      %cond3A = arith.constant 0 : i32
      %cond3A_100 = arith.cmpi ne, %convert_element_type3A, %cond3A : i32
      scf.if %cond3A_100 {
        %dma_wait3A_279 = arith.constant 2 : i32
        %dma_wait3A_280 = arith.constant 1 : i32
        %dma_wait3A_281 = arith.constant 0 : i32
        %dma_wait3A_282 = tpu.memref_slice %arg5[%dma_wait3A_279, %dma_wait3A_280, %dma_wait3A_281] : memref<4x2x128xi32, #tpu.memory_space<vmem>> -> memref<1x1x128xi32, #tpu.memory_space<vmem>>
        %dma_wait3A_283 = tpu.memref_squeeze %dma_wait3A_282 : memref<1x1x128xi32, #tpu.memory_space<vmem>> -> memref<128xi32, #tpu.memory_space<vmem>>
        %dma_wait3A_284 = arith.constant 0 : i32
        %dma_wait3A_285 = arith.constant 0 : i32
        %dma_wait3A_286 = tpu.memref_slice %arg10[%dma_wait3A_284, %dma_wait3A_285] : memref<10112x128xf32, #tpu.memory_space<vmem_shared>> -> memref<10112x128xf32, #tpu.memory_space<vmem_shared>>
        tpu.wait_indirect_dma semaphore(%arg13 : memref<!tpu.dma_semaphore, #tpu.memory_space<semaphore_mem>>) src(%arg6 : memref<128x128xf32, #tpu.memory_space<vmem>>) dst(%dma_wait3A_286 : memref<10112x128xf32, #tpu.memory_space<vmem_shared>>)
      } else {
      }
      %add3A_101 = arith.addi %mul3A_2, %add3A_98 : i32
      %dma_wait3A_102 = arith.constant 0 : i32
      %dma_wait3A_103 = arith.constant 0 : i32
      %dma_wait3A_104 = arith.constant 0 : i32
      %dma_wait3A_105 = tpu.memref_slice %arg5[%dma_wait3A_102, %dma_wait3A_103, %dma_wait3A_104] : memref<4x2x128xi32, #tpu.memory_space<vmem>> -> memref<1x2x128xi32, #tpu.memory_space<vmem>>
      %dma_wait3A_106 = tpu.memref_squeeze %dma_wait3A_105 : memref<1x2x128xi32, #tpu.memory_space<vmem>> -> memref<2x128xi32, #tpu.memory_space<vmem>>
      %dma_wait3A_107 = arith.constant 0 : i32
      %dma_wait3A_108 = arith.constant 0 : i32
      %dma_wait3A_109 = tpu.memref_slice %arg3[%add3A_101, %dma_wait3A_107, %dma_wait3A_108] : memref<2560x2x128xi32, #tpu.memory_space<hbm>> -> memref<1x2x128xi32, #tpu.memory_space<hbm>>
      %dma_wait3A_110 = tpu.memref_squeeze %dma_wait3A_109 : memref<1x2x128xi32, #tpu.memory_space<hbm>> -> memref<2x128xi32, #tpu.memory_space<hbm>>
      %dma_wait3A_111 = arith.constant 0 : i32
      %dma_wait3A_112 = arith.constant 0 : i32
      %dma_wait3A_113 = tpu.memref_slice %arg5[%dma_wait3A_102, %dma_wait3A_111, %dma_wait3A_112] : memref<4x2x128xi32, #tpu.memory_space<vmem>> -> memref<1x2x128xi32, #tpu.memory_space<vmem>>
      %dma_wait3A_114 = tpu.memref_squeeze %dma_wait3A_113 : memref<1x2x128xi32, #tpu.memory_space<vmem>> -> memref<2x128xi32, #tpu.memory_space<vmem>>
      %dma_wait3A_115 = arith.constant 0 : i32
      %dma_wait3A_116 = arith.constant 0 : i32
      %dma_wait3A_117 = tpu.memref_slice %arg3[%add3A_101, %dma_wait3A_115, %dma_wait3A_116] : memref<2560x2x128xi32, #tpu.memory_space<hbm>> -> memref<1x2x128xi32, #tpu.memory_space<hbm>>
      %dma_wait3A_118 = tpu.memref_squeeze %dma_wait3A_117 : memref<1x2x128xi32, #tpu.memory_space<hbm>> -> memref<2x128xi32, #tpu.memory_space<hbm>>
      tpu.wait_dma2 semaphore(%arg15 : memref<!tpu.dma_semaphore, #tpu.memory_space<semaphore_mem>>) src(%dma_wait3A_118 : memref<2x128xi32, #tpu.memory_space<hbm>>) dst(%dma_wait3A_114 : memref<2x128xi32, #tpu.memory_space<vmem>>)
      %dma_start3A_119 = arith.constant 0 : i32
      %dma_start3A_120 = arith.constant 0 : i32
      %dma_start3A_121 = arith.constant 0 : i32
      %dma_start3A_122 = tpu.memref_slice %arg5[%dma_start3A_119, %dma_start3A_120, %dma_start3A_121] : memref<4x2x128xi32, #tpu.memory_space<vmem>> -> memref<1x1x128xi32, #tpu.memory_space<vmem>>
      %dma_start3A_123 = tpu.memref_squeeze %dma_start3A_122 : memref<1x1x128xi32, #tpu.memory_space<vmem>> -> memref<128xi32, #tpu.memory_space<vmem>>
      %dma_start3A_124 = arith.constant 0 : i32
      %dma_start3A_125 = arith.constant 0 : i32
      %dma_start3A_126 = tpu.memref_slice %arg2[%dma_start3A_124, %dma_start3A_125] : memref<10000x128xf32, #tpu.memory_space<hbm>> -> memref<10000x128xf32, #tpu.memory_space<hbm>>
      tpu.enqueue_indirect_dma source(%dma_start3A_126 : memref<10000x128xf32, #tpu.memory_space<hbm>>) target(%arg6 : memref<128x128xf32, #tpu.memory_space<vmem>>) offsets(%dma_start3A_123 : memref<128xi32, #tpu.memory_space<vmem>>) semaphore(%arg11 : memref<!tpu.dma_semaphore, #tpu.memory_space<semaphore_mem>>)
      %add3A_127 = arith.constant 2 : i32
      %add3A_128 = arith.addi %add3A_98, %add3A_127 : i32
      %lt3A = arith.constant 80 : i32
      %lt3A_129 = arith.cmpi slt, %add3A_128, %lt3A : i32
      %convert_element_type3A_130 = arith.extui %lt3A_129 : i1 to i32
      %cond3A_131 = arith.constant 0 : i32
      %cond3A_132 = arith.cmpi ne, %convert_element_type3A_130, %cond3A_131 : i32
      scf.if %cond3A_132 {
        %add3A_279 = arith.constant 2 : i32
        %add3A_280 = arith.addi %add3A_98, %add3A_279 : i32
        %add3A_281 = arith.addi %mul3A_2, %add3A_280 : i32
        %dma_start3A_282 = arith.constant 2 : i32
        %dma_start3A_283 = arith.constant 0 : i32
        %dma_start3A_284 = arith.constant 0 : i32
        %dma_start3A_285 = tpu.memref_slice %arg5[%dma_start3A_282, %dma_start3A_283, %dma_start3A_284] : memref<4x2x128xi32, #tpu.memory_space<vmem>> -> memref<1x2x128xi32, #tpu.memory_space<vmem>>
        %dma_start3A_286 = tpu.memref_squeeze %dma_start3A_285 : memref<1x2x128xi32, #tpu.memory_space<vmem>> -> memref<2x128xi32, #tpu.memory_space<vmem>>
        %dma_start3A_287 = arith.constant 0 : i32
        %dma_start3A_288 = arith.constant 0 : i32
        %dma_start3A_289 = tpu.memref_slice %arg3[%add3A_281, %dma_start3A_287, %dma_start3A_288] : memref<2560x2x128xi32, #tpu.memory_space<hbm>> -> memref<1x2x128xi32, #tpu.memory_space<hbm>>
        %dma_start3A_290 = tpu.memref_squeeze %dma_start3A_289 : memref<1x2x128xi32, #tpu.memory_space<hbm>> -> memref<2x128xi32, #tpu.memory_space<hbm>>
        %dma_start3A_291 = arith.constant 0 : i32
        %dma_start3A_292 = arith.constant 0 : i32
        %dma_start3A_293 = tpu.memref_slice %arg5[%dma_start3A_282, %dma_start3A_291, %dma_start3A_292] : memref<4x2x128xi32, #tpu.memory_space<vmem>> -> memref<1x2x128xi32, #tpu.memory_space<vmem>>
        %dma_start3A_294 = tpu.memref_squeeze %dma_start3A_293 : memref<1x2x128xi32, #tpu.memory_space<vmem>> -> memref<2x128xi32, #tpu.memory_space<vmem>>
        %dma_start3A_295 = arith.constant 0 : i32
        %dma_start3A_296 = arith.constant 0 : i32
        %dma_start3A_297 = tpu.memref_slice %arg3[%add3A_281, %dma_start3A_295, %dma_start3A_296] : memref<2560x2x128xi32, #tpu.memory_space<hbm>> -> memref<1x2x128xi32, #tpu.memory_space<hbm>>
        %dma_start3A_298 = tpu.memref_squeeze %dma_start3A_297 : memref<1x2x128xi32, #tpu.memory_space<hbm>> -> memref<2x128xi32, #tpu.memory_space<hbm>>
        tpu.enqueue_dma source(%dma_start3A_298 : memref<2x128xi32, #tpu.memory_space<hbm>>) target(%dma_start3A_294 : memref<2x128xi32, #tpu.memory_space<vmem>>) target_semaphore(%arg17 : memref<!tpu.dma_semaphore, #tpu.memory_space<semaphore_mem>>)
      } else {
      }
      %ge3A_133 = arith.constant 1 : i32
      %ge3A_134 = arith.cmpi sge, %add3A_98, %ge3A_133 : i32
      %convert_element_type3A_135 = arith.extui %ge3A_134 : i1 to i32
      %cond3A_136 = arith.constant 0 : i32
      %cond3A_137 = arith.cmpi ne, %convert_element_type3A_135, %cond3A_136 : i32
      scf.if %cond3A_137 {
        %dma_wait3A_279 = arith.constant 3 : i32
        %dma_wait3A_280 = arith.constant 0 : i32
        %dma_wait3A_281 = arith.constant 0 : i32
        %dma_wait3A_282 = tpu.memref_slice %arg5[%dma_wait3A_279, %dma_wait3A_280, %dma_wait3A_281] : memref<4x2x128xi32, #tpu.memory_space<vmem>> -> memref<1x1x128xi32, #tpu.memory_space<vmem>>
        %dma_wait3A_283 = tpu.memref_squeeze %dma_wait3A_282 : memref<1x1x128xi32, #tpu.memory_space<vmem>> -> memref<128xi32, #tpu.memory_space<vmem>>
        %dma_wait3A_284 = arith.constant 0 : i32
        %dma_wait3A_285 = arith.constant 0 : i32
        %dma_wait3A_286 = tpu.memref_slice %arg2[%dma_wait3A_284, %dma_wait3A_285] : memref<10000x128xf32, #tpu.memory_space<hbm>> -> memref<10000x128xf32, #tpu.memory_space<hbm>>
        tpu.wait_indirect_dma semaphore(%arg12 : memref<!tpu.dma_semaphore, #tpu.memory_space<semaphore_mem>>) src(%dma_wait3A_286 : memref<10000x128xf32, #tpu.memory_space<hbm>>) dst(%arg7 : memref<128x128xf32, #tpu.memory_space<vmem>>)
        %dma_start3A_287 = arith.constant 3 : i32
        %dma_start3A_288 = arith.constant 1 : i32
        %dma_start3A_289 = arith.constant 0 : i32
        %dma_start3A_290 = tpu.memref_slice %arg5[%dma_start3A_287, %dma_start3A_288, %dma_start3A_289] : memref<4x2x128xi32, #tpu.memory_space<vmem>> -> memref<1x1x128xi32, #tpu.memory_space<vmem>>
        %dma_start3A_291 = tpu.memref_squeeze %dma_start3A_290 : memref<1x1x128xi32, #tpu.memory_space<vmem>> -> memref<128xi32, #tpu.memory_space<vmem>>
        %dma_start3A_292 = arith.constant 0 : i32
        %dma_start3A_293 = arith.constant 0 : i32
        %dma_start3A_294 = tpu.memref_slice %arg10[%dma_start3A_292, %dma_start3A_293] : memref<10112x128xf32, #tpu.memory_space<vmem_shared>> -> memref<10112x128xf32, #tpu.memory_space<vmem_shared>>
        tpu.enqueue_indirect_dma source(%arg7 : memref<128x128xf32, #tpu.memory_space<vmem>>) target(%dma_start3A_294 : memref<10112x128xf32, #tpu.memory_space<vmem_shared>>) offsets(%dma_start3A_291 : memref<128xi32, #tpu.memory_space<vmem>>) semaphore(%arg14 : memref<!tpu.dma_semaphore, #tpu.memory_space<semaphore_mem>>) {add = true}
      } else {
      }
      %mul3A_138 = arith.constant 4 : i32
      %mul3A_139 = arith.muli %scan3A_94, %mul3A_138 : i32
      %add3A_140 = arith.constant 1 : i32
      %add3A_141 = arith.addi %mul3A_139, %add3A_140 : i32
      %ge3A_142 = arith.constant 2 : i32
      %ge3A_143 = arith.cmpi sge, %add3A_141, %ge3A_142 : i32
      %convert_element_type3A_144 = arith.extui %ge3A_143 : i1 to i32
      %cond3A_145 = arith.constant 0 : i32
      %cond3A_146 = arith.cmpi ne, %convert_element_type3A_144, %cond3A_145 : i32
      scf.if %cond3A_146 {
        %dma_wait3A_279 = arith.constant 3 : i32
        %dma_wait3A_280 = arith.constant 1 : i32
        %dma_wait3A_281 = arith.constant 0 : i32
        %dma_wait3A_282 = tpu.memref_slice %arg5[%dma_wait3A_279, %dma_wait3A_280, %dma_wait3A_281] : memref<4x2x128xi32, #tpu.memory_space<vmem>> -> memref<1x1x128xi32, #tpu.memory_space<vmem>>
        %dma_wait3A_283 = tpu.memref_squeeze %dma_wait3A_282 : memref<1x1x128xi32, #tpu.memory_space<vmem>> -> memref<128xi32, #tpu.memory_space<vmem>>
        %dma_wait3A_284 = arith.constant 0 : i32
        %dma_wait3A_285 = arith.constant 0 : i32
        %dma_wait3A_286 = tpu.memref_slice %arg10[%dma_wait3A_284, %dma_wait3A_285] : memref<10112x128xf32, #tpu.memory_space<vmem_shared>> -> memref<10112x128xf32, #tpu.memory_space<vmem_shared>>
        tpu.wait_indirect_dma semaphore(%arg14 : memref<!tpu.dma_semaphore, #tpu.memory_space<semaphore_mem>>) src(%arg7 : memref<128x128xf32, #tpu.memory_space<vmem>>) dst(%dma_wait3A_286 : memref<10112x128xf32, #tpu.memory_space<vmem_shared>>)
      } else {
      }
      %add3A_147 = arith.addi %mul3A_2, %add3A_141 : i32
      %dma_wait3A_148 = arith.constant 1 : i32
      %dma_wait3A_149 = arith.constant 0 : i32
      %dma_wait3A_150 = arith.constant 0 : i32
      %dma_wait3A_151 = tpu.memref_slice %arg5[%dma_wait3A_148, %dma_wait3A_149, %dma_wait3A_150] : memref<4x2x128xi32, #tpu.memory_space<vmem>> -> memref<1x2x128xi32, #tpu.memory_space<vmem>>
      %dma_wait3A_152 = tpu.memref_squeeze %dma_wait3A_151 : memref<1x2x128xi32, #tpu.memory_space<vmem>> -> memref<2x128xi32, #tpu.memory_space<vmem>>
      %dma_wait3A_153 = arith.constant 0 : i32
      %dma_wait3A_154 = arith.constant 0 : i32
      %dma_wait3A_155 = tpu.memref_slice %arg3[%add3A_147, %dma_wait3A_153, %dma_wait3A_154] : memref<2560x2x128xi32, #tpu.memory_space<hbm>> -> memref<1x2x128xi32, #tpu.memory_space<hbm>>
      %dma_wait3A_156 = tpu.memref_squeeze %dma_wait3A_155 : memref<1x2x128xi32, #tpu.memory_space<hbm>> -> memref<2x128xi32, #tpu.memory_space<hbm>>
      %dma_wait3A_157 = arith.constant 0 : i32
      %dma_wait3A_158 = arith.constant 0 : i32
      %dma_wait3A_159 = tpu.memref_slice %arg5[%dma_wait3A_148, %dma_wait3A_157, %dma_wait3A_158] : memref<4x2x128xi32, #tpu.memory_space<vmem>> -> memref<1x2x128xi32, #tpu.memory_space<vmem>>
      %dma_wait3A_160 = tpu.memref_squeeze %dma_wait3A_159 : memref<1x2x128xi32, #tpu.memory_space<vmem>> -> memref<2x128xi32, #tpu.memory_space<vmem>>
      %dma_wait3A_161 = arith.constant 0 : i32
      %dma_wait3A_162 = arith.constant 0 : i32
      %dma_wait3A_163 = tpu.memref_slice %arg3[%add3A_147, %dma_wait3A_161, %dma_wait3A_162] : memref<2560x2x128xi32, #tpu.memory_space<hbm>> -> memref<1x2x128xi32, #tpu.memory_space<hbm>>
      %dma_wait3A_164 = tpu.memref_squeeze %dma_wait3A_163 : memref<1x2x128xi32, #tpu.memory_space<hbm>> -> memref<2x128xi32, #tpu.memory_space<hbm>>
      tpu.wait_dma2 semaphore(%arg16 : memref<!tpu.dma_semaphore, #tpu.memory_space<semaphore_mem>>) src(%dma_wait3A_164 : memref<2x128xi32, #tpu.memory_space<hbm>>) dst(%dma_wait3A_160 : memref<2x128xi32, #tpu.memory_space<vmem>>)
      %dma_start3A_165 = arith.constant 1 : i32
      %dma_start3A_166 = arith.constant 0 : i32
      %dma_start3A_167 = arith.constant 0 : i32
      %dma_start3A_168 = tpu.memref_slice %arg5[%dma_start3A_165, %dma_start3A_166, %dma_start3A_167] : memref<4x2x128xi32, #tpu.memory_space<vmem>> -> memref<1x1x128xi32, #tpu.memory_space<vmem>>
      %dma_start3A_169 = tpu.memref_squeeze %dma_start3A_168 : memref<1x1x128xi32, #tpu.memory_space<vmem>> -> memref<128xi32, #tpu.memory_space<vmem>>
      %dma_start3A_170 = arith.constant 0 : i32
      %dma_start3A_171 = arith.constant 0 : i32
      %dma_start3A_172 = tpu.memref_slice %arg2[%dma_start3A_170, %dma_start3A_171] : memref<10000x128xf32, #tpu.memory_space<hbm>> -> memref<10000x128xf32, #tpu.memory_space<hbm>>
      tpu.enqueue_indirect_dma source(%dma_start3A_172 : memref<10000x128xf32, #tpu.memory_space<hbm>>) target(%arg7 : memref<128x128xf32, #tpu.memory_space<vmem>>) offsets(%dma_start3A_169 : memref<128xi32, #tpu.memory_space<vmem>>) semaphore(%arg12 : memref<!tpu.dma_semaphore, #tpu.memory_space<semaphore_mem>>)
      %add3A_173 = arith.constant 2 : i32
      %add3A_174 = arith.addi %add3A_141, %add3A_173 : i32
      %lt3A_175 = arith.constant 80 : i32
      %lt3A_176 = arith.cmpi slt, %add3A_174, %lt3A_175 : i32
      %convert_element_type3A_177 = arith.extui %lt3A_176 : i1 to i32
      %cond3A_178 = arith.constant 0 : i32
      %cond3A_179 = arith.cmpi ne, %convert_element_type3A_177, %cond3A_178 : i32
      scf.if %cond3A_179 {
        %add3A_279 = arith.constant 2 : i32
        %add3A_280 = arith.addi %add3A_141, %add3A_279 : i32
        %add3A_281 = arith.addi %mul3A_2, %add3A_280 : i32
        %dma_start3A_282 = arith.constant 3 : i32
        %dma_start3A_283 = arith.constant 0 : i32
        %dma_start3A_284 = arith.constant 0 : i32
        %dma_start3A_285 = tpu.memref_slice %arg5[%dma_start3A_282, %dma_start3A_283, %dma_start3A_284] : memref<4x2x128xi32, #tpu.memory_space<vmem>> -> memref<1x2x128xi32, #tpu.memory_space<vmem>>
        %dma_start3A_286 = tpu.memref_squeeze %dma_start3A_285 : memref<1x2x128xi32, #tpu.memory_space<vmem>> -> memref<2x128xi32, #tpu.memory_space<vmem>>
        %dma_start3A_287 = arith.constant 0 : i32
        %dma_start3A_288 = arith.constant 0 : i32
        %dma_start3A_289 = tpu.memref_slice %arg3[%add3A_281, %dma_start3A_287, %dma_start3A_288] : memref<2560x2x128xi32, #tpu.memory_space<hbm>> -> memref<1x2x128xi32, #tpu.memory_space<hbm>>
        %dma_start3A_290 = tpu.memref_squeeze %dma_start3A_289 : memref<1x2x128xi32, #tpu.memory_space<hbm>> -> memref<2x128xi32, #tpu.memory_space<hbm>>
        %dma_start3A_291 = arith.constant 0 : i32
        %dma_start3A_292 = arith.constant 0 : i32
        %dma_start3A_293 = tpu.memref_slice %arg5[%dma_start3A_282, %dma_start3A_291, %dma_start3A_292] : memref<4x2x128xi32, #tpu.memory_space<vmem>> -> memref<1x2x128xi32, #tpu.memory_space<vmem>>
        %dma_start3A_294 = tpu.memref_squeeze %dma_start3A_293 : memref<1x2x128xi32, #tpu.memory_space<vmem>> -> memref<2x128xi32, #tpu.memory_space<vmem>>
        %dma_start3A_295 = arith.constant 0 : i32
        %dma_start3A_296 = arith.constant 0 : i32
        %dma_start3A_297 = tpu.memref_slice %arg3[%add3A_281, %dma_start3A_295, %dma_start3A_296] : memref<2560x2x128xi32, #tpu.memory_space<hbm>> -> memref<1x2x128xi32, #tpu.memory_space<hbm>>
        %dma_start3A_298 = tpu.memref_squeeze %dma_start3A_297 : memref<1x2x128xi32, #tpu.memory_space<hbm>> -> memref<2x128xi32, #tpu.memory_space<hbm>>
        tpu.enqueue_dma source(%dma_start3A_298 : memref<2x128xi32, #tpu.memory_space<hbm>>) target(%dma_start3A_294 : memref<2x128xi32, #tpu.memory_space<vmem>>) target_semaphore(%arg18 : memref<!tpu.dma_semaphore, #tpu.memory_space<semaphore_mem>>)
      } else {
      }
      %ge3A_180 = arith.constant 1 : i32
      %ge3A_181 = arith.cmpi sge, %add3A_141, %ge3A_180 : i32
      %convert_element_type3A_182 = arith.extui %ge3A_181 : i1 to i32
      %cond3A_183 = arith.constant 0 : i32
      %cond3A_184 = arith.cmpi ne, %convert_element_type3A_182, %cond3A_183 : i32
      scf.if %cond3A_184 {
        %dma_wait3A_279 = arith.constant 0 : i32
        %dma_wait3A_280 = arith.constant 0 : i32
        %dma_wait3A_281 = arith.constant 0 : i32
        %dma_wait3A_282 = tpu.memref_slice %arg5[%dma_wait3A_279, %dma_wait3A_280, %dma_wait3A_281] : memref<4x2x128xi32, #tpu.memory_space<vmem>> -> memref<1x1x128xi32, #tpu.memory_space<vmem>>
        %dma_wait3A_283 = tpu.memref_squeeze %dma_wait3A_282 : memref<1x1x128xi32, #tpu.memory_space<vmem>> -> memref<128xi32, #tpu.memory_space<vmem>>
        %dma_wait3A_284 = arith.constant 0 : i32
        %dma_wait3A_285 = arith.constant 0 : i32
        %dma_wait3A_286 = tpu.memref_slice %arg2[%dma_wait3A_284, %dma_wait3A_285] : memref<10000x128xf32, #tpu.memory_space<hbm>> -> memref<10000x128xf32, #tpu.memory_space<hbm>>
        tpu.wait_indirect_dma semaphore(%arg11 : memref<!tpu.dma_semaphore, #tpu.memory_space<semaphore_mem>>) src(%dma_wait3A_286 : memref<10000x128xf32, #tpu.memory_space<hbm>>) dst(%arg6 : memref<128x128xf32, #tpu.memory_space<vmem>>)
        %dma_start3A_287 = arith.constant 0 : i32
        %dma_start3A_288 = arith.constant 1 : i32
        %dma_start3A_289 = arith.constant 0 : i32
        %dma_start3A_290 = tpu.memref_slice %arg5[%dma_start3A_287, %dma_start3A_288, %dma_start3A_289] : memref<4x2x128xi32, #tpu.memory_space<vmem>> -> memref<1x1x128xi32, #tpu.memory_space<vmem>>
        %dma_start3A_291 = tpu.memref_squeeze %dma_start3A_290 : memref<1x1x128xi32, #tpu.memory_space<vmem>> -> memref<128xi32, #tpu.memory_space<vmem>>
        %dma_start3A_292 = arith.constant 0 : i32
        %dma_start3A_293 = arith.constant 0 : i32
        %dma_start3A_294 = tpu.memref_slice %arg10[%dma_start3A_292, %dma_start3A_293] : memref<10112x128xf32, #tpu.memory_space<vmem_shared>> -> memref<10112x128xf32, #tpu.memory_space<vmem_shared>>
        tpu.enqueue_indirect_dma source(%arg6 : memref<128x128xf32, #tpu.memory_space<vmem>>) target(%dma_start3A_294 : memref<10112x128xf32, #tpu.memory_space<vmem_shared>>) offsets(%dma_start3A_291 : memref<128xi32, #tpu.memory_space<vmem>>) semaphore(%arg13 : memref<!tpu.dma_semaphore, #tpu.memory_space<semaphore_mem>>) {add = true}
      } else {
      }
      %mul3A_185 = arith.constant 4 : i32
      %mul3A_186 = arith.muli %scan3A_94, %mul3A_185 : i32
      %add3A_187 = arith.constant 2 : i32
      %add3A_188 = arith.addi %mul3A_186, %add3A_187 : i32
      %ge3A_189 = arith.constant 2 : i32
      %ge3A_190 = arith.cmpi sge, %add3A_188, %ge3A_189 : i32
      %convert_element_type3A_191 = arith.extui %ge3A_190 : i1 to i32
      %cond3A_192 = arith.constant 0 : i32
      %cond3A_193 = arith.cmpi ne, %convert_element_type3A_191, %cond3A_192 : i32
      scf.if %cond3A_193 {
        %dma_wait3A_279 = arith.constant 0 : i32
        %dma_wait3A_280 = arith.constant 1 : i32
        %dma_wait3A_281 = arith.constant 0 : i32
        %dma_wait3A_282 = tpu.memref_slice %arg5[%dma_wait3A_279, %dma_wait3A_280, %dma_wait3A_281] : memref<4x2x128xi32, #tpu.memory_space<vmem>> -> memref<1x1x128xi32, #tpu.memory_space<vmem>>
        %dma_wait3A_283 = tpu.memref_squeeze %dma_wait3A_282 : memref<1x1x128xi32, #tpu.memory_space<vmem>> -> memref<128xi32, #tpu.memory_space<vmem>>
        %dma_wait3A_284 = arith.constant 0 : i32
        %dma_wait3A_285 = arith.constant 0 : i32
        %dma_wait3A_286 = tpu.memref_slice %arg10[%dma_wait3A_284, %dma_wait3A_285] : memref<10112x128xf32, #tpu.memory_space<vmem_shared>> -> memref<10112x128xf32, #tpu.memory_space<vmem_shared>>
        tpu.wait_indirect_dma semaphore(%arg13 : memref<!tpu.dma_semaphore, #tpu.memory_space<semaphore_mem>>) src(%arg6 : memref<128x128xf32, #tpu.memory_space<vmem>>) dst(%dma_wait3A_286 : memref<10112x128xf32, #tpu.memory_space<vmem_shared>>)
      } else {
      }
      %add3A_194 = arith.addi %mul3A_2, %add3A_188 : i32
      %dma_wait3A_195 = arith.constant 2 : i32
      %dma_wait3A_196 = arith.constant 0 : i32
      %dma_wait3A_197 = arith.constant 0 : i32
      %dma_wait3A_198 = tpu.memref_slice %arg5[%dma_wait3A_195, %dma_wait3A_196, %dma_wait3A_197] : memref<4x2x128xi32, #tpu.memory_space<vmem>> -> memref<1x2x128xi32, #tpu.memory_space<vmem>>
      %dma_wait3A_199 = tpu.memref_squeeze %dma_wait3A_198 : memref<1x2x128xi32, #tpu.memory_space<vmem>> -> memref<2x128xi32, #tpu.memory_space<vmem>>
      %dma_wait3A_200 = arith.constant 0 : i32
      %dma_wait3A_201 = arith.constant 0 : i32
      %dma_wait3A_202 = tpu.memref_slice %arg3[%add3A_194, %dma_wait3A_200, %dma_wait3A_201] : memref<2560x2x128xi32, #tpu.memory_space<hbm>> -> memref<1x2x128xi32, #tpu.memory_space<hbm>>
      %dma_wait3A_203 = tpu.memref_squeeze %dma_wait3A_202 : memref<1x2x128xi32, #tpu.memory_space<hbm>> -> memref<2x128xi32, #tpu.memory_space<hbm>>
      %dma_wait3A_204 = arith.constant 0 : i32
      %dma_wait3A_205 = arith.constant 0 : i32
      %dma_wait3A_206 = tpu.memref_slice %arg5[%dma_wait3A_195, %dma_wait3A_204, %dma_wait3A_205] : memref<4x2x128xi32, #tpu.memory_space<vmem>> -> memref<1x2x128xi32, #tpu.memory_space<vmem>>
      %dma_wait3A_207 = tpu.memref_squeeze %dma_wait3A_206 : memref<1x2x128xi32, #tpu.memory_space<vmem>> -> memref<2x128xi32, #tpu.memory_space<vmem>>
      %dma_wait3A_208 = arith.constant 0 : i32
      %dma_wait3A_209 = arith.constant 0 : i32
      %dma_wait3A_210 = tpu.memref_slice %arg3[%add3A_194, %dma_wait3A_208, %dma_wait3A_209] : memref<2560x2x128xi32, #tpu.memory_space<hbm>> -> memref<1x2x128xi32, #tpu.memory_space<hbm>>
      %dma_wait3A_211 = tpu.memref_squeeze %dma_wait3A_210 : memref<1x2x128xi32, #tpu.memory_space<hbm>> -> memref<2x128xi32, #tpu.memory_space<hbm>>
      tpu.wait_dma2 semaphore(%arg17 : memref<!tpu.dma_semaphore, #tpu.memory_space<semaphore_mem>>) src(%dma_wait3A_211 : memref<2x128xi32, #tpu.memory_space<hbm>>) dst(%dma_wait3A_207 : memref<2x128xi32, #tpu.memory_space<vmem>>)
      %dma_start3A_212 = arith.constant 2 : i32
      %dma_start3A_213 = arith.constant 0 : i32
      %dma_start3A_214 = arith.constant 0 : i32
      %dma_start3A_215 = tpu.memref_slice %arg5[%dma_start3A_212, %dma_start3A_213, %dma_start3A_214] : memref<4x2x128xi32, #tpu.memory_space<vmem>> -> memref<1x1x128xi32, #tpu.memory_space<vmem>>
      %dma_start3A_216 = tpu.memref_squeeze %dma_start3A_215 : memref<1x1x128xi32, #tpu.memory_space<vmem>> -> memref<128xi32, #tpu.memory_space<vmem>>
      %dma_start3A_217 = arith.constant 0 : i32
      %dma_start3A_218 = arith.constant 0 : i32
      %dma_start3A_219 = tpu.memref_slice %arg2[%dma_start3A_217, %dma_start3A_218] : memref<10000x128xf32, #tpu.memory_space<hbm>> -> memref<10000x128xf32, #tpu.memory_space<hbm>>
      tpu.enqueue_indirect_dma source(%dma_start3A_219 : memref<10000x128xf32, #tpu.memory_space<hbm>>) target(%arg6 : memref<128x128xf32, #tpu.memory_space<vmem>>) offsets(%dma_start3A_216 : memref<128xi32, #tpu.memory_space<vmem>>) semaphore(%arg11 : memref<!tpu.dma_semaphore, #tpu.memory_space<semaphore_mem>>)
      %add3A_220 = arith.constant 2 : i32
      %add3A_221 = arith.addi %add3A_188, %add3A_220 : i32
      %lt3A_222 = arith.constant 80 : i32
      %lt3A_223 = arith.cmpi slt, %add3A_221, %lt3A_222 : i32
      %convert_element_type3A_224 = arith.extui %lt3A_223 : i1 to i32
      %cond3A_225 = arith.constant 0 : i32
      %cond3A_226 = arith.cmpi ne, %convert_element_type3A_224, %cond3A_225 : i32
      scf.if %cond3A_226 {
        %add3A_279 = arith.constant 2 : i32
        %add3A_280 = arith.addi %add3A_188, %add3A_279 : i32
        %add3A_281 = arith.addi %mul3A_2, %add3A_280 : i32
        %dma_start3A_282 = arith.constant 0 : i32
        %dma_start3A_283 = arith.constant 0 : i32
        %dma_start3A_284 = arith.constant 0 : i32
        %dma_start3A_285 = tpu.memref_slice %arg5[%dma_start3A_282, %dma_start3A_283, %dma_start3A_284] : memref<4x2x128xi32, #tpu.memory_space<vmem>> -> memref<1x2x128xi32, #tpu.memory_space<vmem>>
        %dma_start3A_286 = tpu.memref_squeeze %dma_start3A_285 : memref<1x2x128xi32, #tpu.memory_space<vmem>> -> memref<2x128xi32, #tpu.memory_space<vmem>>
        %dma_start3A_287 = arith.constant 0 : i32
        %dma_start3A_288 = arith.constant 0 : i32
        %dma_start3A_289 = tpu.memref_slice %arg3[%add3A_281, %dma_start3A_287, %dma_start3A_288] : memref<2560x2x128xi32, #tpu.memory_space<hbm>> -> memref<1x2x128xi32, #tpu.memory_space<hbm>>
        %dma_start3A_290 = tpu.memref_squeeze %dma_start3A_289 : memref<1x2x128xi32, #tpu.memory_space<hbm>> -> memref<2x128xi32, #tpu.memory_space<hbm>>
        %dma_start3A_291 = arith.constant 0 : i32
        %dma_start3A_292 = arith.constant 0 : i32
        %dma_start3A_293 = tpu.memref_slice %arg5[%dma_start3A_282, %dma_start3A_291, %dma_start3A_292] : memref<4x2x128xi32, #tpu.memory_space<vmem>> -> memref<1x2x128xi32, #tpu.memory_space<vmem>>
        %dma_start3A_294 = tpu.memref_squeeze %dma_start3A_293 : memref<1x2x128xi32, #tpu.memory_space<vmem>> -> memref<2x128xi32, #tpu.memory_space<vmem>>
        %dma_start3A_295 = arith.constant 0 : i32
        %dma_start3A_296 = arith.constant 0 : i32
        %dma_start3A_297 = tpu.memref_slice %arg3[%add3A_281, %dma_start3A_295, %dma_start3A_296] : memref<2560x2x128xi32, #tpu.memory_space<hbm>> -> memref<1x2x128xi32, #tpu.memory_space<hbm>>
        %dma_start3A_298 = tpu.memref_squeeze %dma_start3A_297 : memref<1x2x128xi32, #tpu.memory_space<hbm>> -> memref<2x128xi32, #tpu.memory_space<hbm>>
        tpu.enqueue_dma source(%dma_start3A_298 : memref<2x128xi32, #tpu.memory_space<hbm>>) target(%dma_start3A_294 : memref<2x128xi32, #tpu.memory_space<vmem>>) target_semaphore(%arg15 : memref<!tpu.dma_semaphore, #tpu.memory_space<semaphore_mem>>)
      } else {
      }
      %ge3A_227 = arith.constant 1 : i32
      %ge3A_228 = arith.cmpi sge, %add3A_188, %ge3A_227 : i32
      %convert_element_type3A_229 = arith.extui %ge3A_228 : i1 to i32
      %cond3A_230 = arith.constant 0 : i32
      %cond3A_231 = arith.cmpi ne, %convert_element_type3A_229, %cond3A_230 : i32
      scf.if %cond3A_231 {
        %dma_wait3A_279 = arith.constant 1 : i32
        %dma_wait3A_280 = arith.constant 0 : i32
        %dma_wait3A_281 = arith.constant 0 : i32
        %dma_wait3A_282 = tpu.memref_slice %arg5[%dma_wait3A_279, %dma_wait3A_280, %dma_wait3A_281] : memref<4x2x128xi32, #tpu.memory_space<vmem>> -> memref<1x1x128xi32, #tpu.memory_space<vmem>>
        %dma_wait3A_283 = tpu.memref_squeeze %dma_wait3A_282 : memref<1x1x128xi32, #tpu.memory_space<vmem>> -> memref<128xi32, #tpu.memory_space<vmem>>
        %dma_wait3A_284 = arith.constant 0 : i32
        %dma_wait3A_285 = arith.constant 0 : i32
        %dma_wait3A_286 = tpu.memref_slice %arg2[%dma_wait3A_284, %dma_wait3A_285] : memref<10000x128xf32, #tpu.memory_space<hbm>> -> memref<10000x128xf32, #tpu.memory_space<hbm>>
        tpu.wait_indirect_dma semaphore(%arg12 : memref<!tpu.dma_semaphore, #tpu.memory_space<semaphore_mem>>) src(%dma_wait3A_286 : memref<10000x128xf32, #tpu.memory_space<hbm>>) dst(%arg7 : memref<128x128xf32, #tpu.memory_space<vmem>>)
        %dma_start3A_287 = arith.constant 1 : i32
        %dma_start3A_288 = arith.constant 1 : i32
        %dma_start3A_289 = arith.constant 0 : i32
        %dma_start3A_290 = tpu.memref_slice %arg5[%dma_start3A_287, %dma_start3A_288, %dma_start3A_289] : memref<4x2x128xi32, #tpu.memory_space<vmem>> -> memref<1x1x128xi32, #tpu.memory_space<vmem>>
        %dma_start3A_291 = tpu.memref_squeeze %dma_start3A_290 : memref<1x1x128xi32, #tpu.memory_space<vmem>> -> memref<128xi32, #tpu.memory_space<vmem>>
        %dma_start3A_292 = arith.constant 0 : i32
        %dma_start3A_293 = arith.constant 0 : i32
        %dma_start3A_294 = tpu.memref_slice %arg10[%dma_start3A_292, %dma_start3A_293] : memref<10112x128xf32, #tpu.memory_space<vmem_shared>> -> memref<10112x128xf32, #tpu.memory_space<vmem_shared>>
        tpu.enqueue_indirect_dma source(%arg7 : memref<128x128xf32, #tpu.memory_space<vmem>>) target(%dma_start3A_294 : memref<10112x128xf32, #tpu.memory_space<vmem_shared>>) offsets(%dma_start3A_291 : memref<128xi32, #tpu.memory_space<vmem>>) semaphore(%arg14 : memref<!tpu.dma_semaphore, #tpu.memory_space<semaphore_mem>>) {add = true}
      } else {
      }
      %mul3A_232 = arith.constant 4 : i32
      %mul3A_233 = arith.muli %scan3A_94, %mul3A_232 : i32
      %add3A_234 = arith.constant 3 : i32
      %add3A_235 = arith.addi %mul3A_233, %add3A_234 : i32
      %ge3A_236 = arith.constant 2 : i32
      %ge3A_237 = arith.cmpi sge, %add3A_235, %ge3A_236 : i32
      %convert_element_type3A_238 = arith.extui %ge3A_237 : i1 to i32
      %cond3A_239 = arith.constant 0 : i32
      %cond3A_240 = arith.cmpi ne, %convert_element_type3A_238, %cond3A_239 : i32
      scf.if %cond3A_240 {
        %dma_wait3A_279 = arith.constant 1 : i32
        %dma_wait3A_280 = arith.constant 1 : i32
        %dma_wait3A_281 = arith.constant 0 : i32
        %dma_wait3A_282 = tpu.memref_slice %arg5[%dma_wait3A_279, %dma_wait3A_280, %dma_wait3A_281] : memref<4x2x128xi32, #tpu.memory_space<vmem>> -> memref<1x1x128xi32, #tpu.memory_space<vmem>>
        %dma_wait3A_283 = tpu.memref_squeeze %dma_wait3A_282 : memref<1x1x128xi32, #tpu.memory_space<vmem>> -> memref<128xi32, #tpu.memory_space<vmem>>
        %dma_wait3A_284 = arith.constant 0 : i32
        %dma_wait3A_285 = arith.constant 0 : i32
        %dma_wait3A_286 = tpu.memref_slice %arg10[%dma_wait3A_284, %dma_wait3A_285] : memref<10112x128xf32, #tpu.memory_space<vmem_shared>> -> memref<10112x128xf32, #tpu.memory_space<vmem_shared>>
        tpu.wait_indirect_dma semaphore(%arg14 : memref<!tpu.dma_semaphore, #tpu.memory_space<semaphore_mem>>) src(%arg7 : memref<128x128xf32, #tpu.memory_space<vmem>>) dst(%dma_wait3A_286 : memref<10112x128xf32, #tpu.memory_space<vmem_shared>>)
      } else {
      }
      %add3A_241 = arith.addi %mul3A_2, %add3A_235 : i32
      %dma_wait3A_242 = arith.constant 3 : i32
      %dma_wait3A_243 = arith.constant 0 : i32
      %dma_wait3A_244 = arith.constant 0 : i32
      %dma_wait3A_245 = tpu.memref_slice %arg5[%dma_wait3A_242, %dma_wait3A_243, %dma_wait3A_244] : memref<4x2x128xi32, #tpu.memory_space<vmem>> -> memref<1x2x128xi32, #tpu.memory_space<vmem>>
      %dma_wait3A_246 = tpu.memref_squeeze %dma_wait3A_245 : memref<1x2x128xi32, #tpu.memory_space<vmem>> -> memref<2x128xi32, #tpu.memory_space<vmem>>
      %dma_wait3A_247 = arith.constant 0 : i32
      %dma_wait3A_248 = arith.constant 0 : i32
      %dma_wait3A_249 = tpu.memref_slice %arg3[%add3A_241, %dma_wait3A_247, %dma_wait3A_248] : memref<2560x2x128xi32, #tpu.memory_space<hbm>> -> memref<1x2x128xi32, #tpu.memory_space<hbm>>
      %dma_wait3A_250 = tpu.memref_squeeze %dma_wait3A_249 : memref<1x2x128xi32, #tpu.memory_space<hbm>> -> memref<2x128xi32, #tpu.memory_space<hbm>>
      %dma_wait3A_251 = arith.constant 0 : i32
      %dma_wait3A_252 = arith.constant 0 : i32
      %dma_wait3A_253 = tpu.memref_slice %arg5[%dma_wait3A_242, %dma_wait3A_251, %dma_wait3A_252] : memref<4x2x128xi32, #tpu.memory_space<vmem>> -> memref<1x2x128xi32, #tpu.memory_space<vmem>>
      %dma_wait3A_254 = tpu.memref_squeeze %dma_wait3A_253 : memref<1x2x128xi32, #tpu.memory_space<vmem>> -> memref<2x128xi32, #tpu.memory_space<vmem>>
      %dma_wait3A_255 = arith.constant 0 : i32
      %dma_wait3A_256 = arith.constant 0 : i32
      %dma_wait3A_257 = tpu.memref_slice %arg3[%add3A_241, %dma_wait3A_255, %dma_wait3A_256] : memref<2560x2x128xi32, #tpu.memory_space<hbm>> -> memref<1x2x128xi32, #tpu.memory_space<hbm>>
      %dma_wait3A_258 = tpu.memref_squeeze %dma_wait3A_257 : memref<1x2x128xi32, #tpu.memory_space<hbm>> -> memref<2x128xi32, #tpu.memory_space<hbm>>
      tpu.wait_dma2 semaphore(%arg18 : memref<!tpu.dma_semaphore, #tpu.memory_space<semaphore_mem>>) src(%dma_wait3A_258 : memref<2x128xi32, #tpu.memory_space<hbm>>) dst(%dma_wait3A_254 : memref<2x128xi32, #tpu.memory_space<vmem>>)
      %dma_start3A_259 = arith.constant 3 : i32
      %dma_start3A_260 = arith.constant 0 : i32
      %dma_start3A_261 = arith.constant 0 : i32
      %dma_start3A_262 = tpu.memref_slice %arg5[%dma_start3A_259, %dma_start3A_260, %dma_start3A_261] : memref<4x2x128xi32, #tpu.memory_space<vmem>> -> memref<1x1x128xi32, #tpu.memory_space<vmem>>
      %dma_start3A_263 = tpu.memref_squeeze %dma_start3A_262 : memref<1x1x128xi32, #tpu.memory_space<vmem>> -> memref<128xi32, #tpu.memory_space<vmem>>
      %dma_start3A_264 = arith.constant 0 : i32
      %dma_start3A_265 = arith.constant 0 : i32
      %dma_start3A_266 = tpu.memref_slice %arg2[%dma_start3A_264, %dma_start3A_265] : memref<10000x128xf32, #tpu.memory_space<hbm>> -> memref<10000x128xf32, #tpu.memory_space<hbm>>
      tpu.enqueue_indirect_dma source(%dma_start3A_266 : memref<10000x128xf32, #tpu.memory_space<hbm>>) target(%arg7 : memref<128x128xf32, #tpu.memory_space<vmem>>) offsets(%dma_start3A_263 : memref<128xi32, #tpu.memory_space<vmem>>) semaphore(%arg12 : memref<!tpu.dma_semaphore, #tpu.memory_space<semaphore_mem>>)
      %add3A_267 = arith.constant 2 : i32
      %add3A_268 = arith.addi %add3A_235, %add3A_267 : i32
      %lt3A_269 = arith.constant 80 : i32
      %lt3A_270 = arith.cmpi slt, %add3A_268, %lt3A_269 : i32
      %convert_element_type3A_271 = arith.extui %lt3A_270 : i1 to i32
      %cond3A_272 = arith.constant 0 : i32
      %cond3A_273 = arith.cmpi ne, %convert_element_type3A_271, %cond3A_272 : i32
      scf.if %cond3A_273 {
        %add3A_279 = arith.constant 2 : i32
        %add3A_280 = arith.addi %add3A_235, %add3A_279 : i32
        %add3A_281 = arith.addi %mul3A_2, %add3A_280 : i32
        %dma_start3A_282 = arith.constant 1 : i32
        %dma_start3A_283 = arith.constant 0 : i32
        %dma_start3A_284 = arith.constant 0 : i32
        %dma_start3A_285 = tpu.memref_slice %arg5[%dma_start3A_282, %dma_start3A_283, %dma_start3A_284] : memref<4x2x128xi32, #tpu.memory_space<vmem>> -> memref<1x2x128xi32, #tpu.memory_space<vmem>>
        %dma_start3A_286 = tpu.memref_squeeze %dma_start3A_285 : memref<1x2x128xi32, #tpu.memory_space<vmem>> -> memref<2x128xi32, #tpu.memory_space<vmem>>
        %dma_start3A_287 = arith.constant 0 : i32
        %dma_start3A_288 = arith.constant 0 : i32
        %dma_start3A_289 = tpu.memref_slice %arg3[%add3A_281, %dma_start3A_287, %dma_start3A_288] : memref<2560x2x128xi32, #tpu.memory_space<hbm>> -> memref<1x2x128xi32, #tpu.memory_space<hbm>>
        %dma_start3A_290 = tpu.memref_squeeze %dma_start3A_289 : memref<1x2x128xi32, #tpu.memory_space<hbm>> -> memref<2x128xi32, #tpu.memory_space<hbm>>
        %dma_start3A_291 = arith.constant 0 : i32
        %dma_start3A_292 = arith.constant 0 : i32
        %dma_start3A_293 = tpu.memref_slice %arg5[%dma_start3A_282, %dma_start3A_291, %dma_start3A_292] : memref<4x2x128xi32, #tpu.memory_space<vmem>> -> memref<1x2x128xi32, #tpu.memory_space<vmem>>
        %dma_start3A_294 = tpu.memref_squeeze %dma_start3A_293 : memref<1x2x128xi32, #tpu.memory_space<vmem>> -> memref<2x128xi32, #tpu.memory_space<vmem>>
        %dma_start3A_295 = arith.constant 0 : i32
        %dma_start3A_296 = arith.constant 0 : i32
        %dma_start3A_297 = tpu.memref_slice %arg3[%add3A_281, %dma_start3A_295, %dma_start3A_296] : memref<2560x2x128xi32, #tpu.memory_space<hbm>> -> memref<1x2x128xi32, #tpu.memory_space<hbm>>
        %dma_start3A_298 = tpu.memref_squeeze %dma_start3A_297 : memref<1x2x128xi32, #tpu.memory_space<hbm>> -> memref<2x128xi32, #tpu.memory_space<hbm>>
        tpu.enqueue_dma source(%dma_start3A_298 : memref<2x128xi32, #tpu.memory_space<hbm>>) target(%dma_start3A_294 : memref<2x128xi32, #tpu.memory_space<vmem>>) target_semaphore(%arg16 : memref<!tpu.dma_semaphore, #tpu.memory_space<semaphore_mem>>)
      } else {
      }
      %ge3A_274 = arith.constant 1 : i32
      %ge3A_275 = arith.cmpi sge, %add3A_235, %ge3A_274 : i32
      %convert_element_type3A_276 = arith.extui %ge3A_275 : i1 to i32
      %cond3A_277 = arith.constant 0 : i32
      %cond3A_278 = arith.cmpi ne, %convert_element_type3A_276, %cond3A_277 : i32
      scf.if %cond3A_278 {
        %dma_wait3A_279 = arith.constant 2 : i32
        %dma_wait3A_280 = arith.constant 0 : i32
        %dma_wait3A_281 = arith.constant 0 : i32
        %dma_wait3A_282 = tpu.memref_slice %arg5[%dma_wait3A_279, %dma_wait3A_280, %dma_wait3A_281] : memref<4x2x128xi32, #tpu.memory_space<vmem>> -> memref<1x1x128xi32, #tpu.memory_space<vmem>>
        %dma_wait3A_283 = tpu.memref_squeeze %dma_wait3A_282 : memref<1x1x128xi32, #tpu.memory_space<vmem>> -> memref<128xi32, #tpu.memory_space<vmem>>
        %dma_wait3A_284 = arith.constant 0 : i32
        %dma_wait3A_285 = arith.constant 0 : i32
        %dma_wait3A_286 = tpu.memref_slice %arg2[%dma_wait3A_284, %dma_wait3A_285] : memref<10000x128xf32, #tpu.memory_space<hbm>> -> memref<10000x128xf32, #tpu.memory_space<hbm>>
        tpu.wait_indirect_dma semaphore(%arg11 : memref<!tpu.dma_semaphore, #tpu.memory_space<semaphore_mem>>) src(%dma_wait3A_286 : memref<10000x128xf32, #tpu.memory_space<hbm>>) dst(%arg6 : memref<128x128xf32, #tpu.memory_space<vmem>>)
        %dma_start3A_287 = arith.constant 2 : i32
        %dma_start3A_288 = arith.constant 1 : i32
        %dma_start3A_289 = arith.constant 0 : i32
        %dma_start3A_290 = tpu.memref_slice %arg5[%dma_start3A_287, %dma_start3A_288, %dma_start3A_289] : memref<4x2x128xi32, #tpu.memory_space<vmem>> -> memref<1x1x128xi32, #tpu.memory_space<vmem>>
        %dma_start3A_291 = tpu.memref_squeeze %dma_start3A_290 : memref<1x1x128xi32, #tpu.memory_space<vmem>> -> memref<128xi32, #tpu.memory_space<vmem>>
        %dma_start3A_292 = arith.constant 0 : i32
        %dma_start3A_293 = arith.constant 0 : i32
        %dma_start3A_294 = tpu.memref_slice %arg10[%dma_start3A_292, %dma_start3A_293] : memref<10112x128xf32, #tpu.memory_space<vmem_shared>> -> memref<10112x128xf32, #tpu.memory_space<vmem_shared>>
        tpu.enqueue_indirect_dma source(%arg6 : memref<128x128xf32, #tpu.memory_space<vmem>>) target(%dma_start3A_294 : memref<10112x128xf32, #tpu.memory_space<vmem_shared>>) offsets(%dma_start3A_291 : memref<128xi32, #tpu.memory_space<vmem>>) semaphore(%arg13 : memref<!tpu.dma_semaphore, #tpu.memory_space<semaphore_mem>>) {add = true}
      } else {
      }
    }
    %scan3A_59 = arith.constant 20 : i32
    %dma_wait3A = arith.constant 3 : i32
    %dma_wait3A_60 = arith.constant 0 : i32
    %dma_wait3A_61 = arith.constant 0 : i32
    %dma_wait3A_62 = tpu.memref_slice %arg5[%dma_wait3A, %dma_wait3A_60, %dma_wait3A_61] : memref<4x2x128xi32, #tpu.memory_space<vmem>> -> memref<1x1x128xi32, #tpu.memory_space<vmem>>
    %dma_wait3A_63 = tpu.memref_squeeze %dma_wait3A_62 : memref<1x1x128xi32, #tpu.memory_space<vmem>> -> memref<128xi32, #tpu.memory_space<vmem>>
    %dma_wait3A_64 = arith.constant 0 : i32
    %dma_wait3A_65 = arith.constant 0 : i32
    %dma_wait3A_66 = tpu.memref_slice %arg2[%dma_wait3A_64, %dma_wait3A_65] : memref<10000x128xf32, #tpu.memory_space<hbm>> -> memref<10000x128xf32, #tpu.memory_space<hbm>>
    tpu.wait_indirect_dma semaphore(%arg12 : memref<!tpu.dma_semaphore, #tpu.memory_space<semaphore_mem>>) src(%dma_wait3A_66 : memref<10000x128xf32, #tpu.memory_space<hbm>>) dst(%arg7 : memref<128x128xf32, #tpu.memory_space<vmem>>)
    %dma_start3A_67 = arith.constant 3 : i32
    %dma_start3A_68 = arith.constant 1 : i32
    %dma_start3A_69 = arith.constant 0 : i32
    %dma_start3A_70 = tpu.memref_slice %arg5[%dma_start3A_67, %dma_start3A_68, %dma_start3A_69] : memref<4x2x128xi32, #tpu.memory_space<vmem>> -> memref<1x1x128xi32, #tpu.memory_space<vmem>>
    %dma_start3A_71 = tpu.memref_squeeze %dma_start3A_70 : memref<1x1x128xi32, #tpu.memory_space<vmem>> -> memref<128xi32, #tpu.memory_space<vmem>>
    %dma_start3A_72 = arith.constant 0 : i32
    %dma_start3A_73 = arith.constant 0 : i32
    %dma_start3A_74 = tpu.memref_slice %arg10[%dma_start3A_72, %dma_start3A_73] : memref<10112x128xf32, #tpu.memory_space<vmem_shared>> -> memref<10112x128xf32, #tpu.memory_space<vmem_shared>>
    tpu.enqueue_indirect_dma source(%arg7 : memref<128x128xf32, #tpu.memory_space<vmem>>) target(%dma_start3A_74 : memref<10112x128xf32, #tpu.memory_space<vmem_shared>>) offsets(%dma_start3A_71 : memref<128xi32, #tpu.memory_space<vmem>>) semaphore(%arg14 : memref<!tpu.dma_semaphore, #tpu.memory_space<semaphore_mem>>) {add = true}
    %dma_wait3A_75 = arith.constant 2 : i32
    %dma_wait3A_76 = arith.constant 1 : i32
    %dma_wait3A_77 = arith.constant 0 : i32
    %dma_wait3A_78 = tpu.memref_slice %arg5[%dma_wait3A_75, %dma_wait3A_76, %dma_wait3A_77] : memref<4x2x128xi32, #tpu.memory_space<vmem>> -> memref<1x1x128xi32, #tpu.memory_space<vmem>>
    %dma_wait3A_79 = tpu.memref_squeeze %dma_wait3A_78 : memref<1x1x128xi32, #tpu.memory_space<vmem>> -> memref<128xi32, #tpu.memory_space<vmem>>
    %dma_wait3A_80 = arith.constant 0 : i32
    %dma_wait3A_81 = arith.constant 0 : i32
    %dma_wait3A_82 = tpu.memref_slice %arg10[%dma_wait3A_80, %dma_wait3A_81] : memref<10112x128xf32, #tpu.memory_space<vmem_shared>> -> memref<10112x128xf32, #tpu.memory_space<vmem_shared>>
    tpu.wait_indirect_dma semaphore(%arg13 : memref<!tpu.dma_semaphore, #tpu.memory_space<semaphore_mem>>) src(%arg6 : memref<128x128xf32, #tpu.memory_space<vmem>>) dst(%dma_wait3A_82 : memref<10112x128xf32, #tpu.memory_space<vmem_shared>>)
    %dma_wait3A_83 = arith.constant 3 : i32
    %dma_wait3A_84 = arith.constant 1 : i32
    %dma_wait3A_85 = arith.constant 0 : i32
    %dma_wait3A_86 = tpu.memref_slice %arg5[%dma_wait3A_83, %dma_wait3A_84, %dma_wait3A_85] : memref<4x2x128xi32, #tpu.memory_space<vmem>> -> memref<1x1x128xi32, #tpu.memory_space<vmem>>
    %dma_wait3A_87 = tpu.memref_squeeze %dma_wait3A_86 : memref<1x1x128xi32, #tpu.memory_space<vmem>> -> memref<128xi32, #tpu.memory_space<vmem>>
    %dma_wait3A_88 = arith.constant 0 : i32
    %dma_wait3A_89 = arith.constant 0 : i32
    %dma_wait3A_90 = tpu.memref_slice %arg10[%dma_wait3A_88, %dma_wait3A_89] : memref<10112x128xf32, #tpu.memory_space<vmem_shared>> -> memref<10112x128xf32, #tpu.memory_space<vmem_shared>>
    tpu.wait_indirect_dma semaphore(%arg14 : memref<!tpu.dma_semaphore, #tpu.memory_space<semaphore_mem>>) src(%arg7 : memref<128x128xf32, #tpu.memory_space<vmem>>) dst(%dma_wait3A_90 : memref<10112x128xf32, #tpu.memory_space<vmem_shared>>)
    %barrier3A_91 = arith.constant 0 : index
    tpu.barrier barrier_id(%barrier3A_91)
    %mul3A_92 = arith.constant 632 : i32
    %mul3A_93 = arith.muli %arg1, %mul3A_92 : i32
    "tpu.region"() ({
      %run_scoped3A = tpu.sem_alloc : memref<!tpu.dma_semaphore, #tpu.memory_space<semaphore_mem>>
      %dma_start3A_94 = arith.constant 0 : i32
      %dma_start3A_95 = tpu.memref_slice %arg4[%arg0, %mul3A_93, %dma_start3A_94] : memref<2x10112x128xf32, #tpu.memory_space<hbm>> -> memref<1x632x128xf32, #tpu.memory_space<hbm>>
      %dma_start3A_96 = tpu.memref_squeeze %dma_start3A_95 : memref<1x632x128xf32, #tpu.memory_space<hbm>> -> memref<632x128xf32, #tpu.memory_space<hbm>>
      %dma_start3A_97 = arith.constant 0 : i32
      %dma_start3A_98 = tpu.memref_slice %arg10[%mul3A_93, %dma_start3A_97] : memref<10112x128xf32, #tpu.memory_space<vmem_shared>> -> memref<632x128xf32, #tpu.memory_space<vmem_shared>>
      tpu.enqueue_dma source(%dma_start3A_98 : memref<632x128xf32, #tpu.memory_space<vmem_shared>>) target(%dma_start3A_96 : memref<632x128xf32, #tpu.memory_space<hbm>>) target_semaphore(%run_scoped3A : memref<!tpu.dma_semaphore, #tpu.memory_space<semaphore_mem>>)
      %dma_wait3A_99 = arith.constant 0 : i32
      %dma_wait3A_100 = tpu.memref_slice %arg4[%arg0, %mul3A_93, %dma_wait3A_99] : memref<2x10112x128xf32, #tpu.memory_space<hbm>> -> memref<1x632x128xf32, #tpu.memory_space<hbm>>
      %dma_wait3A_101 = tpu.memref_squeeze %dma_wait3A_100 : memref<1x632x128xf32, #tpu.memory_space<hbm>> -> memref<632x128xf32, #tpu.memory_space<hbm>>
      %dma_wait3A_102 = arith.constant 0 : i32
      %dma_wait3A_103 = tpu.memref_slice %arg10[%mul3A_93, %dma_wait3A_102] : memref<10112x128xf32, #tpu.memory_space<vmem_shared>> -> memref<632x128xf32, #tpu.memory_space<vmem_shared>>
      tpu.wait_dma2 semaphore(%run_scoped3A : memref<!tpu.dma_semaphore, #tpu.memory_space<semaphore_mem>>) src(%dma_wait3A_103 : memref<632x128xf32, #tpu.memory_space<vmem_shared>>) dst(%dma_wait3A_101 : memref<632x128xf32, #tpu.memory_space<hbm>>)
      tpu.yield
    }) : () -> ()
    return
  }
}

module attributes {stable_mosaic.version = 14 : i64} {
  func.func @body(%arg0: i32, %arg1: memref<2000x128xf32, #tpu.memory_space<vmem>>, %arg2: memref<1x2000x128xf32, #tpu.memory_space<vmem>>, %arg3: memref<1x2000x128xf32, #tpu.memory_space<vmem>>, %arg4: memref<1x2000x16xf32, #tpu.memory_space<vmem>>, %arg5: memref<1x2000x16xf32, #tpu.memory_space<vmem>>, %arg6: memref<128x256xf32, #tpu.memory_space<vmem>>, %arg7: memref<1x128xf32, #tpu.memory_space<vmem>>, %arg8: memref<2000x128xf32, #tpu.memory_space<vmem>>) attributes {dimension_semantics = [#tpu.dimension_semantics<arbitrary>], iteration_bounds = array<i64: 5>, scalar_prefetch = 0 : i64, scratch_operands = 0 : i64, tpu.core_type = #tpu.core_type<tc>, window_params = [{transform_indices = @transform_0, window_bounds = array<i64: 2000, 128>}, {transform_indices = @transform_1, window_bounds = array<i64: 1, 2000, 128>}, {transform_indices = @transform_2, window_bounds = array<i64: 1, 2000, 128>}, {transform_indices = @transform_3, window_bounds = array<i64: 1, 2000, 16>}, {transform_indices = @transform_4, window_bounds = array<i64: 1, 2000, 16>}, {pipeline_mode = #tpu.pipeline_mode<synchronous>, transform_indices = @transform_5, window_bounds = array<i64: 128, 256>}, {pipeline_mode = #tpu.pipeline_mode<synchronous>, transform_indices = @transform_6, window_bounds = array<i64: 1, 128>}, {transform_indices = @transform_7, window_bounds = array<i64: 2000, 128>}]} {
    %get3A = arith.constant 0 : index
    %get3A_0 = arith.constant 0 : index
    %get3A_1 = arith.constant 0 : index
    %get3A_2 = vector.load %arg4[%get3A, %get3A_0, %get3A_1] : memref<1x2000x16xf32, #tpu.memory_space<vmem>>, vector<1x2000x1xf32>
    %get3A_3 = vector.shape_cast %get3A_2 : vector<1x2000x1xf32> to vector<2000x1xf32>
    %get3A_4 = arith.constant 0 : index
    %get3A_5 = arith.constant 0 : index
    %get3A_6 = arith.constant 0 : index
    %get3A_7 = vector.load %arg5[%get3A_4, %get3A_5, %get3A_6] : memref<1x2000x16xf32, #tpu.memory_space<vmem>>, vector<1x2000x1xf32>
    %get3A_8 = vector.shape_cast %get3A_7 : vector<1x2000x1xf32> to vector<2000x1xf32>
    %add3A = arith.addf %get3A_3, %get3A_8 : vector<2000x1xf32>
    %max3A = arith.constant 1.000000e+00 : f32
    %max3A_9 = vector.broadcast %max3A : f32 to vector<2000x1xf32>
    %max3A_10 = arith.maximumf %add3A, %max3A_9 : vector<2000x1xf32>
    %div3A = arith.constant 1.000000e+00 : f32
    %div3A_11 = vector.broadcast %div3A : f32 to vector<2000x1xf32>
    %div3A_12 = arith.divf %div3A_11, %max3A_10 : vector<2000x1xf32>
    %get3A_13 = arith.constant 0 : index
    %get3A_14 = arith.constant 0 : index
    %get3A_15 = arith.constant 0 : index
    %get3A_16 = vector.load %arg2[%get3A_13, %get3A_14, %get3A_15] : memref<1x2000x128xf32, #tpu.memory_space<vmem>>, vector<1x2000x128xf32>
    %get3A_17 = vector.shape_cast %get3A_16 : vector<1x2000x128xf32> to vector<2000x128xf32>
    %get3A_18 = arith.constant 0 : index
    %get3A_19 = arith.constant 0 : index
    %get3A_20 = arith.constant 0 : index
    %get3A_21 = vector.load %arg3[%get3A_18, %get3A_19, %get3A_20] : memref<1x2000x128xf32, #tpu.memory_space<vmem>>, vector<1x2000x128xf32>
    %get3A_22 = vector.shape_cast %get3A_21 : vector<1x2000x128xf32> to vector<2000x128xf32>
    %add3A_23 = arith.addf %get3A_17, %get3A_22 : vector<2000x128xf32>
    %mul3A = vector.broadcast %div3A_12 : vector<2000x1xf32> to vector<2000x128xf32>
    %mul3A_24 = arith.mulf %add3A_23, %mul3A : vector<2000x128xf32>
    %get3A_25 = arith.constant 0 : index
    %get3A_26 = arith.constant 0 : index
    %get3A_27 = vector.load %arg7[%get3A_25, %get3A_26] : memref<1x128xf32, #tpu.memory_space<vmem>>, vector<1x128xf32>
    %get3A_28 = arith.constant 0 : index
    %get3A_29 = arith.constant 0 : index
    %get3A_30 = vector.load %arg1[%get3A_28, %get3A_29] : memref<2000x128xf32, #tpu.memory_space<vmem>>, vector<2000x128xf32>
    %get3A_31 = arith.constant 0 : index
    %get3A_32 = arith.constant 0 : index
    %get3A_33 = vector.load %arg6[%get3A_31, %get3A_32] : memref<128x256xf32, #tpu.memory_space<vmem>>, vector<128x128xf32>
    %dot_general3A = arith.constant dense<0.000000e+00> : vector<2000x128xf32>
    %dot_general3A_34 = tpu.matmul %get3A_30, %get3A_33, %dot_general3A {dimension_numbers = #tpu.dot_dimension_numbers<[1], [1], [0], [0], [0, 0, 1, 0], [], []>, transpose_lhs_hint = false} : vector<2000x128xf32>, vector<128x128xf32>, vector<2000x128xf32> -> vector<2000x128xf32>
    %add3A_35 = vector.broadcast %get3A_27 : vector<1x128xf32> to vector<2000x128xf32>
    %add3A_36 = arith.addf %add3A_35, %dot_general3A_34 : vector<2000x128xf32>
    %get3A_37 = arith.constant 0 : index
    %get3A_38 = arith.constant 128 : index
    %get3A_39 = vector.load %arg6[%get3A_37, %get3A_38] : memref<128x256xf32, #tpu.memory_space<vmem>>, vector<128x128xf32>
    %dot_general3A_40 = arith.constant dense<0.000000e+00> : vector<2000x128xf32>
    %dot_general3A_41 = tpu.matmul %mul3A_24, %get3A_39, %dot_general3A_40 {dimension_numbers = #tpu.dot_dimension_numbers<[1], [1], [0], [0], [0, 0, 1, 0], [], []>, transpose_lhs_hint = false} : vector<2000x128xf32>, vector<128x128xf32>, vector<2000x128xf32> -> vector<2000x128xf32>
    %add3A_42 = arith.addf %add3A_36, %dot_general3A_41 : vector<2000x128xf32>
    %max3A_43 = arith.constant 0.000000e+00 : f32
    %max3A_44 = vector.broadcast %max3A_43 : f32 to vector<2000x128xf32>
    %max3A_45 = arith.maximumf %add3A_42, %max3A_44 : vector<2000x128xf32>
    %swap3A = arith.constant 0 : index
    %swap3A_46 = arith.constant 0 : index
    %swap3A_47 = vector.load %arg8[%swap3A, %swap3A_46] : memref<2000x128xf32, #tpu.memory_space<vmem>>, vector<2000x128xf32>
    tpu.vector_store %arg8[%swap3A, %swap3A_46], %max3A_45 {strides = array<i32>} : memref<2000x128xf32, #tpu.memory_space<vmem>>, vector<2000x128xf32>,
    return
  }
  func.func @transform_0(%arg0: i32) -> (i32, i32) {
    %c0_i32 = arith.constant 0 : i32
    %c0_i32_0 = arith.constant 0 : i32
    return %arg0, %c0_i32 : i32, i32
  }
  func.func @transform_1(%arg0: i32) -> (i32, i32, i32) {
    %c0_i32 = arith.constant 0 : i32
    %c0_i32_0 = arith.constant 0 : i32
    %c0_i32_1 = arith.constant 0 : i32
    return %c0_i32, %arg0, %c0_i32_0 : i32, i32, i32
  }
  func.func @transform_2(%arg0: i32) -> (i32, i32, i32) {
    %c1_i32 = arith.constant 1 : i32
    %c0_i32 = arith.constant 0 : i32
    %c0_i32_0 = arith.constant 0 : i32
    return %c1_i32, %arg0, %c0_i32 : i32, i32, i32
  }
  func.func @transform_3(%arg0: i32) -> (i32, i32, i32) {
    %c0_i32 = arith.constant 0 : i32
    %c0_i32_0 = arith.constant 0 : i32
    %c0_i32_1 = arith.constant 0 : i32
    return %c0_i32, %arg0, %c0_i32_0 : i32, i32, i32
  }
  func.func @transform_4(%arg0: i32) -> (i32, i32, i32) {
    %c1_i32 = arith.constant 1 : i32
    %c0_i32 = arith.constant 0 : i32
    %c0_i32_0 = arith.constant 0 : i32
    return %c1_i32, %arg0, %c0_i32 : i32, i32, i32
  }
  func.func @transform_5(%arg0: i32) -> (i32, i32) {
    %c0_i32 = arith.constant 0 : i32
    %c0_i32_0 = arith.constant 0 : i32
    %c0_i32_1 = arith.constant 0 : i32
    return %c0_i32, %c0_i32_0 : i32, i32
  }
  func.func @transform_6(%arg0: i32) -> (i32, i32) {
    %c0_i32 = arith.constant 0 : i32
    %c0_i32_0 = arith.constant 0 : i32
    %c0_i32_1 = arith.constant 0 : i32
    return %c0_i32, %c0_i32_0 : i32, i32
  }
  func.func @transform_7(%arg0: i32) -> (i32, i32) {
    %c0_i32 = arith.constant 0 : i32
    %c0_i32_0 = arith.constant 0 : i32
    return %arg0, %c0_i32 : i32, i32
  }
}

module attributes {stable_mosaic.version = 14 : i64} {
  func.func @body(%arg0: i32, %arg1: memref<2000x128xf32, #tpu.memory_space<vmem>>, %arg2: memref<1x2000x128xf32, #tpu.memory_space<vmem>>, %arg3: memref<1x2000x128xf32, #tpu.memory_space<vmem>>, %arg4: memref<1x2000x16xf32, #tpu.memory_space<vmem>>, %arg5: memref<1x2000x16xf32, #tpu.memory_space<vmem>>, %arg6: memref<128x256xf32, #tpu.memory_space<vmem>>, %arg7: memref<1x128xf32, #tpu.memory_space<vmem>>, %arg8: memref<2000x128xf32, #tpu.memory_space<vmem>>) attributes {dimension_semantics = [#tpu.dimension_semantics<arbitrary>], iteration_bounds = array<i64: 5>, scalar_prefetch = 0 : i64, scratch_operands = 0 : i64, tpu.core_type = #tpu.core_type<tc>, window_params = [{transform_indices = @transform_0, window_bounds = array<i64: 2000, 128>}, {transform_indices = @transform_1, window_bounds = array<i64: 1, 2000, 128>}, {transform_indices = @transform_2, window_bounds = array<i64: 1, 2000, 128>}, {transform_indices = @transform_3, window_bounds = array<i64: 1, 2000, 16>}, {transform_indices = @transform_4, window_bounds = array<i64: 1, 2000, 16>}, {pipeline_mode = #tpu.pipeline_mode<synchronous>, transform_indices = @transform_5, window_bounds = array<i64: 128, 256>}, {pipeline_mode = #tpu.pipeline_mode<synchronous>, transform_indices = @transform_6, window_bounds = array<i64: 1, 128>}, {transform_indices = @transform_7, window_bounds = array<i64: 2000, 128>}]} {
    %get3A = arith.constant 0 : index
    %get3A_0 = arith.constant 0 : index
    %get3A_1 = arith.constant 0 : index
    %get3A_2 = vector.load %arg4[%get3A, %get3A_0, %get3A_1] : memref<1x2000x16xf32, #tpu.memory_space<vmem>>, vector<1x2000x1xf32>
    %get3A_3 = vector.shape_cast %get3A_2 : vector<1x2000x1xf32> to vector<2000x1xf32>
    %get3A_4 = arith.constant 0 : index
    %get3A_5 = arith.constant 0 : index
    %get3A_6 = arith.constant 0 : index
    %get3A_7 = vector.load %arg5[%get3A_4, %get3A_5, %get3A_6] : memref<1x2000x16xf32, #tpu.memory_space<vmem>>, vector<1x2000x1xf32>
    %get3A_8 = vector.shape_cast %get3A_7 : vector<1x2000x1xf32> to vector<2000x1xf32>
    %add3A = arith.addf %get3A_3, %get3A_8 : vector<2000x1xf32>
    %max3A = arith.constant 1.000000e+00 : f32
    %max3A_9 = vector.broadcast %max3A : f32 to vector<2000x1xf32>
    %max3A_10 = arith.maximumf %add3A, %max3A_9 : vector<2000x1xf32>
    %div3A = arith.constant 1.000000e+00 : f32
    %div3A_11 = vector.broadcast %div3A : f32 to vector<2000x1xf32>
    %div3A_12 = arith.divf %div3A_11, %max3A_10 : vector<2000x1xf32>
    %get3A_13 = arith.constant 0 : index
    %get3A_14 = arith.constant 0 : index
    %get3A_15 = arith.constant 0 : index
    %get3A_16 = vector.load %arg2[%get3A_13, %get3A_14, %get3A_15] : memref<1x2000x128xf32, #tpu.memory_space<vmem>>, vector<1x2000x128xf32>
    %get3A_17 = vector.shape_cast %get3A_16 : vector<1x2000x128xf32> to vector<2000x128xf32>
    %get3A_18 = arith.constant 0 : index
    %get3A_19 = arith.constant 0 : index
    %get3A_20 = arith.constant 0 : index
    %get3A_21 = vector.load %arg3[%get3A_18, %get3A_19, %get3A_20] : memref<1x2000x128xf32, #tpu.memory_space<vmem>>, vector<1x2000x128xf32>
    %get3A_22 = vector.shape_cast %get3A_21 : vector<1x2000x128xf32> to vector<2000x128xf32>
    %add3A_23 = arith.addf %get3A_17, %get3A_22 : vector<2000x128xf32>
    %mul3A = vector.broadcast %div3A_12 : vector<2000x1xf32> to vector<2000x128xf32>
    %mul3A_24 = arith.mulf %add3A_23, %mul3A : vector<2000x128xf32>
    %get3A_25 = arith.constant 0 : index
    %get3A_26 = arith.constant 0 : index
    %get3A_27 = vector.load %arg7[%get3A_25, %get3A_26] : memref<1x128xf32, #tpu.memory_space<vmem>>, vector<1x128xf32>
    %get3A_28 = arith.constant 0 : index
    %get3A_29 = arith.constant 0 : index
    %get3A_30 = vector.load %arg1[%get3A_28, %get3A_29] : memref<2000x128xf32, #tpu.memory_space<vmem>>, vector<2000x128xf32>
    %get3A_31 = arith.constant 0 : index
    %get3A_32 = arith.constant 0 : index
    %get3A_33 = vector.load %arg6[%get3A_31, %get3A_32] : memref<128x256xf32, #tpu.memory_space<vmem>>, vector<128x128xf32>
    %dot_general3A = arith.constant dense<0.000000e+00> : vector<2000x128xf32>
    %dot_general3A_34 = tpu.matmul %get3A_30, %get3A_33, %dot_general3A {dimension_numbers = #tpu.dot_dimension_numbers<[1], [1], [0], [0], [0, 0, 1, 0], [], []>, transpose_lhs_hint = false} : vector<2000x128xf32>, vector<128x128xf32>, vector<2000x128xf32> -> vector<2000x128xf32>
    %add3A_35 = vector.broadcast %get3A_27 : vector<1x128xf32> to vector<2000x128xf32>
    %add3A_36 = arith.addf %add3A_35, %dot_general3A_34 : vector<2000x128xf32>
    %get3A_37 = arith.constant 0 : index
    %get3A_38 = arith.constant 128 : index
    %get3A_39 = vector.load %arg6[%get3A_37, %get3A_38] : memref<128x256xf32, #tpu.memory_space<vmem>>, vector<128x128xf32>
    %dot_general3A_40 = arith.constant dense<0.000000e+00> : vector<2000x128xf32>
    %dot_general3A_41 = tpu.matmul %mul3A_24, %get3A_39, %dot_general3A_40 {dimension_numbers = #tpu.dot_dimension_numbers<[1], [1], [0], [0], [0, 0, 1, 0], [], []>, transpose_lhs_hint = false} : vector<2000x128xf32>, vector<128x128xf32>, vector<2000x128xf32> -> vector<2000x128xf32>
    %add3A_42 = arith.addf %add3A_36, %dot_general3A_41 : vector<2000x128xf32>
    %swap3A = arith.constant 0 : index
    %swap3A_43 = arith.constant 0 : index
    %swap3A_44 = vector.load %arg8[%swap3A, %swap3A_43] : memref<2000x128xf32, #tpu.memory_space<vmem>>, vector<2000x128xf32>
    tpu.vector_store %arg8[%swap3A, %swap3A_43], %add3A_42 {strides = array<i32>} : memref<2000x128xf32, #tpu.memory_space<vmem>>, vector<2000x128xf32>,
    return
  }
  func.func @transform_0(%arg0: i32) -> (i32, i32) {
    %c0_i32 = arith.constant 0 : i32
    %c0_i32_0 = arith.constant 0 : i32
    return %arg0, %c0_i32 : i32, i32
  }
  func.func @transform_1(%arg0: i32) -> (i32, i32, i32) {
    %c0_i32 = arith.constant 0 : i32
    %c0_i32_0 = arith.constant 0 : i32
    %c0_i32_1 = arith.constant 0 : i32
    return %c0_i32, %arg0, %c0_i32_0 : i32, i32, i32
  }
  func.func @transform_2(%arg0: i32) -> (i32, i32, i32) {
    %c1_i32 = arith.constant 1 : i32
    %c0_i32 = arith.constant 0 : i32
    %c0_i32_0 = arith.constant 0 : i32
    return %c1_i32, %arg0, %c0_i32 : i32, i32, i32
  }
  func.func @transform_3(%arg0: i32) -> (i32, i32, i32) {
    %c0_i32 = arith.constant 0 : i32
    %c0_i32_0 = arith.constant 0 : i32
    %c0_i32_1 = arith.constant 0 : i32
    return %c0_i32, %arg0, %c0_i32_0 : i32, i32, i32
  }
  func.func @transform_4(%arg0: i32) -> (i32, i32, i32) {
    %c1_i32 = arith.constant 1 : i32
    %c0_i32 = arith.constant 0 : i32
    %c0_i32_0 = arith.constant 0 : i32
    return %c1_i32, %arg0, %c0_i32 : i32, i32, i32
  }
  func.func @transform_5(%arg0: i32) -> (i32, i32) {
    %c0_i32 = arith.constant 0 : i32
    %c0_i32_0 = arith.constant 0 : i32
    %c0_i32_1 = arith.constant 0 : i32
    return %c0_i32, %c0_i32_0 : i32, i32
  }
  func.func @transform_6(%arg0: i32) -> (i32, i32) {
    %c0_i32 = arith.constant 0 : i32
    %c0_i32_0 = arith.constant 0 : i32
    %c0_i32_1 = arith.constant 0 : i32
    return %c0_i32, %c0_i32_0 : i32, i32
  }
  func.func @transform_7(%arg0: i32) -> (i32, i32) {
    %c0_i32 = arith.constant 0 : i32
    %c0_i32_0 = arith.constant 0 : i32
    return %arg0, %c0_i32 : i32, i32
  }
}

</mosaic_0001>

<sc_bundles>
// kernel: kernel.6.cloned.1.call-start
scs
__scs_entry_jumppad:
0x0: {  	(pc) =	sbr.rel $0x88, $3  }
0x1: {  	(tag) =	ssettag $0x0;
	lr =	simm.s32 $0x1  }
0x2: {  	[smem:$0x3F9B] =	sst lr;
	_ =	strace $0xD0000000  }
0x3: {  	_ = 	snop  }
0x4: {  	_ = 	snop  }
0x5: {  	_ = 	snop  }
0x6: {  	_ = 	snop  }
0x7: {  	_ = 	snop  }
__scs_overlays_trampoline_lowered:
0x8: {  	[smem:$0x3FAA] =	sst s0  }
0x9: {  	[smem:$0x3FAB] =	sst s1  }
0xa: {  	[smem:$0x3FAC] =	sst s2  }
0xb: {  	[smem:$0x3FAD] =	sst s3  }
0xc: {  	[smem:$0x3FAE] =	sst s4  }
0xd: {  	[smem:$0x3FAF] =	sst s5  }
0xe: {  	[smem:$0x3FB0] =	sst s6  }
0xf: {  	[smem:$0x3FB1] =	sst s7  }
0x10: {  	[smem:$0x3FB2] =	sst s8  }
0x11: {  	[smem:$0x3FB3] =	sst s9;
	s0 =	simm.s32 @!p0 $0x0  }
0x12: {  	s1 =	sld [smem:$0x3F99];
	s0 =	simm.s32 @p0 $0x1  }
0x13: {  	[smem:$0x3FB4] =	sst s0;
	s0 =	simm.s32 @!p1 $0x0  }
0x14: {  	s2 =	sld [smem:$0x3F98];
	s0 =	simm.s32 @p1 $0x1  }
0x15: {  	[smem:$0x3FB5] =	sst s0;
	s0 =	simm.s32 @!p2 $0x0  }
0x16: {  	s3 =	sld [smem:$0x3FDB];
	s0 =	simm.s32 @p2 $0x1  }
0x17: {  	s4 =	simm.s32 $0x1BF5;
	[smem:$0x3FB7] =	sst s0  }
0x18: {  	s0 =	sld [smem:$0x3F9A];
	_ =	swait.ge [sflag:s4], $0x0  }
0x19: {  	s7 =	sld [smem:$0x3F9B]  }
0x1a: {  	s8 =	sadd.s32 $0xFFFFE003, lr  }
0x1b: {  	s9 =	sadd.s32 $0xFFFFFEF7, lr;
	s5 =	simm.s32 $0xFFFFFFFF;
	p2 =	slt.u32 s8, $0xFFFFF086  }
0x1c: {  	p1 =	slt.u32 s9, $0xF7A;
	s5 =	simm.s32 @!p2 $0x0  }
0x1d: {  	s5 =	simm.s32 @p1 $0x1;
	p0 =	seq.s32 s7, s2  }
0x1e: {  	s7 =	smul.u32 @!p0 $0xF7A, s2;
	p2 =	seq.s32 @!p0 s5, $0x0  }
0x1f: {  	s9 =	smul.u32 $0xF7A, s1;
	s8 =	simm.s32 @!p0 $0x1BF5;
	p2 =	por !p2, p0  }
0x20: {  	[sflag:s8] =	ssyncset.s32 @!p0 $0xFFFFF086;
	s6 =	sadd.s32 @!p0 s3, s7;
	s7 =	simm.s32 @!p0 $0x108  }
0x21: {  	s3 =	sadd.s32 s3, s9;
	s6 =	sadd.s32 @!p0 $0x88, s6;
	s7 =	simm.s32 @p2 $0x1082  }
0x22: {  	[simem:s7], [sflag:s8] =	dma.local @!p0 [hbm:s6], $0xF7A  }
0x23: {  	s9 =	sor.u32 $0xD0000000, s2;
	s6 =	simm.s32 $0x108;
	_ =	swait.ge @!p0 [sflag:s8], $0x0  }
0x24: {  	s3 =	sadd.s32 $0x88, s3;
	s6 =	simm.s32 @!p1 $0x1082;
	[sflag:s4] =	ssyncset.s32 $0xFFFFF086  }
0x25: {  	[simem:s6], [sflag:s4] =	dma.local [hbm:s3], $0xF7A  }
0x26: {  	[smem:$0x3F9B] =	sst s1;
	(tag) =	ssettag s2;
	_ =	strace s9  }
0x27: {  	s1 =	sld [smem:$0x3FAB]  }
0x28: {  	s2 =	sld [smem:$0x3FAC]  }
0x29: {  	s4 =	sld [smem:$0x3FAE]  }
0x2a: {  	p0 =	seq.s32 s5, $0x0;
	s5 =	sld [smem:$0x3FAF]  }
0x2b: {  	s6 =	sld [smem:$0x3FB0]  }
0x2c: {  	s7 =	sld [smem:$0x3FB1]  }
0x2d: {  	s3 =	simm.s32 $0x108;
	s8 =	sld [smem:$0x3FB2]  }
0x2e: {  	s3 =	simm.s32 @!p0 $0x1082;
	s9 =	sld [smem:$0x3FB3]  }
0x2f: {  	lr =	sadd.s32 s0, s3;
	s0 =	sld [smem:$0x3FAA]  }
0x30: {  	s3 =	sld [smem:$0x3FAD]  }
0x31: {  	[smem:$0x3FB6] =	sst s10  }
0x32: {  	s10 =	sld [smem:$0x3FB4];
	_ =	sdelay $0x3  }
0x33: {  	p0 =	seq.s32 s10, $0x1;
	s10 =	sld [smem:$0x3FB6];
	_ =	sdelay $0x3  }
0x34: {  	[smem:$0x3FB6] =	sst s10  }
0x35: {  	s10 =	sld [smem:$0x3FB5];
	_ =	sdelay $0x3  }
0x36: {  	p1 =	seq.s32 s10, $0x1;
	s10 =	sld [smem:$0x3FB6];
	_ =	sdelay $0x3  }
0x37: {  	[smem:$0x3FB6] =	sst s10  }
0x38: {  	s10 =	sld [smem:$0x3FB7]  }
0x39: {  	_ = 	snop;
	(pc) =	sbr.ind lr, $3  }
0x3a: {  	_ = 	snop  }
0x3b: {  	_ = 	snop  }
0x3c: {  	p2 =	seq.s32 s10, $0x1;
	s10 =	sld [smem:$0x3FB6]  }
0x3d: {  	_ =	shalt  }
0x3e: {  	_ =	shalt  }
0x3f: {  	_ =	shalt  }
0x40: {  	_ =	shalt  }
0x41: {  	_ =	shalt  }
0x42: {  	_ =	shalt  }
0x43: {  	_ =	shalt  }
0x44: {  	_ =	shalt  }
0x45: {  	_ =	shalt  }
0x46: {  	_ =	shalt  }
0x47: {  	_ =	shalt  }
0x48: {  	_ =	shalt  }
0x49: {  	_ =	shalt  }
0x4a: {  	_ =	shalt  }
0x4b: {  	_ =	shalt  }
0x4c: {  	_ =	shalt  }
0x4d: {  	_ =	shalt  }
0x4e: {  	_ =	shalt  }
0x4f: {  	_ =	shalt  }
0x50: {  	_ =	shalt  }
0x51: {  	_ =	shalt  }
0x52: {  	_ =	shalt  }
0x53: {  	_ =	shalt  }
0x54: {  	_ =	shalt  }
0x55: {  	_ =	shalt  }
0x56: {  	_ =	shalt  }
0x57: {  	_ =	shalt  }
0x58: {  	_ =	shalt  }
0x59: {  	_ =	shalt  }
0x5a: {  	_ =	shalt  }
0x5b: {  	_ =	shalt  }
0x5c: {  	_ =	shalt  }
0x5d: {  	_ =	shalt  }
0x5e: {  	_ =	shalt  }
0x5f: {  	_ =	shalt  }
0x60: {  	_ =	shalt  }
0x61: {  	_ =	shalt  }
0x62: {  	_ =	shalt  }
0x63: {  	_ =	shalt  }
0x64: {  	_ =	shalt  }
0x65: {  	_ =	shalt  }
0x66: {  	_ =	shalt  }
0x67: {  	_ =	shalt  }
0x68: {  	_ =	shalt  }
0x69: {  	_ =	shalt  }
0x6a: {  	_ =	shalt  }
0x6b: {  	_ =	shalt  }
0x6c: {  	_ =	shalt  }
0x6d: {  	_ =	shalt  }
0x6e: {  	_ =	shalt  }
0x6f: {  	_ =	shalt  }
0x70: {  	_ =	shalt  }
0x71: {  	_ =	shalt  }
0x72: {  	_ =	shalt  }
0x73: {  	_ =	shalt  }
0x74: {  	_ =	shalt  }
0x75: {  	_ =	shalt  }
0x76: {  	_ =	shalt  }
0x77: {  	_ =	shalt  }
0x78: {  	_ =	shalt  }
0x79: {  	_ =	shalt  }
0x7a: {  	_ =	shalt  }
0x7b: {  	_ =	shalt  }
0x7c: {  	_ =	shalt  }
0x7d: {  	_ =	shalt  }
0x7e: {  	_ =	shalt  }
0x7f: {  	_ =	shalt  }
0x80: {  	_ =	shalt  }
0x81: {  	_ =	shalt  }
0x82: {  	_ =	shalt  }
0x83: {  	_ =	shalt  }
0x84: {  	_ =	shalt  }
0x85: {  	_ =	shalt  }
0x86: {  	_ =	shalt  }
0x87: {  	_ =	shalt  }
.Lfunc_end0:
.L_simem_size_0:
called_computation_lowered:
.L_overlay_start_0:
0x88: {  	s2 =	sld [smem:$0x3FD9]  }
0x89: {  	s3 =	sld [smem:$0x3FFE];
	_ =	sdelay $0x1  }
0x8a: {  	s1 =	srdreg.scid  }
0x8b: {  	s0 =	sand.u32 $0x1, s1  }
0x8c: {  	s17 =	sshll.u32 s0, $0xA;
	s2 =	sadd.s32 s3, s2  }
0x8d: {  	s2 =	sadd.s32 s2, s17  }
0x8e: {  	[smem:$0x3FC2] =	sst s2  }
0x8f: {  	_ = 	snop  }
0x90: {  	s2 =	sld [smem:$0x3FC9]  }
0x91: {  	s18 =	sld [smem:$0x3FD0];
	(tm) =	ssettm $0x1  }
0x92: {  	s4 =	sld [smem:$0x3FFB];
	_ =	sdelay $0x3  }
0x93: {  	_ =	strace s4  }
0x94: {  	s4 =	sld [smem:$0x3FFC];
	_ =	sdelay $0x3  }
0x95: {  	_ =	strace s4  }
0x96: {  	s4 =	sld [smem:$0x3FFD];
	_ =	sdelay $0x3  }
0x97: {  	_ =	strace s4  }
0x98: {  	_ =	strace $0x8FFFFFFF  }
0x99: {  	s19 =	sld [smem:$0x3FDB];
	_ =	sdelay $0x1  }
0x9a: {  	s5 =	simm.s32 $_scs_section_size  }
0x9b: {  	s6 =	simm.s32 $_size__tile_overlayer_lowered;
	s7 =	simm.s32 $_tile_overlayer_lowered  }
0x9c: {  	s22 =	simm.s32 $0x1BFF;
	s21 =	sshll.u32 s7, $0x1;
	s4 =	sadd.s32 s5, s19  }
0x9d: {  	s8 =	simm.s32 $0x0;
	s20 =	sshll.u32 s6, $0x1;
	s6 =	sadd.s32 s21, s4  }
0x9e: {  	[timem:s8], [sflag:s22] =	dma.local [hbm:s6], s20  }
0x9f: {  	_ =	swait.ge [sflag:s22], s20  }
0xa0: {  	s5 =	ssub.s32 $0x0, s20;
	[sflag:s22] =	ssyncset.done $0x0  }
0xa1: {  	[sflag:s22] =	ssyncadd.s32 s5;
	_ =	sdelay $0x1  }
0xa2: {  	s23 =	simm.s32 $0x1B8B  }
0xa3: {  	_ =	swait.ge [sflag:s23], $0x1  }
0xa4: {  	[sflag:s23] =	ssyncset.done $0x0  }
0xa5: {  	s25 =	simm.s32 $0x1B8E;
	s24 =	sld [smem:$0x3FFE];
	[sflag:s23] =	ssyncadd.s32 $0xFFFFFFFF  }
0xa6: {  	s26 =	simm.s32 $execute0_lowered;
	[smem:$0x3FD2] =	sst s25  }
0xa7: {  	s6 =	sshll.u32 s26, $0x1;
	_ =	strace $0x80000046;
	[dreg:$0x1] =	wrdreg $0xFFFFFFFF  }
0xa8: {  	s28 =	simm.s32 $_size_execute0_lowered;
	s4 =	sadd.s32 s4, s6;
	[dreg:$0x0] =	wrdreg $0x0  }
0xa9: {  	s6 =	sshll.u32 s28, $0x1;
	[dreg:$0x2] =	wrdreg s4  }
0xaa: {  	[dreg:$0x3] =	wrdreg s6  }
0xab: {  	[dreg:$0x4] =	wrdreg $0xC0  }
0xac: {  	_ =	task [dreg:s8], $0x5FFFF  }
0xad: {  	[dreg:$0x1] =	wrdreg $0xFFFFFFFF  }
0xae: {  	[dreg:$0x0] =	wrdreg $0x60  }
0xaf: {  	[dreg:$0x2] =	wrdreg s2  }
0xb0: {  	[dreg:$0x3] =	wrdreg s24  }
0xb1: {  	[dreg:$0x4] =	wrdreg s18  }
0xb2: {  	[dreg:$0x5] =	wrdreg $0x94000  }
0xb3: {  	[dreg:$0x6] =	wrdreg $0x1D0000  }
0xb4: {  	[dreg:$0x7] =	wrdreg $0x9  }
0xb5: {  	_ =	task.clear_ibuf [dreg:s8], $0x8FFFF;
	_ =	strace $0x90000046  }
0xb6: {  	s29 =	simm.s32 $0x9;
	_ =	strace $0x80000048  }
0xb7: {  	_ =	swait.ge [sflag:s29], $0x1  }
0xb8: {  	[sflag:s29] =	ssyncadd.s32 $0xFFFFFFFF  }
0xb9: {  	_ =	strace $0x90000048  }
0xba: {  	_ =	sfence  }
0xbb: {  	s30 =	sld [smem:$0x0];
	_ =	sdelay $0x2  }
0xbc: {  	s31 =	sshll.u32 s1, $0xD;
	s1 =	sshrl.u32 s1, $0x2  }
0xbd: {  	s3 =	sand.u32 $0x4000, s31;
	s1 =	sadd.s32 s1, s30  }
0xbe: {  	s0 =	sor.u32 s3, s0;
	s1 =	sshll.u32 s1, $0x11  }
0xbf: {  	s0 =	sor.u32 s1, s0  }
0xc0: {  	s0 =	sadd.s32 $0x8F2B, s0  }
0xc1: {  	[sflag:s0] =	ssyncadd.remote.s32 $0x1  }
0xc2: {  	_ =	sfence.sel $0xFFFF  }
0xc3: {  	[dreg:$0x0] =	wrdreg $0xFFFFFFFF;
	(pc) =	sbr.abs _section_cstart, $3  }
0xc4: {  	[dreg:$0x1] =	wrdreg $0xFFFFFFFF  }
0xc5: {  	_ =	task.clear_ibuf [dreg:s8], $0x2FFFF;
	_ =	strace $0x9FFFFFFF  }
0xc6: {  	(tm) =	ssettm $0x7FFFFFFF  }
0xc7: {  	_ =	shalt  }
tec
execute0_lowered:
.L_overlay_start_1:
0x0: {  	(tag) =	ssettag $0x1  }
0x1: {  	s1 =	rddreg [dreg:$0x0]  }
0x2: {  	s0 =	rddreg [dreg:$0x1]  }
0x3: {  	s4 =	rddreg [dreg:$0x2]  }
0x4: {  	s2 =	rddreg [dreg:$0x3]  }
0x5: {  	s3 =	rddreg [dreg:$0x4];
	s6 =	srdreg.scid  }
0x6: {  	s5 =	simm.s32 $0x0;
	s14 =	stileid.u32;
	s29 =	simm.s32 $0x100  }
0x7: {  	s30 =	simm.s32 $0x5;
	s31 =	simm.s32 $0x80;
	s6 =	sand.u32 $0x1, s6  }
0x8: {  	[smem:$0x7FF] =	sst s5;
	s9 =	smul.u32 $0x13C00, s14;
	s10 =	sadd.s32 $0x2400, s0  }
0x9: {  	s13 =	smul.u32 $0x2780, s14;
	s24 =	sshll.u32 s14, $0xE;
	s25 =	sshll.u32 s14, $0xB  }
0xa: {  	s26 =	sor.u32 $0x10, s14;
	s15 =	smul.u32 $0x50, s14;
	s17 =	sor.u32 $0x30, s14  }
0xb: {  	s21 =	sor.u32 $0x40, s14;
	p0 =	seq.s32 s14, $0xF;
	s7 =	smul.u32 $0x13C000, s6  }
0xc: {  	s8 =	sshll.u32 s6, $0x4;
	_ =	strace $0x80000047;
	s11 =	smul.u32 $0x27800, s6  }
0xd: {  	s12 =	ssub.s32 $0x2, s6;
	s28 =	sadd.s32 s25, s3;
	s6 =	smul.u32 $0x500, s6  }
0xe: {  	s18 =	sshll.u32 s17, $0xE;
	s20 =	sshll.u32 s17, $0xB;
	s17 =	simm.s32 $0x8  }
0xf: {  	s8 =	sor.u32 s14, s8;
	s22 =	sshrl.u32 s12, $0x1;
	[dreg:$0xe] =	wrdreg s28  }
0x10: {  	s19 =	sadd.s32 s18, s2;
	s8 =	smul.u32 $0xA00, s8;
	s7 =	sadd.s32 s9, s7  }
0x11: {  	s23 =	sadd.s32 s13, s11;
	s11 =	sor.u32 $0x20, s14;
	s6 =	sadd.s32 s15, s6  }
0x12: {  	[dreg:$0x13] =	wrdreg s19;
	s14 =	simm.s32 $0x180;
	s15 =	simm.s32 $0x4  }
0x13: {  	s19 =	simm.s32 $0x280;
	s7 =	sshrl.u32 s7, $0x3;
	s6 =	sshll.u32 s6, $0x5  }
0x14: {  	s0 =	sadd.s32 s7, s0;
	s8 =	sadd.s32 s10, s8;
	s7 =	ssub.s32 s12, s22  }
0x15: {  	s12 =	sshll.u32 s26, $0xB;
	s22 =	sadd.s32 s20, s3;
	[dreg:$0x8] =	wrdreg s8  }
0x16: {  	s18 =	sadd.s32 s6, s10;
	s8 =	sadd.s32 $0x20, s8;
	[dreg:$0x14] =	wrdreg s22  }
0x17: {  	s10 =	simm.s32 $0x8400;
	s0 =	sadd.s32 $0x16400, s0;
	[dreg:$0x9] =	wrdreg s8  }
0x18: {  	s7 =	smax.u32 s7, $0x1;
	s25 =	sadd.s32 $0x40, s18;
	[dreg:$0xa] =	wrdreg s0  }
0x19: {  	s22 =	simm.s32 $0x400;
	s0 =	sadd.s32 s9, s2;
	[dreg:$0xc] =	wrdreg s7  }
0x1a: {  	s8 =	sshrl.u32 s23, $0x3;
	s7 =	sadd.s32 s24, s2;
	[dreg:$0x7] =	wrdreg s25  }
0x1b: {  	s23 =	sshll.u32 s21, $0xE;
	s24 =	sadd.s32 $0x80, s18;
	[dreg:$0xd] =	wrdreg s7  }
0x1c: {  	s9 =	simm.s32 $0x1;
	s4 =	sadd.s32 s4, s8;
	[dreg:$0x6] =	wrdreg s24  }
0x1d: {  	s8 =	sshll.u32 s26, $0xE;
	s6 =	sadd.s32 s23, s2;
	[dreg:$0xb] =	wrdreg s4  }
0x1e: {  	s0 =	sshrl.u32 s0, $0x3;
	s4 =	sadd.s32 s13, s3;
	[dreg:$0x15] =	wrdreg s6  }
0x1f: {  	s7 =	sadd.s32 s8, s2;
	s13 =	sshll.u32 s11, $0xE;
	[dreg:$0x17] =	wrdreg s0  }
0x20: {  	s8 =	sadd.s32 s12, s3;
	s0 =	simm.s32 $0x200;
	[dreg:$0xf] =	wrdreg s7  }
0x21: {  	s12 =	simm.s32 $0x9;
	s6 =	simm.s32 $0x2;
	[dreg:$0x10] =	wrdreg s8  }
0x22: {  	s16 =	sadd.s32 s13, s2;
	s7 =	sshll.u32 s11, $0xB;
	s8 =	sshll.u32 s21, $0xB  }
0x23: {  	s28 =	sshrl.u32 s4, $0x3;
	s4 =	simm.s32 $0x6;
	s11 =	simm.s32 $0x3  }
0x24: {  	s13 =	simm.s32 $0x7;
	s21 =	simm.s32 $0x0;
	[dreg:$0x11] =	wrdreg s16  }
0x25: {  	s7 =	sadd.s32 s7, s3;
	s26 =	sadd.s32 s8, s3;
	[dreg:$0x18] =	wrdreg s28  }
0x26: {  	s8 =	simm.s32 $0x300;
	s16 =	simm.s32 $0xA;
	[dreg:$0x12] =	wrdreg s7  }
0x27: {  	v0 =	vimm.f32 $0.0e+00;
	v1 =	vimm.f32 $1.000000000e+00;
	[dreg:$0x16] =	wrdreg s26;
	s26 =	simm.s32 $0xB;
	s7 =	simm.s32 $0x4400  }
.LBB2_1:
0x28: {  	s20 =	simm.s32 $0x440  }
0x29: {  	[tilespmem:s20+$0x20] =	vst v0  }
0x2a: {  	[tilespmem:s20+$0x10] =	vst v0  }
0x2b: {  	[tilespmem:s20+$0x0] =	vst v0  }
0x2c: {  	[tilespmem:s20+$0xFFFFFFF0] =	vst v0  }
0x2d: {  	[tilespmem:s20+$0xFFFFFFE0] =	vst v0  }
0x2e: {  	[tilespmem:s20+$0xFFFFFFD0] =	vst v0  }
0x2f: {  	[tilespmem:s20+$0xFFFFFFC0] =	vst v0  }
0x30: {  	[dreg:$0x19] =	wrdreg s21;
	s25 =	simm.s32 $0x0;
	s24 =	simm.s32 $0x40;
	[tilespmem:s20+$0x30] =	vst v0  }
.LBB2_2:
0x31: {  	p1 =	sne.s32 s24, $0x1FC0;
	[tilespmem:s25+$0x8C00] =	vst v0  }
0x32: {  	s20 =	sadd.s32 $0x80, s20;
	[tilespmem:s25+$0x8400] =	vst v1  }
0x33: {  	[tilespmem:s20+$0x20] =	vst v0  }
0x34: {  	[tilespmem:s20+$0x10] =	vst v0  }
0x35: {  	[tilespmem:s20+$0x0] =	vst v0  }
.Ltmp0:
0x36: {  	[tilespmem:s20+$0xFFFFFFF0] =	vst v0;
	(pc) =	sbr.rel @p1 .LBB2_2-.Ltmp0, $4  }
0x37: {  	[tilespmem:s20+$0xFFFFFFE0] =	vst v0  }
0x38: {  	[tilespmem:s20+$0xFFFFFFD0] =	vst v0  }
0x39: {  	[tilespmem:s20+$0xFFFFFFC0] =	vst v0  }
0x3a: {  	s25 =	sshra.s32 s24, $0x2;
	s24 =	sadd.s32 $0x40, s24;
	[tilespmem:s20+$0x30] =	vst v0  }
0x3b: {  	[tilespmem:s25+$0x8C00] =	vst v0  }
0x3c: {  	[tilespmem:s25+$0x8400] =	vst v1;
	s20 =	rddreg [dreg:$0xd];
	s21 =	simm.s32 $0xC  }
0x3d: {  	[spmem:s20] =	stream.linear.scatter [tilespmem:s22], [sflag:$0xC], $0x4000, $0x38;
	[tilespmem:$0x1F780] =	vst v63  }
0x3e: {  	_ =	swait.ge [sflag:s21], $0x4000  }
0x3f: {  	[sflag:s21] =	ssyncset.done $0x0  }
0x40: {  	s23 =	simm.s32 $0x8C00;
	s24 =	rddreg [dreg:$0xe];
	[sflag:s21] =	ssyncadd.s32 $0xFFFFC000  }
0x41: {  	[spmem:s24] =	stream.linear.scatter [tilespmem:s23], [sflag:$0xB], $0x800, $0x38;
	[tilespmem:$0x1F780] =	vst v63  }
0x42: {  	_ =	swait.ge [sflag:s26], $0x800  }
0x43: {  	[sflag:s26] =	ssyncset.done $0x0  }
0x44: {  	s25 =	rddreg [dreg:$0xf];
	[sflag:s26] =	ssyncadd.s32 $0xFFFFF800  }
0x45: {  	[spmem:s25] =	stream.linear.scatter [tilespmem:s22], [sflag:$0xC], $0x4000, $0x38;
	[tilespmem:$0x1F780] =	vst v63  }
0x46: {  	_ =	swait.ge [sflag:s21], $0x4000  }
0x47: {  	[sflag:s21] =	ssyncset.done $0x0  }
0x48: {  	s28 =	rddreg [dreg:$0x10];
	[sflag:s21] =	ssyncadd.s32 $0xFFFFC000  }
0x49: {  	[spmem:s28] =	stream.linear.scatter [tilespmem:s23], [sflag:$0xB], $0x800, $0x38;
	[tilespmem:$0x1F780] =	vst v63  }
0x4a: {  	_ =	swait.ge [sflag:s26], $0x800  }
0x4b: {  	[sflag:s26] =	ssyncset.done $0x0  }
0x4c: {  	s24 =	rddreg [dreg:$0x11];
	[sflag:s26] =	ssyncadd.s32 $0xFFFFF800  }
0x4d: {  	[spmem:s24] =	stream.linear.scatter [tilespmem:s22], [sflag:$0xC], $0x4000, $0x38;
	[tilespmem:$0x1F780] =	vst v63  }
0x4e: {  	_ =	swait.ge [sflag:s21], $0x4000  }
0x4f: {  	[sflag:s21] =	ssyncset.done $0x0  }
0x50: {  	s25 =	rddreg [dreg:$0x12];
	[sflag:s21] =	ssyncadd.s32 $0xFFFFC000  }
0x51: {  	[spmem:s25] =	stream.linear.scatter [tilespmem:s23], [sflag:$0xB], $0x800, $0x38;
	[tilespmem:$0x1F780] =	vst v63  }
0x52: {  	_ =	swait.ge [sflag:s26], $0x800  }
0x53: {  	[sflag:s26] =	ssyncset.done $0x0  }
0x54: {  	s28 =	rddreg [dreg:$0x13];
	[sflag:s26] =	ssyncadd.s32 $0xFFFFF800  }
0x55: {  	[spmem:s28] =	stream.linear.scatter [tilespmem:s22], [sflag:$0xC], $0x4000, $0x38;
	[tilespmem:$0x1F780] =	vst v63  }
0x56: {  	_ =	swait.ge [sflag:s21], $0x4000  }
0x57: {  	[sflag:s21] =	ssyncset.done $0x0  }
0x58: {  	[sflag:s21] =	ssyncadd.s32 $0xFFFFC000;
	s21 =	rddreg [dreg:$0x14]  }
0x59: {  	[spmem:s21] =	stream.linear.scatter [tilespmem:s23], [sflag:$0xB], $0x800, $0x38;
	[tilespmem:$0x1F780] =	vst v63  }
0x5a: {  	_ =	swait.ge [sflag:s26], $0x800  }
0x5b: {  	[sflag:s26] =	ssyncset.done $0x0  }
0x5c: {  	s20 =	simm.s32 @!p0 $0x400;
	s21 =	rddreg [dreg:$0x15];
	[sflag:s26] =	ssyncadd.s32 $0xFFFFF800  }
0x5d: {  	[spmem:s21] =	stream.linear.scatter @!p0 [tilespmem:s20], [sflag:$0xC], $0x4000, $0x38;
	[tilespmem:$0x1F780] =	vst v63  }
0x5e: {  	s20 =	simm.s32 @!p0 $0xC  }
0x5f: {  	_ =	swait.ge @!p0 [sflag:s20], $0x4000  }
0x60: {  	[sflag:s20] =	ssyncset.done @!p0 $0x0  }
0x61: {  	s21 =	rddreg [dreg:$0x16];
	[sflag:s20] =	ssyncadd.s32 @!p0 $0xFFFFC000;
	s20 =	simm.s32 @!p0 $0x8C00  }
0x62: {  	[spmem:s21] =	stream.linear.scatter @!p0 [tilespmem:s20], [sflag:$0xB], $0x800, $0x38;
	[tilespmem:$0x1F780] =	vst v63  }
0x63: {  	s20 =	simm.s32 @!p0 $0xB  }
0x64: {  	_ =	swait.ge @!p0 [sflag:s20], $0x800  }
0x65: {  	[sflag:s20] =	ssyncset.done @!p0 $0x0  }
0x66: {  	[sflag:s20] =	ssyncadd.s32 @!p0 $0xFFFFF800  }
0x67: {  	p1 =	por $0x1, $0x1;
	[bflag:$0x0] =	sbarrier.arrive $0xFFFF  }
0x68: {  	p1 =	por p1, p1;
	s23 =	simm.s32 $0x0;
	s24 =	rddreg [dreg:$0x8]  }
0x69: {  	[tilespmem:s23], [sflag:$0x5] =	stream.linear.gather [hbm4b:s24+s23], $0x100, $0x38;
	[tilespmem:$0x1F780] =	vst v63  }
0x6a: {  	s20 =	simm.s32 @!p1 $0x3;
	s25 =	rddreg [dreg:$0x9]  }
0x6b: {  	[tilespmem:s29], [sflag:$0x6] =	stream.linear.gather [hbm4b:s25+s23], $0x100, $0x38;
	[tilespmem:$0x1F780] =	vst v63  }
0x6c: {  	_ =	swait.ge @!p1 [sflag:s20], $0x4000  }
0x6d: {  	[sflag:s20] =	ssyncset.done @!p1 $0x0  }
0x6e: {  	[sflag:s20] =	ssyncadd.s32 @!p1 $0xFFFFC000;
	s20 =	simm.s32 @!p1 $0x9  }
0x6f: {  	_ =	swait.ge @!p1 [sflag:s20], $0x800  }
0x70: {  	[sflag:s20] =	ssyncset.done @!p1 $0x0  }
0x71: {  	[sflag:s20] =	ssyncadd.s32 @!p1 $0xFFFFF800  }
0x72: {  	_ =	swait.ge [sflag:s30], $0x100  }
0x73: {  	[sflag:s30] =	ssyncset.done $0x0  }
0x74: {  	s26 =	rddreg [dreg:$0x7];
	[sflag:s30] =	ssyncadd.s32 $0xFFFFFF00  }
0x75: {  	[tilespmem:s22], [sflag:$0x1] =	stream.indirect.gather [hbm4b:s1+s31], $0x80, s5, s31, $0xb8;
	[tilespmem:$0x1F780] =	vst v63  }
0x76: {  	s24 =	simm.s32 @!p1 $0x2;
	s20 =	sadd.s32 $0x0, s26  }
0x77: {  	[tilespmem:s0], [sflag:$0x7] =	stream.linear.gather [hbm4b:s20+s5], $0x100, $0x38;
	[tilespmem:$0x1F780] =	vst v63  }
0x78: {  	_ =	swait.ge @!p1 [sflag:s24], $0x4000  }
0x79: {  	s25 =	simm.s32 @!p1 $0x380;
	[sflag:s24] =	ssyncset.done @!p1 $0x0  }
0x7a: {  	s20 =	simm.s32 @!p1 $0x4400;
	[sflag:s24] =	ssyncadd.s32 @!p1 $0xFFFFC000;
	s24 =	simm.s32 @!p1 $0x80  }
0x7b: {  	[spmem:s2] =	stream.indirect.scatter.add.f32 @!p1 [tilespmem:s20], [sflag:$0x4], $0x80, s25, s24, $0xb8;
	[tilespmem:$0x1F780] =	vst v63  }
0x7c: {  	s20 =	simm.s32 @!p1 $0x8400  }
0x7d: {  	[spmem:s3] =	stream.indirect.scatter.add.f32 @!p1 [tilespmem:s20], [sflag:$0xA], $0x10, s25, s24, $0xb8;
	[tilespmem:$0x1F780] =	vst v63  }
0x7e: {  	s20 =	simm.s32 @!p1 $0x4  }
0x7f: {  	_ =	swait.ge @!p1 [sflag:s20], $0x4000  }
0x80: {  	[sflag:s20] =	ssyncset.done @!p1 $0x0  }
0x81: {  	[sflag:s20] =	ssyncadd.s32 @!p1 $0xFFFFC000;
	s20 =	simm.s32 @!p1 $0xA  }
0x82: {  	_ =	swait.ge @!p1 [sflag:s20], $0x800  }
0x83: {  	[sflag:s20] =	ssyncset.done @!p1 $0x0  }
0x84: {  	[sflag:s20] =	ssyncadd.s32 @!p1 $0xFFFFF800  }
0x85: {  	_ =	swait.ge [sflag:s4], $0x100  }
0x86: {  	[sflag:s4] =	ssyncset.done $0x0  }
0x87: {  	s28 =	sadd.s32 $0x0, s18;
	[sflag:s4] =	ssyncadd.s32 $0xFFFFFF00  }
0x88: {  	[tilespmem:s7], [sflag:$0x2] =	stream.indirect.gather [hbm4b:s1+s31], $0x80, s29, s31, $0xb8;
	[tilespmem:$0x1F780] =	vst v63  }
0x89: {  	s20 =	sadd.s32 $0x60, s28  }
0x8a: {  	[tilespmem:s8], [sflag:$0x8] =	stream.linear.gather [hbm4b:s20+s5], $0x100, $0x38;
	[tilespmem:$0x1F780] =	vst v63  }
0x8b: {  	_ =	swait.ge [sflag:s9], $0x4000  }
0x8c: {  	[sflag:s9] =	ssyncset.done $0x0  }
0x8d: {  	[sflag:s9] =	ssyncadd.s32 $0xFFFFC000  }
0x8e: {  	[spmem:s2] =	stream.indirect.scatter.add.f32 [tilespmem:s22], [sflag:$0x3], $0x80, s31, s31, $0xb8;
	[tilespmem:$0x1F780] =	vst v63  }
0x8f: {  	_ = 	snop  }
0x90: {  	[spmem:s3] =	stream.indirect.scatter.add.f32 [tilespmem:s10], [sflag:$0x9], $0x10, s31, s31, $0xb8;
	[tilespmem:$0x1F780] =	vst v63  }
0x91: {  	_ =	swait.ge [sflag:s11], $0x4000  }
0x92: {  	[sflag:s11] =	ssyncset.done $0x0  }
0x93: {  	[sflag:s11] =	ssyncadd.s32 $0xFFFFC000  }
0x94: {  	_ =	swait.ge [sflag:s12], $0x800  }
0x95: {  	[sflag:s12] =	ssyncset.done $0x0  }
0x96: {  	[sflag:s12] =	ssyncadd.s32 $0xFFFFF800  }
0x97: {  	_ =	swait.ge [sflag:s13], $0x100  }
0x98: {  	[sflag:s13] =	ssyncset.done $0x0  }
0x99: {  	p1 =	por $0x0, $0x0;
	s20 =	rddreg [dreg:$0x6];
	[sflag:s13] =	ssyncadd.s32 $0xFFFFFF00  }
0x9a: {  	[tilespmem:s22], [sflag:$0x1] =	stream.indirect.gather [hbm4b:s1+s31], $0x80, s0, s31, $0xb8;
	[tilespmem:$0x1F780] =	vst v63  }
0x9b: {  	s24 =	simm.s32 @!p1 $0x0;
	s20 =	sadd.s32 @!p1 $0x0, s20  }
0x9c: {  	[tilespmem:s24], [sflag:$0x5] =	stream.linear.gather @!p1 [hbm4b:s20+s24], $0x100, $0x38;
	[tilespmem:$0x1F780] =	vst v63  }
0x9d: {  	_ =	swait.ge [sflag:s6], $0x4000  }
0x9e: {  	[sflag:s6] =	ssyncset.done $0x0  }
0x9f: {  	[sflag:s6] =	ssyncadd.s32 $0xFFFFC000  }
0xa0: {  	[spmem:s2] =	stream.indirect.scatter.add.f32 [tilespmem:s7], [sflag:$0x4], $0x80, s14, s31, $0xb8;
	[tilespmem:$0x1F780] =	vst v63  }
0xa1: {  	_ = 	snop  }
0xa2: {  	[spmem:s3] =	stream.indirect.scatter.add.f32 [tilespmem:s10], [sflag:$0xA], $0x10, s14, s31, $0xb8;
	[tilespmem:$0x1F780] =	vst v63  }
0xa3: {  	_ =	swait.ge [sflag:s15], $0x4000  }
0xa4: {  	[sflag:s15] =	ssyncset.done $0x0  }
0xa5: {  	[sflag:s15] =	ssyncadd.s32 $0xFFFFC000  }
0xa6: {  	_ =	swait.ge [sflag:s16], $0x800  }
0xa7: {  	[sflag:s16] =	ssyncset.done $0x0  }
0xa8: {  	[sflag:s16] =	ssyncadd.s32 $0xFFFFF800  }
0xa9: {  	_ =	swait.ge [sflag:s17], $0x100  }
0xaa: {  	[sflag:s17] =	ssyncset.done $0x0  }
0xab: {  	s20 =	sadd.s32 @!p1 $0x0, s18;
	[sflag:s17] =	ssyncadd.s32 $0xFFFFFF00  }
0xac: {  	[tilespmem:s7], [sflag:$0x2] =	stream.indirect.gather [hbm4b:s1+s31], $0x80, s8, s31, $0xb8;
	[tilespmem:$0x1F780] =	vst v63  }
0xad: {  	s25 =	simm.s32 @!p1 $0x100;
	s20 =	sadd.s32 @!p1 $0xA0, s20  }
0xae: {  	[tilespmem:s25], [sflag:$0x6] =	stream.linear.gather @!p1 [hbm4b:s20+s24], $0x100, $0x38;
	[tilespmem:$0x1F780] =	vst v63  }
0xaf: {  	_ =	swait.ge [sflag:s9], $0x4000  }
0xb0: {  	p6 =	por $0x0, $0x0;
	s24 =	simm.s32 $0x80;
	[sflag:s9] =	ssyncset.done $0x0  }
0xb1: {  	s25 =	simm.s32 $0x100;
	p1 =	por p6, p6;
	[sflag:s9] =	ssyncadd.s32 $0xFFFFC000  }
0xb2: {  	[spmem:s2] =	stream.indirect.scatter.add.f32 [tilespmem:s22], [sflag:$0x3], $0x80, s19, s31, $0xb8;
	[tilespmem:$0x1F780] =	vst v63  }
.LBB2_4:
0xb3: {  	[spmem:s3] =	stream.indirect.scatter.add.f32 [tilespmem:s10], [sflag:$0x9], $0x10, s19, s31, $0xb8;
	[tilespmem:$0x1F780] =	vst v63  }
0xb4: {  	s26 =	simm.s32 @!p1 $0x3  }
0xb5: {  	_ =	swait.ge @!p1 [sflag:s26], $0x4000  }
0xb6: {  	[sflag:s26] =	ssyncset.done @!p1 $0x0  }
0xb7: {  	[sflag:s26] =	ssyncadd.s32 @!p1 $0xFFFFC000;
	s26 =	simm.s32 @!p1 $0x9  }
0xb8: {  	_ =	swait.ge @!p1 [sflag:s26], $0x800  }
0xb9: {  	[sflag:s26] =	ssyncset.done @!p1 $0x0  }
0xba: {  	[sflag:s26] =	ssyncadd.s32 @!p1 $0xFFFFF800  }
0xbb: {  	_ =	swait.ge [sflag:s30], $0x100  }
0xbc: {  	[sflag:s30] =	ssyncset.done $0x0  }
0xbd: {  	s23 =	rddreg [dreg:$0x7];
	[sflag:s30] =	ssyncadd.s32 $0xFFFFFF00  }
0xbe: {  	[tilespmem:s22], [sflag:$0x1] =	stream.indirect.gather [hbm4b:s1+s31], $0x80, s5, s31, $0xb8;
	[tilespmem:$0x1F780] =	vst v63  }
0xbf: {  	s26 =	sadd.s32 s24, s23;
	s23 =	simm.s32 @!p1 $0x2  }
0xc0: {  	[tilespmem:s0], [sflag:$0x7] =	stream.linear.gather [hbm4b:s26+s5], $0x100, $0x38;
	[tilespmem:$0x1F780] =	vst v63  }
0xc1: {  	_ =	swait.ge @!p1 [sflag:s23], $0x4000  }
0xc2: {  	s21 =	simm.s32 @!p1 $0x380;
	[sflag:s23] =	ssyncset.done @!p1 $0x0  }
0xc3: {  	s26 =	simm.s32 @!p1 $0x4400;
	[sflag:s23] =	ssyncadd.s32 @!p1 $0xFFFFC000;
	s23 =	simm.s32 @!p1 $0x80  }
0xc4: {  	[spmem:s2] =	stream.indirect.scatter.add.f32 @!p1 [tilespmem:s26], [sflag:$0x4], $0x80, s21, s23, $0xb8;
	[tilespmem:$0x1F780] =	vst v63  }
0xc5: {  	s28 =	simm.s32 @!p1 $0x4;
	s26 =	simm.s32 @!p1 $0x8400  }
0xc6: {  	[spmem:s3] =	stream.indirect.scatter.add.f32 @!p1 [tilespmem:s26], [sflag:$0xA], $0x10, s21, s23, $0xb8;
	[tilespmem:$0x1F780] =	vst v63  }
0xc7: {  	_ =	swait.ge @!p1 [sflag:s28], $0x4000  }
0xc8: {  	[sflag:s28] =	ssyncset.done @!p1 $0x0  }
0xc9: {  	s21 =	simm.s32 @!p1 $0xA;
	[sflag:s28] =	ssyncadd.s32 @!p1 $0xFFFFC000  }
0xca: {  	_ =	swait.ge @!p1 [sflag:s21], $0x800  }
0xcb: {  	[sflag:s21] =	ssyncset.done @!p1 $0x0  }
0xcc: {  	[sflag:s21] =	ssyncadd.s32 @!p1 $0xFFFFF800  }
0xcd: {  	_ =	swait.ge [sflag:s4], $0x100  }
0xce: {  	[sflag:s4] =	ssyncset.done $0x0  }
0xcf: {  	s28 =	sadd.s32 s24, s18;
	[sflag:s4] =	ssyncadd.s32 $0xFFFFFF00  }
0xd0: {  	[tilespmem:s7], [sflag:$0x2] =	stream.indirect.gather [hbm4b:s1+s31], $0x80, s29, s31, $0xb8;
	[tilespmem:$0x1F780] =	vst v63  }
0xd1: {  	s21 =	sadd.s32 $0x60, s28  }
0xd2: {  	[tilespmem:s8], [sflag:$0x8] =	stream.linear.gather [hbm4b:s21+s5], $0x100, $0x38;
	[tilespmem:$0x1F780] =	vst v63  }
0xd3: {  	_ =	swait.ge [sflag:s9], $0x4000  }
0xd4: {  	[sflag:s9] =	ssyncset.done $0x0  }
0xd5: {  	[sflag:s9] =	ssyncadd.s32 $0xFFFFC000  }
0xd6: {  	[spmem:s2] =	stream.indirect.scatter.add.f32 [tilespmem:s22], [sflag:$0x3], $0x80, s31, s31, $0xb8;
	[tilespmem:$0x1F780] =	vst v63  }
0xd7: {  	_ = 	snop  }
0xd8: {  	[spmem:s3] =	stream.indirect.scatter.add.f32 [tilespmem:s10], [sflag:$0x9], $0x10, s31, s31, $0xb8;
	[tilespmem:$0x1F780] =	vst v63  }
0xd9: {  	_ =	swait.ge [sflag:s11], $0x4000  }
0xda: {  	[sflag:s11] =	ssyncset.done $0x0  }
0xdb: {  	[sflag:s11] =	ssyncadd.s32 $0xFFFFC000  }
0xdc: {  	_ =	swait.ge [sflag:s12], $0x800  }
0xdd: {  	[sflag:s12] =	ssyncset.done $0x0  }
0xde: {  	s20 =	smov.u32 s25;
	[sflag:s12] =	ssyncadd.s32 $0xFFFFF800  }
0xdf: {  	p3 =	seq.s32 s20, $0x0;
	_ =	swait.ge [sflag:s13], $0x100  }
0xe0: {  	p1 =	por p3, p3;
	[sflag:s13] =	ssyncset.done $0x0  }
0xe1: {  	p3 =	seq.s32 s24, $0x980;
	s21 =	rddreg [dreg:$0x6];
	[sflag:s13] =	ssyncadd.s32 $0xFFFFFF00  }
0xe2: {  	[tilespmem:s22], [sflag:$0x1] =	stream.indirect.gather [hbm4b:s1+s31], $0x80, s0, s31, $0xb8;
	[tilespmem:$0x1F780] =	vst v63  }
0xe3: {  	s23 =	simm.s32 @!p3 $0x0;
	s21 =	sadd.s32 @!p3 s24, s21  }
0xe4: {  	[tilespmem:s23], [sflag:$0x5] =	stream.linear.gather @!p3 [hbm4b:s21+s23], $0x100, $0x38;
	[tilespmem:$0x1F780] =	vst v63  }
0xe5: {  	_ =	swait.ge [sflag:s6], $0x4000  }
0xe6: {  	[sflag:s6] =	ssyncset.done $0x0  }
0xe7: {  	[sflag:s6] =	ssyncadd.s32 $0xFFFFC000  }
0xe8: {  	[spmem:s2] =	stream.indirect.scatter.add.f32 [tilespmem:s7], [sflag:$0x4], $0x80, s14, s31, $0xb8;
	[tilespmem:$0x1F780] =	vst v63  }
0xe9: {  	_ = 	snop  }
0xea: {  	[spmem:s3] =	stream.indirect.scatter.add.f32 [tilespmem:s10], [sflag:$0xA], $0x10, s14, s31, $0xb8;
	[tilespmem:$0x1F780] =	vst v63  }
0xeb: {  	_ =	swait.ge [sflag:s15], $0x4000  }
0xec: {  	[sflag:s15] =	ssyncset.done $0x0  }
0xed: {  	[sflag:s15] =	ssyncadd.s32 $0xFFFFC000  }
0xee: {  	_ =	swait.ge [sflag:s16], $0x800  }
0xef: {  	[sflag:s16] =	ssyncset.done $0x0  }
0xf0: {  	[sflag:s16] =	ssyncadd.s32 $0xFFFFF800  }
0xf1: {  	_ =	swait.ge [sflag:s17], $0x100  }
0xf2: {  	s25 =	sadd.s32 $0x80, s25;
	[sflag:s17] =	ssyncset.done $0x0  }
0xf3: {  	p2 =	sne.s32 s25, $0xA00;
	s24 =	sadd.s32 @!p3 s24, s18;
	[sflag:s17] =	ssyncadd.s32 $0xFFFFFF00  }
0xf4: {  	[tilespmem:s7], [sflag:$0x2] =	stream.indirect.gather [hbm4b:s1+s31], $0x80, s8, s31, $0xb8;
	[tilespmem:$0x1F780] =	vst v63  }
0xf5: {  	s21 =	sadd.s32 @!p3 $0xA0, s24;
	s24 =	smov.u32 s20;
	s20 =	simm.s32 @!p3 $0x100  }
0xf6: {  	[tilespmem:s20], [sflag:$0x6] =	stream.linear.gather @!p3 [hbm4b:s21+s23], $0x100, $0x38;
	[tilespmem:$0x1F780] =	vst v63  }
.Ltmp1:
0xf7: {  	_ = 	snop;
	(pc) =	sbr.rel @p2 .LBB2_4-.Ltmp1, $4  }
0xf8: {  	_ =	swait.ge [sflag:s9], $0x4000  }
0xf9: {  	[sflag:s9] =	ssyncset.done $0x0  }
0xfa: {  	[sflag:s9] =	ssyncadd.s32 $0xFFFFC000  }
0xfb: {  	[spmem:s2] =	stream.indirect.scatter.add.f32 [tilespmem:s22], [sflag:$0x3], $0x80, s19, s31, $0xb8;
	[tilespmem:$0x1F780] =	vst v63  }
0xfc: {  	[spmem:s3] =	stream.indirect.scatter.add.f32 [tilespmem:s10], [sflag:$0x9], $0x10, s19, s31, $0xb8;
	[tilespmem:$0x1F780] =	vst v63  }
0xfd: {  	s20 =	simm.s32 @!p1 $0x3  }
0xfe: {  	_ =	swait.ge @!p1 [sflag:s20], $0x4000  }
0xff: {  	[sflag:s20] =	ssyncset.done @!p1 $0x0  }
0x100: {  	[sflag:s20] =	ssyncadd.s32 @!p1 $0xFFFFC000;
	s20 =	simm.s32 @!p1 $0x9  }
0x101: {  	_ =	swait.ge @!p1 [sflag:s20], $0x800  }
0x102: {  	[sflag:s20] =	ssyncset.done @!p1 $0x0  }
0x103: {  	[sflag:s20] =	ssyncadd.s32 @!p1 $0xFFFFF800  }
0x104: {  	_ =	swait.ge [sflag:s30], $0x100  }
0x105: {  	[sflag:s30] =	ssyncset.done $0x0  }
0x106: {  	s21 =	rddreg [dreg:$0x7];
	[sflag:s30] =	ssyncadd.s32 $0xFFFFFF00  }
0x107: {  	[tilespmem:s22], [sflag:$0x1] =	stream.indirect.gather [hbm4b:s1+s31], $0x80, s5, s31, $0xb8;
	[tilespmem:$0x1F780] =	vst v63  }
0x108: {  	s20 =	sadd.s32 s24, s21;
	s21 =	simm.s32 @!p1 $0x2  }
0x109: {  	[tilespmem:s0], [sflag:$0x7] =	stream.linear.gather [hbm4b:s20+s5], $0x100, $0x38;
	[tilespmem:$0x1F780] =	vst v63  }
0x10a: {  	_ =	swait.ge @!p1 [sflag:s21], $0x4000  }
0x10b: {  	s23 =	simm.s32 @!p1 $0x380;
	[sflag:s21] =	ssyncset.done @!p1 $0x0  }
0x10c: {  	s20 =	simm.s32 @!p1 $0x4400;
	[sflag:s21] =	ssyncadd.s32 @!p1 $0xFFFFC000;
	s21 =	simm.s32 @!p1 $0x80  }
0x10d: {  	[spmem:s2] =	stream.indirect.scatter.add.f32 @!p1 [tilespmem:s20], [sflag:$0x4], $0x80, s23, s21, $0xb8;
	[tilespmem:$0x1F780] =	vst v63  }
0x10e: {  	s20 =	simm.s32 @!p1 $0x8400  }
0x10f: {  	[spmem:s3] =	stream.indirect.scatter.add.f32 @!p1 [tilespmem:s20], [sflag:$0xA], $0x10, s23, s21, $0xb8;
	[tilespmem:$0x1F780] =	vst v63  }
0x110: {  	s20 =	simm.s32 @!p1 $0x4  }
0x111: {  	_ =	swait.ge @!p1 [sflag:s20], $0x4000  }
0x112: {  	[sflag:s20] =	ssyncset.done @!p1 $0x0  }
0x113: {  	[sflag:s20] =	ssyncadd.s32 @!p1 $0xFFFFC000;
	s20 =	simm.s32 @!p1 $0xA  }
0x114: {  	_ =	swait.ge @!p1 [sflag:s20], $0x800  }
0x115: {  	[sflag:s20] =	ssyncset.done @!p1 $0x0  }
0x116: {  	[sflag:s20] =	ssyncadd.s32 @!p1 $0xFFFFF800  }
0x117: {  	_ =	swait.ge [sflag:s4], $0x100  }
0x118: {  	[sflag:s4] =	ssyncset.done $0x0  }
0x119: {  	s23 =	sadd.s32 s24, s18;
	[sflag:s4] =	ssyncadd.s32 $0xFFFFFF00  }
0x11a: {  	[tilespmem:s7], [sflag:$0x2] =	stream.indirect.gather [hbm4b:s1+s31], $0x80, s29, s31, $0xb8;
	[tilespmem:$0x1F780] =	vst v63  }
0x11b: {  	s20 =	sadd.s32 $0x60, s23  }
0x11c: {  	[tilespmem:s8], [sflag:$0x8] =	stream.linear.gather [hbm4b:s20+s5], $0x100, $0x38;
	[tilespmem:$0x1F780] =	vst v63  }
0x11d: {  	_ =	swait.ge [sflag:s9], $0x4000  }
0x11e: {  	[sflag:s9] =	ssyncset.done $0x0  }
0x11f: {  	[sflag:s9] =	ssyncadd.s32 $0xFFFFC000  }
0x120: {  	[spmem:s2] =	stream.indirect.scatter.add.f32 [tilespmem:s22], [sflag:$0x3], $0x80, s31, s31, $0xb8;
	[tilespmem:$0x1F780] =	vst v63  }
0x121: {  	_ = 	snop  }
0x122: {  	[spmem:s3] =	stream.indirect.scatter.add.f32 [tilespmem:s10], [sflag:$0x9], $0x10, s31, s31, $0xb8;
	[tilespmem:$0x1F780] =	vst v63  }
0x123: {  	_ =	swait.ge [sflag:s11], $0x4000  }
0x124: {  	[sflag:s11] =	ssyncset.done $0x0  }
0x125: {  	[sflag:s11] =	ssyncadd.s32 $0xFFFFC000  }
0x126: {  	_ =	swait.ge [sflag:s12], $0x800  }
0x127: {  	[sflag:s12] =	ssyncset.done $0x0  }
0x128: {  	[sflag:s12] =	ssyncadd.s32 $0xFFFFF800  }
0x129: {  	_ =	swait.ge [sflag:s13], $0x100  }
0x12a: {  	[sflag:s13] =	ssyncset.done $0x0  }
0x12b: {  	p1 =	seq.s32 s24, $0x980;
	s20 =	rddreg [dreg:$0x6];
	[sflag:s13] =	ssyncadd.s32 $0xFFFFFF00  }
0x12c: {  	[tilespmem:s22], [sflag:$0x1] =	stream.indirect.gather [hbm4b:s1+s31], $0x80, s0, s31, $0xb8;
	[tilespmem:$0x1F780] =	vst v63  }
0x12d: {  	s21 =	simm.s32 @!p1 $0x0;
	s20 =	sadd.s32 @!p1 s24, s20  }
0x12e: {  	[tilespmem:s21], [sflag:$0x5] =	stream.linear.gather @!p1 [hbm4b:s20+s21], $0x100, $0x38;
	[tilespmem:$0x1F780] =	vst v63  }
0x12f: {  	_ =	swait.ge [sflag:s6], $0x4000  }
0x130: {  	[sflag:s6] =	ssyncset.done $0x0  }
0x131: {  	[sflag:s6] =	ssyncadd.s32 $0xFFFFC000  }
0x132: {  	[spmem:s2] =	stream.indirect.scatter.add.f32 [tilespmem:s7], [sflag:$0x4], $0x80, s14, s31, $0xb8;
	[tilespmem:$0x1F780] =	vst v63  }
0x133: {  	_ = 	snop  }
0x134: {  	[spmem:s3] =	stream.indirect.scatter.add.f32 [tilespmem:s10], [sflag:$0xA], $0x10, s14, s31, $0xb8;
	[tilespmem:$0x1F780] =	vst v63  }
0x135: {  	_ =	swait.ge [sflag:s15], $0x4000  }
0x136: {  	[sflag:s15] =	ssyncset.done $0x0  }
0x137: {  	[sflag:s15] =	ssyncadd.s32 $0xFFFFC000  }
0x138: {  	_ =	swait.ge [sflag:s16], $0x800  }
0x139: {  	[sflag:s16] =	ssyncset.done $0x0  }
0x13a: {  	[sflag:s16] =	ssyncadd.s32 $0xFFFFF800  }
0x13b: {  	_ =	swait.ge [sflag:s17], $0x100  }
0x13c: {  	[sflag:s17] =	ssyncset.done $0x0  }
0x13d: {  	s20 =	sadd.s32 @!p1 s24, s18;
	[sflag:s17] =	ssyncadd.s32 $0xFFFFFF00  }
0x13e: {  	[tilespmem:s7], [sflag:$0x2] =	stream.indirect.gather [hbm4b:s1+s31], $0x80, s8, s31, $0xb8;
	[tilespmem:$0x1F780] =	vst v63  }
0x13f: {  	s23 =	simm.s32 @!p1 $0x100;
	s20 =	sadd.s32 @!p1 $0xA0, s20  }
0x140: {  	[tilespmem:s23], [sflag:$0x6] =	stream.linear.gather @!p1 [hbm4b:s20+s21], $0x100, $0x38;
	[tilespmem:$0x1F780] =	vst v63  }
0x141: {  	_ =	swait.ge [sflag:s9], $0x4000  }
0x142: {  	[sflag:s9] =	ssyncset.done $0x0  }
0x143: {  	[sflag:s9] =	ssyncadd.s32 $0xFFFFC000  }
0x144: {  	[spmem:s2] =	stream.indirect.scatter.add.f32 [tilespmem:s22], [sflag:$0x3], $0x80, s19, s31, $0xb8;
	[tilespmem:$0x1F780] =	vst v63  }
0x145: {  	_ = 	snop  }
0x146: {  	[spmem:s3] =	stream.indirect.scatter.add.f32 [tilespmem:s10], [sflag:$0x9], $0x10, s19, s31, $0xb8;
	[tilespmem:$0x1F780] =	vst v63  }
0x147: {  	_ =	swait.ge [sflag:s6], $0x4000  }
0x148: {  	[sflag:s6] =	ssyncset.done $0x0  }
0x149: {  	s24 =	simm.s32 $0x380;
	[sflag:s6] =	ssyncadd.s32 $0xFFFFC000  }
0x14a: {  	[spmem:s2] =	stream.indirect.scatter.add.f32 [tilespmem:s7], [sflag:$0x4], $0x80, s24, s31, $0xb8;
	[tilespmem:$0x1F780] =	vst v63  }
0x14b: {  	_ = 	snop  }
0x14c: {  	[spmem:s3] =	stream.indirect.scatter.add.f32 [tilespmem:s10], [sflag:$0xA], $0x10, s24, s31, $0xb8;
	[tilespmem:$0x1F780] =	vst v63  }
0x14d: {  	_ =	swait.ge [sflag:s11], $0x4000  }
0x14e: {  	[sflag:s11] =	ssyncset.done $0x0  }
0x14f: {  	[sflag:s11] =	ssyncadd.s32 $0xFFFFC000  }
0x150: {  	_ =	swait.ge [sflag:s12], $0x800  }
0x151: {  	[sflag:s12] =	ssyncset.done $0x0  }
0x152: {  	[sflag:s12] =	ssyncadd.s32 $0xFFFFF800  }
0x153: {  	_ =	swait.ge [sflag:s15], $0x4000  }
0x154: {  	[sflag:s15] =	ssyncset.done $0x0  }
0x155: {  	[sflag:s15] =	ssyncadd.s32 $0xFFFFC000  }
0x156: {  	_ =	swait.ge [sflag:s16], $0x800  }
0x157: {  	[sflag:s16] =	ssyncset.done $0x0  }
0x158: {  	[sflag:s16] =	ssyncadd.s32 $0xFFFFF800  }
0x159: {  	s25 =	stileid.u32;
	[bflag:$0x0] =	sbarrier.arrive $0xFFFF  }
0x15a: {  	s20 =	sshll.u32 s25, $0x6;
	s26 =	rddreg [dreg:$0xa]  }
0x15b: {  	s20 =	sor.u32 $0x1C0B, s20;
	s28 =	rddreg [dreg:$0x17]  }
0x15c: {  	[hbm:s26], [sflag:s20] =	dma.local [spmem:s28], $0x2780  }
0x15d: {  	s26 =	simm.s32 $0xB  }
0x15e: {  	_ =	swait.ge [sflag:s26], $0x2780  }
0x15f: {  	[sflag:s26] =	ssyncset.done $0x0;
	s23 =	rddreg [dreg:$0xb]  }
0x160: {  	s24 =	rddreg [dreg:$0x18];
	[sflag:s26] =	ssyncadd.s32 $0xFFFFD880  }
0x161: {  	[hbm:s23], [sflag:s20] =	dma.local [spmem:s24], $0x4F0  }
0x162: {  	_ =	swait.ge [sflag:s26], $0x4F0  }
0x163: {  	s25 =	rddreg [dreg:$0x19]  }
0x164: {  	s28 =	rddreg [dreg:$0xc];
	s21 =	sadd.s32 $0x1, s25  }
0x165: {  	p1 =	sne.s32 s21, s28  }
.Ltmp2:
0x166: {  	_ = 	snop;
	(pc) =	sbr.rel @p1 .LBB2_1-.Ltmp2, $3  }
0x167: {  	_ =	sdelay $0x1  }
0x168: {  	[sflag:s26] =	ssyncset.done $0x0  }
0x169: {  	[sflag:s26] =	ssyncadd.s32 $0xFFFFFB10  }
0x16a: {  	_ =	sfence.sel $0x180000  }
0x16b: {  	[bflag:$0x0] =	sbarrier.arrive $0xFFFF  }
0x16c: {  	_ =	strace $0x90000047  }
0x16d: {  	s0 =	stileid.u32;
	[bflag:$0x2] =	sbarrier.arrive $0xFFFF  }
0x16e: {  	p0 =	sne.s32 s0, $0x0;
	s0 =	rddreg [dreg:$0x5]  }
0x16f: {  	s0 =	sadd.s32 @!p0 $0x100000, s0  }
0x170: {  	[sflag:s0] =	ssyncadd.tile.s32 @!p0 $0x1;
	_ =	shalt  }
.Lfunc_end2:
_tile_overlayer_lowered:
.L_overlay_start_2:
0x171: {  	(tag) =	ssettag $0x2  }
0x172: {  	s0 =	rddreg [dreg:$0x0];
	s2 =	stileid.u32  }
0x173: {  	s1 =	rddreg [dreg:$0x1];
	p0 =	sne.s32 s2, $0x0  }
0x174: {  	s3 =	rddreg [dreg:$0x2];
	[bflag:$0x3] =	sbarrier.arrive $0xFFFF;
	s2 =	simm.s32 @!p0 $0x1C0B  }
0x175: {  	[timem:s3], [sflag:s2] =	dma.local @!p0 [hbm:s0], s1  }
0x176: {  	s0 =	simm.s32 @!p0 $0xB  }
0x177: {  	_ =	swait.ge @!p0 [sflag:s0], s1  }
0x178: {  	s1 =	ssub.s32 @!p0 $0x0, s1;
	[sflag:s0] =	ssyncset.done @!p0 $0x0  }
0x179: {  	[sflag:s0] =	ssyncadd.s32 @!p0 s1  }
0x17a: {  	[bflag:$0x3] =	sbarrier.arrive $0xFFFF  }
0x17b: {  	_ =	shalt  }

// kernel: kernel.9.cloned.1.call-start
scs
__scs_entry_jumppad:
0x0: {  	(pc) =	sbr.rel $0x88, $3  }
0x1: {  	(tag) =	ssettag $0x0;
	lr =	simm.s32 $0x1  }
0x2: {  	[smem:$0x3F9B] =	sst lr;
	_ =	strace $0xD0000000  }
0x3: {  	_ = 	snop  }
0x4: {  	_ = 	snop  }
0x5: {  	_ = 	snop  }
0x6: {  	_ = 	snop  }
0x7: {  	_ = 	snop  }
__scs_overlays_trampoline_lowered:
0x8: {  	[smem:$0x3FAA] =	sst s0  }
0x9: {  	[smem:$0x3FAB] =	sst s1  }
0xa: {  	[smem:$0x3FAC] =	sst s2  }
0xb: {  	[smem:$0x3FAD] =	sst s3  }
0xc: {  	[smem:$0x3FAE] =	sst s4  }
0xd: {  	[smem:$0x3FAF] =	sst s5  }
0xe: {  	[smem:$0x3FB0] =	sst s6  }
0xf: {  	[smem:$0x3FB1] =	sst s7  }
0x10: {  	[smem:$0x3FB2] =	sst s8  }
0x11: {  	[smem:$0x3FB3] =	sst s9;
	s0 =	simm.s32 @!p0 $0x0  }
0x12: {  	s1 =	sld [smem:$0x3F99];
	s0 =	simm.s32 @p0 $0x1  }
0x13: {  	[smem:$0x3FB4] =	sst s0;
	s0 =	simm.s32 @!p1 $0x0  }
0x14: {  	s2 =	sld [smem:$0x3F98];
	s0 =	simm.s32 @p1 $0x1  }
0x15: {  	[smem:$0x3FB5] =	sst s0;
	s0 =	simm.s32 @!p2 $0x0  }
0x16: {  	s3 =	sld [smem:$0x3FDB];
	s0 =	simm.s32 @p2 $0x1  }
0x17: {  	s4 =	simm.s32 $0x1BF5;
	[smem:$0x3FB7] =	sst s0  }
0x18: {  	s0 =	sld [smem:$0x3F9A];
	_ =	swait.ge [sflag:s4], $0x0  }
0x19: {  	s7 =	sld [smem:$0x3F9B]  }
0x1a: {  	s8 =	sadd.s32 $0xFFFFE003, lr  }
0x1b: {  	s9 =	sadd.s32 $0xFFFFFEF7, lr;
	s5 =	simm.s32 $0xFFFFFFFF;
	p2 =	slt.u32 s8, $0xFFFFF086  }
0x1c: {  	p1 =	slt.u32 s9, $0xF7A;
	s5 =	simm.s32 @!p2 $0x0  }
0x1d: {  	s5 =	simm.s32 @p1 $0x1;
	p0 =	seq.s32 s7, s2  }
0x1e: {  	s7 =	smul.u32 @!p0 $0xF7A, s2;
	p2 =	seq.s32 @!p0 s5, $0x0  }
0x1f: {  	s9 =	smul.u32 $0xF7A, s1;
	s8 =	simm.s32 @!p0 $0x1BF5;
	p2 =	por !p2, p0  }
0x20: {  	[sflag:s8] =	ssyncset.s32 @!p0 $0xFFFFF086;
	s6 =	sadd.s32 @!p0 s3, s7;
	s7 =	simm.s32 @!p0 $0x108  }
0x21: {  	s3 =	sadd.s32 s3, s9;
	s6 =	sadd.s32 @!p0 $0x88, s6;
	s7 =	simm.s32 @p2 $0x1082  }
0x22: {  	[simem:s7], [sflag:s8] =	dma.local @!p0 [hbm:s6], $0xF7A  }
0x23: {  	s9 =	sor.u32 $0xD0000000, s2;
	s6 =	simm.s32 $0x108;
	_ =	swait.ge @!p0 [sflag:s8], $0x0  }
0x24: {  	s3 =	sadd.s32 $0x88, s3;
	s6 =	simm.s32 @!p1 $0x1082;
	[sflag:s4] =	ssyncset.s32 $0xFFFFF086  }
0x25: {  	[simem:s6], [sflag:s4] =	dma.local [hbm:s3], $0xF7A  }
0x26: {  	[smem:$0x3F9B] =	sst s1;
	(tag) =	ssettag s2;
	_ =	strace s9  }
0x27: {  	s1 =	sld [smem:$0x3FAB]  }
0x28: {  	s2 =	sld [smem:$0x3FAC]  }
0x29: {  	s4 =	sld [smem:$0x3FAE]  }
0x2a: {  	p0 =	seq.s32 s5, $0x0;
	s5 =	sld [smem:$0x3FAF]  }
0x2b: {  	s6 =	sld [smem:$0x3FB0]  }
0x2c: {  	s7 =	sld [smem:$0x3FB1]  }
0x2d: {  	s3 =	simm.s32 $0x108;
	s8 =	sld [smem:$0x3FB2]  }
0x2e: {  	s3 =	simm.s32 @!p0 $0x1082;
	s9 =	sld [smem:$0x3FB3]  }
0x2f: {  	lr =	sadd.s32 s0, s3;
	s0 =	sld [smem:$0x3FAA]  }
0x30: {  	s3 =	sld [smem:$0x3FAD]  }
0x31: {  	[smem:$0x3FB6] =	sst s10  }
0x32: {  	s10 =	sld [smem:$0x3FB4];
	_ =	sdelay $0x3  }
0x33: {  	p0 =	seq.s32 s10, $0x1;
	s10 =	sld [smem:$0x3FB6];
	_ =	sdelay $0x3  }
0x34: {  	[smem:$0x3FB6] =	sst s10  }
0x35: {  	s10 =	sld [smem:$0x3FB5];
	_ =	sdelay $0x3  }
0x36: {  	p1 =	seq.s32 s10, $0x1;
	s10 =	sld [smem:$0x3FB6];
	_ =	sdelay $0x3  }
0x37: {  	[smem:$0x3FB6] =	sst s10  }
0x38: {  	s10 =	sld [smem:$0x3FB7]  }
0x39: {  	_ = 	snop;
	(pc) =	sbr.ind lr, $3  }
0x3a: {  	_ = 	snop  }
0x3b: {  	_ = 	snop  }
0x3c: {  	p2 =	seq.s32 s10, $0x1;
	s10 =	sld [smem:$0x3FB6]  }
0x3d: {  	_ =	shalt  }
0x3e: {  	_ =	shalt  }
0x3f: {  	_ =	shalt  }
0x40: {  	_ =	shalt  }
0x41: {  	_ =	shalt  }
0x42: {  	_ =	shalt  }
0x43: {  	_ =	shalt  }
0x44: {  	_ =	shalt  }
0x45: {  	_ =	shalt  }
0x46: {  	_ =	shalt  }
0x47: {  	_ =	shalt  }
0x48: {  	_ =	shalt  }
0x49: {  	_ =	shalt  }
0x4a: {  	_ =	shalt  }
0x4b: {  	_ =	shalt  }
0x4c: {  	_ =	shalt  }
0x4d: {  	_ =	shalt  }
0x4e: {  	_ =	shalt  }
0x4f: {  	_ =	shalt  }
0x50: {  	_ =	shalt  }
0x51: {  	_ =	shalt  }
0x52: {  	_ =	shalt  }
0x53: {  	_ =	shalt  }
0x54: {  	_ =	shalt  }
0x55: {  	_ =	shalt  }
0x56: {  	_ =	shalt  }
0x57: {  	_ =	shalt  }
0x58: {  	_ =	shalt  }
0x59: {  	_ =	shalt  }
0x5a: {  	_ =	shalt  }
0x5b: {  	_ =	shalt  }
0x5c: {  	_ =	shalt  }
0x5d: {  	_ =	shalt  }
0x5e: {  	_ =	shalt  }
0x5f: {  	_ =	shalt  }
0x60: {  	_ =	shalt  }
0x61: {  	_ =	shalt  }
0x62: {  	_ =	shalt  }
0x63: {  	_ =	shalt  }
0x64: {  	_ =	shalt  }
0x65: {  	_ =	shalt  }
0x66: {  	_ =	shalt  }
0x67: {  	_ =	shalt  }
0x68: {  	_ =	shalt  }
0x69: {  	_ =	shalt  }
0x6a: {  	_ =	shalt  }
0x6b: {  	_ =	shalt  }
0x6c: {  	_ =	shalt  }
0x6d: {  	_ =	shalt  }
0x6e: {  	_ =	shalt  }
0x6f: {  	_ =	shalt  }
0x70: {  	_ =	shalt  }
0x71: {  	_ =	shalt  }
0x72: {  	_ =	shalt  }
0x73: {  	_ =	shalt  }
0x74: {  	_ =	shalt  }
0x75: {  	_ =	shalt  }
0x76: {  	_ =	shalt  }
0x77: {  	_ =	shalt  }
0x78: {  	_ =	shalt  }
0x79: {  	_ =	shalt  }
0x7a: {  	_ =	shalt  }
0x7b: {  	_ =	shalt  }
0x7c: {  	_ =	shalt  }
0x7d: {  	_ =	shalt  }
0x7e: {  	_ =	shalt  }
0x7f: {  	_ =	shalt  }
0x80: {  	_ =	shalt  }
0x81: {  	_ =	shalt  }
0x82: {  	_ =	shalt  }
0x83: {  	_ =	shalt  }
0x84: {  	_ =	shalt  }
0x85: {  	_ =	shalt  }
0x86: {  	_ =	shalt  }
0x87: {  	_ =	shalt  }
.Lfunc_end0:
.L_simem_size_0:
called_computation.1_lowered:
.L_overlay_start_0:
0x88: {  	s2 =	sld [smem:$0x3FD9]  }
0x89: {  	s3 =	sld [smem:$0x3FFE];
	_ =	sdelay $0x1  }
0x8a: {  	s1 =	srdreg.scid  }
0x8b: {  	s0 =	sand.u32 $0x1, s1  }
0x8c: {  	s17 =	sshll.u32 s0, $0xA;
	s2 =	sadd.s32 s3, s2  }
0x8d: {  	s2 =	sadd.s32 s2, s17  }
0x8e: {  	[smem:$0x3FC2] =	sst s2  }
0x8f: {  	_ = 	snop  }
0x90: {  	s2 =	sld [smem:$0x3FD0];
	(tm) =	ssettm $0x1  }
0x91: {  	s18 =	sld [smem:$0x3FFB];
	_ =	sdelay $0x3  }
0x92: {  	_ =	strace s18  }
0x93: {  	s3 =	sld [smem:$0x3FFC];
	_ =	sdelay $0x3  }
0x94: {  	_ =	strace s3  }
0x95: {  	s3 =	sld [smem:$0x3FFD];
	_ =	sdelay $0x3  }
0x96: {  	_ =	strace s3  }
0x97: {  	_ =	strace $0x8FFFFFFF  }
0x98: {  	s19 =	sld [smem:$0x3FDB];
	_ =	sdelay $0x1  }
0x99: {  	s4 =	simm.s32 $_scs_section_size  }
0x9a: {  	s5 =	simm.s32 $_size__tile_overlayer_lowered;
	s6 =	simm.s32 $_tile_overlayer_lowered  }
0x9b: {  	s22 =	simm.s32 $0x1BFF;
	s21 =	sshll.u32 s6, $0x1;
	s3 =	sadd.s32 s4, s19  }
0x9c: {  	s7 =	simm.s32 $0x0;
	s20 =	sshll.u32 s5, $0x1;
	s5 =	sadd.s32 s21, s3  }
0x9d: {  	[timem:s7], [sflag:s22] =	dma.local [hbm:s5], s20  }
0x9e: {  	_ =	swait.ge [sflag:s22], s20  }
0x9f: {  	s4 =	ssub.s32 $0x0, s20;
	[sflag:s22] =	ssyncset.done $0x0  }
0xa0: {  	[sflag:s22] =	ssyncadd.s32 s4;
	_ =	sdelay $0x1  }
0xa1: {  	s23 =	simm.s32 $0x1B8B  }
0xa2: {  	_ =	swait.ge [sflag:s23], $0x1  }
0xa3: {  	[sflag:s23] =	ssyncset.done $0x0  }
0xa4: {  	s25 =	simm.s32 $0x1B8E;
	s24 =	sld [smem:$0x3FFE];
	[sflag:s23] =	ssyncadd.s32 $0xFFFFFFFF  }
0xa5: {  	s26 =	simm.s32 $execute0_lowered;
	[smem:$0x3FD2] =	sst s25  }
0xa6: {  	s5 =	sshll.u32 s26, $0x1;
	_ =	strace $0x80000049;
	[dreg:$0x1] =	wrdreg $0xFFFFFFFF  }
0xa7: {  	s28 =	simm.s32 $_size_execute0_lowered;
	s3 =	sadd.s32 s3, s5;
	[dreg:$0x0] =	wrdreg $0x0  }
0xa8: {  	s5 =	sshll.u32 s28, $0x1;
	[dreg:$0x2] =	wrdreg s3  }
0xa9: {  	[dreg:$0x3] =	wrdreg s5  }
0xaa: {  	[dreg:$0x4] =	wrdreg $0xC0  }
0xab: {  	_ =	task [dreg:s7], $0x5FFFF  }
0xac: {  	[dreg:$0x1] =	wrdreg $0xFFFFFFFF  }
0xad: {  	[dreg:$0x0] =	wrdreg $0x60  }
0xae: {  	[dreg:$0x2] =	wrdreg s2  }
0xaf: {  	[dreg:$0x3] =	wrdreg s24  }
0xb0: {  	[dreg:$0x4] =	wrdreg $0x94000  }
0xb1: {  	[dreg:$0x5] =	wrdreg $0x9  }
0xb2: {  	_ =	task.clear_ibuf [dreg:s7], $0x6FFFF;
	_ =	strace $0x90000049  }
0xb3: {  	s29 =	simm.s32 $0x9;
	_ =	strace $0x8000004B  }
0xb4: {  	_ =	swait.ge [sflag:s29], $0x1  }
0xb5: {  	[sflag:s29] =	ssyncadd.s32 $0xFFFFFFFF  }
0xb6: {  	_ =	strace $0x9000004B  }
0xb7: {  	_ =	sfence  }
0xb8: {  	s30 =	sld [smem:$0x0];
	_ =	sdelay $0x2  }
0xb9: {  	s31 =	sshll.u32 s1, $0xD;
	s1 =	sshrl.u32 s1, $0x2  }
0xba: {  	s3 =	sand.u32 $0x4000, s31;
	s1 =	sadd.s32 s1, s30  }
0xbb: {  	s0 =	sor.u32 s3, s0;
	s1 =	sshll.u32 s1, $0x11  }
0xbc: {  	s0 =	sor.u32 s1, s0  }
0xbd: {  	s0 =	sadd.s32 $0x8F2B, s0  }
0xbe: {  	[sflag:s0] =	ssyncadd.remote.s32 $0x1  }
0xbf: {  	_ =	sfence.sel $0xFFFF  }
0xc0: {  	[dreg:$0x0] =	wrdreg $0xFFFFFFFF;
	(pc) =	sbr.abs _section_cstart, $3  }
0xc1: {  	[dreg:$0x1] =	wrdreg $0xFFFFFFFF  }
0xc2: {  	_ =	task.clear_ibuf [dreg:s7], $0x2FFFF;
	_ =	strace $0x9FFFFFFF  }
0xc3: {  	(tm) =	ssettm $0x7FFFFFFF  }
tec
execute0_lowered:
.L_overlay_start_1:
0x0: {  	(tag) =	ssettag $0x1  }
0x1: {  	s1 =	rddreg [dreg:$0x0]  }
0x2: {  	s0 =	rddreg [dreg:$0x1]  }
0x3: {  	s2 =	rddreg [dreg:$0x2]  }
0x4: {  	s3 =	srdreg.scid;
	s4 =	simm.s32 $0x0;
	s12 =	stileid.u32  }
0x5: {  	s15 =	simm.s32 $0x400;
	s25 =	simm.s32 $0x180;
	s26 =	simm.s32 $0x280  }
0x6: {  	s28 =	simm.s32 $0x7;
	s29 =	simm.s32 $0x2;
	s30 =	simm.s32 $0x4  }
0x7: {  	s31 =	simm.s32 $0x8;
	s3 =	sand.u32 $0x1, s3;
	s6 =	smul.u32 $0x13C00, s12  }
0x8: {  	[smem:$0x7FF] =	sst s4;
	s11 =	sadd.s32 $0x2400, s0;
	s17 =	smul.u32 $0x50, s12  }
0x9: {  	s18 =	sshll.u32 s12, $0xE;
	p0 =	seq.s32 s12, $0xF;
	s5 =	smul.u32 $0x13C000, s3  }
0xa: {  	s7 =	sshll.u32 s3, $0x4;
	_ =	strace $0x8000004A;
	[dreg:$0x6] =	wrdreg s25  }
0xb: {  	s9 =	ssub.s32 $0x2, s3;
	s3 =	smul.u32 $0x500, s3;
	[dreg:$0x7] =	wrdreg s26  }
0xc: {  	s26 =	simm.s32 $0x3;
	s7 =	sor.u32 s12, s7;
	s10 =	sshrl.u32 s9, $0x1  }
0xd: {  	s5 =	sadd.s32 s6, s5;
	s7 =	smul.u32 $0xA00, s7;
	s9 =	ssub.s32 s9, s10  }
0xe: {  	s3 =	sadd.s32 s17, s3;
	s6 =	sadd.s32 s6, s2;
	s17 =	simm.s32 $0x100  }
0xf: {  	s8 =	sshrl.u32 s5, $0x3;
	s19 =	sshll.u32 s3, $0x5;
	s20 =	smax.u32 s9, $0x1  }
0x10: {  	s25 =	sshrl.u32 s6, $0x3;
	s16 =	sadd.s32 s11, s7;
	s0 =	sadd.s32 s8, s0  }
0x11: {  	s8 =	sadd.s32 s18, s2;
	[dreg:$0xb] =	wrdreg s20;
	s11 =	sadd.s32 s19, s11  }
0x12: {  	s18 =	simm.s32 $0x5;
	[dreg:$0x8] =	wrdreg s16;
	s5 =	sadd.s32 $0x20, s16  }
0x13: {  	s19 =	simm.s32 $0x80;
	s0 =	sadd.s32 $0x16400, s0;
	[dreg:$0x9] =	wrdreg s5  }
0x14: {  	s20 =	simm.s32 $0x200;
	s21 =	sadd.s32 $0x40000, s8;
	[dreg:$0xa] =	wrdreg s0  }
0x15: {  	s22 =	sadd.s32 $0x80000, s8;
	s13 =	sadd.s32 $0xC0000, s8;
	[dreg:$0xc] =	wrdreg s21  }
0x16: {  	s23 =	sadd.s32 $0x80, s11;
	s14 =	sadd.s32 $0x100000, s8;
	[dreg:$0xd] =	wrdreg s22  }
0x17: {  	s24 =	sadd.s32 $0x40, s11;
	s16 =	simm.s32 $0x9;
	[dreg:$0x4] =	wrdreg s23  }
0x18: {  	[dreg:$0x5] =	wrdreg s24;
	s21 =	simm.s32 $0x6;
	s22 =	simm.s32 $0x4400  }
0x19: {  	v0 =	vimm.f32 $0.0e+00;
	v1 =	vimm.f32 $1.000000000e+00;
	s23 =	simm.s32 $0x300;
	s24 =	simm.s32 $0x1;
	s0 =	simm.s32 $0x0  }
.LBB2_1:
0x1a: {  	s3 =	simm.s32 $0x440  }
0x1b: {  	[tilespmem:s3+$0x20] =	vst v0  }
0x1c: {  	[tilespmem:s3+$0x10] =	vst v0  }
0x1d: {  	[tilespmem:s3+$0x0] =	vst v0  }
0x1e: {  	[tilespmem:s3+$0xFFFFFFF0] =	vst v0  }
0x1f: {  	[tilespmem:s3+$0xFFFFFFE0] =	vst v0  }
0x20: {  	[tilespmem:s3+$0xFFFFFFD0] =	vst v0  }
0x21: {  	[tilespmem:s3+$0xFFFFFFC0] =	vst v0  }
0x22: {  	s7 =	simm.s32 $0x0;
	s6 =	simm.s32 $0x40;
	[tilespmem:s3+$0x30] =	vst v0  }
.LBB2_2:
0x23: {  	p1 =	sne.s32 s6, $0x1FC0;
	[tilespmem:s7+$0x8C00] =	vst v0  }
0x24: {  	s3 =	sadd.s32 $0x80, s3;
	[tilespmem:s7+$0x8400] =	vst v1  }
0x25: {  	[tilespmem:s3+$0x20] =	vst v0  }
0x26: {  	[tilespmem:s3+$0x10] =	vst v0  }
0x27: {  	[tilespmem:s3+$0x0] =	vst v0  }
.Ltmp0:
0x28: {  	[tilespmem:s3+$0xFFFFFFF0] =	vst v0;
	(pc) =	sbr.rel @p1 .LBB2_2-.Ltmp0, $4  }
0x29: {  	[tilespmem:s3+$0xFFFFFFE0] =	vst v0  }
0x2a: {  	[tilespmem:s3+$0xFFFFFFD0] =	vst v0  }
0x2b: {  	[tilespmem:s3+$0xFFFFFFC0] =	vst v0  }
0x2c: {  	s7 =	sshra.s32 s6, $0x2;
	s6 =	sadd.s32 $0x40, s6;
	[tilespmem:s3+$0x30] =	vst v0  }
0x2d: {  	[tilespmem:s7+$0x8C00] =	vst v0  }
0x2e: {  	[tilespmem:s7+$0x8400] =	vst v1  }
0x2f: {  	[spmem:s8] =	stream.linear.scatter [tilespmem:s15], [sflag:$0x9], $0x4000, $0x38;
	[tilespmem:$0x1D000] =	vst v63  }
0x30: {  	_ =	swait.ge [sflag:s16], $0x4000  }
0x31: {  	[sflag:s16] =	ssyncset.done $0x0  }
0x32: {  	s3 =	rddreg [dreg:$0xc];
	[sflag:s16] =	ssyncadd.s32 $0xFFFFC000  }
0x33: {  	[spmem:s3] =	stream.linear.scatter [tilespmem:s15], [sflag:$0x9], $0x4000, $0x38;
	[tilespmem:$0x1D000] =	vst v63  }
0x34: {  	_ =	swait.ge [sflag:s16], $0x4000  }
0x35: {  	[sflag:s16] =	ssyncset.done $0x0  }
0x36: {  	s5 =	rddreg [dreg:$0xd];
	[sflag:s16] =	ssyncadd.s32 $0xFFFFC000  }
0x37: {  	[spmem:s5] =	stream.linear.scatter [tilespmem:s15], [sflag:$0x9], $0x4000, $0x38;
	[tilespmem:$0x1D000] =	vst v63  }
0x38: {  	_ =	swait.ge [sflag:s16], $0x4000  }
0x39: {  	[sflag:s16] =	ssyncset.done $0x0  }
0x3a: {  	[sflag:s16] =	ssyncadd.s32 $0xFFFFC000  }
0x3b: {  	[spmem:s13] =	stream.linear.scatter [tilespmem:s15], [sflag:$0x9], $0x4000, $0x38;
	[tilespmem:$0x1D000] =	vst v63  }
0x3c: {  	_ =	swait.ge [sflag:s16], $0x4000  }
0x3d: {  	[sflag:s16] =	ssyncset.done $0x0  }
0x3e: {  	s3 =	simm.s32 @!p0 $0x400;
	[sflag:s16] =	ssyncadd.s32 $0xFFFFC000  }
0x3f: {  	[spmem:s14] =	stream.linear.scatter @!p0 [tilespmem:s3], [sflag:$0x9], $0x4000, $0x38;
	[tilespmem:$0x1D000] =	vst v63  }
0x40: {  	s3 =	simm.s32 @!p0 $0x9  }
0x41: {  	_ =	swait.ge @!p0 [sflag:s3], $0x4000  }
0x42: {  	[sflag:s3] =	ssyncset.done @!p0 $0x0  }
0x43: {  	[sflag:s3] =	ssyncadd.s32 @!p0 $0xFFFFC000  }
0x44: {  	p1 =	por $0x1, $0x1;
	[bflag:$0x0] =	sbarrier.arrive $0xFFFF  }
0x45: {  	s6 =	simm.s32 $0x0;
	p1 =	por p1, p1;
	s5 =	rddreg [dreg:$0x8]  }
0x46: {  	[tilespmem:s6], [sflag:$0x5] =	stream.linear.gather [hbm4b:s5+s6], $0x100, $0x38;
	[tilespmem:$0x1D000] =	vst v63  }
0x47: {  	s3 =	simm.s32 @!p1 $0x3;
	s7 =	rddreg [dreg:$0x9]  }
0x48: {  	[tilespmem:s17], [sflag:$0x6] =	stream.linear.gather [hbm4b:s7+s6], $0x100, $0x38;
	[tilespmem:$0x1D000] =	vst v63  }
0x49: {  	_ =	swait.ge @!p1 [sflag:s3], $0x4000  }
0x4a: {  	[sflag:s3] =	ssyncset.done @!p1 $0x0  }
0x4b: {  	[sflag:s3] =	ssyncadd.s32 @!p1 $0xFFFFC000  }
0x4c: {  	_ =	swait.ge [sflag:s18], $0x100  }
0x4d: {  	[sflag:s18] =	ssyncset.done $0x0  }
0x4e: {  	s9 =	rddreg [dreg:$0x5];
	[sflag:s18] =	ssyncadd.s32 $0xFFFFFF00  }
0x4f: {  	[tilespmem:s15], [sflag:$0x1] =	stream.indirect.gather [hbm4b:s1+s19], $0x80, s4, s19, $0xb8;
	[tilespmem:$0x1D000] =	vst v63  }
0x50: {  	s6 =	simm.s32 @!p1 $0x2;
	s3 =	sadd.s32 $0x0, s9  }
0x51: {  	[tilespmem:s20], [sflag:$0x7] =	stream.linear.gather [hbm4b:s3+s4], $0x100, $0x38;
	[tilespmem:$0x1D000] =	vst v63  }
0x52: {  	_ =	swait.ge @!p1 [sflag:s6], $0x4000  }
0x53: {  	s7 =	simm.s32 @!p1 $0x380;
	[sflag:s6] =	ssyncset.done @!p1 $0x0  }
0x54: {  	s3 =	simm.s32 @!p1 $0x4400;
	[sflag:s6] =	ssyncadd.s32 @!p1 $0xFFFFC000;
	s6 =	simm.s32 @!p1 $0x80  }
0x55: {  	[spmem:s2] =	stream.indirect.scatter.add.f32 @!p1 [tilespmem:s3], [sflag:$0x4], $0x80, s7, s6, $0xb8;
	[tilespmem:$0x1D000] =	vst v63  }
0x56: {  	s3 =	simm.s32 @!p1 $0x4  }
0x57: {  	_ =	swait.ge @!p1 [sflag:s3], $0x4000  }
0x58: {  	[sflag:s3] =	ssyncset.done @!p1 $0x0  }
0x59: {  	[sflag:s3] =	ssyncadd.s32 @!p1 $0xFFFFC000  }
0x5a: {  	_ =	swait.ge [sflag:s21], $0x100  }
0x5b: {  	[sflag:s21] =	ssyncset.done $0x0  }
0x5c: {  	s10 =	sadd.s32 $0x0, s11;
	[sflag:s21] =	ssyncadd.s32 $0xFFFFFF00  }
0x5d: {  	[tilespmem:s22], [sflag:$0x2] =	stream.indirect.gather [hbm4b:s1+s19], $0x80, s17, s19, $0xb8;
	[tilespmem:$0x1D000] =	vst v63  }
0x5e: {  	s3 =	sadd.s32 $0x60, s10  }
0x5f: {  	[tilespmem:s23], [sflag:$0x8] =	stream.linear.gather [hbm4b:s3+s4], $0x100, $0x38;
	[tilespmem:$0x1D000] =	vst v63  }
0x60: {  	_ =	swait.ge [sflag:s24], $0x4000  }
0x61: {  	[sflag:s24] =	ssyncset.done $0x0  }
0x62: {  	[sflag:s24] =	ssyncadd.s32 $0xFFFFC000  }
0x63: {  	[spmem:s2] =	stream.indirect.scatter.add.f32 [tilespmem:s15], [sflag:$0x3], $0x80, s19, s19, $0xb8;
	[tilespmem:$0x1D000] =	vst v63  }
0x64: {  	_ =	swait.ge [sflag:s26], $0x4000  }
0x65: {  	[sflag:s26] =	ssyncset.done $0x0  }
0x66: {  	[sflag:s26] =	ssyncadd.s32 $0xFFFFC000  }
0x67: {  	_ =	swait.ge [sflag:s28], $0x100  }
0x68: {  	[sflag:s28] =	ssyncset.done $0x0  }
0x69: {  	p1 =	por $0x0, $0x0;
	s3 =	rddreg [dreg:$0x4];
	[sflag:s28] =	ssyncadd.s32 $0xFFFFFF00  }
0x6a: {  	[tilespmem:s15], [sflag:$0x1] =	stream.indirect.gather [hbm4b:s1+s19], $0x80, s20, s19, $0xb8;
	[tilespmem:$0x1D000] =	vst v63  }
0x6b: {  	s6 =	simm.s32 @!p1 $0x0;
	s3 =	sadd.s32 @!p1 $0x0, s3  }
0x6c: {  	[tilespmem:s6], [sflag:$0x5] =	stream.linear.gather @!p1 [hbm4b:s3+s6], $0x100, $0x38;
	[tilespmem:$0x1D000] =	vst v63  }
0x6d: {  	_ =	swait.ge [sflag:s29], $0x4000  }
0x6e: {  	[sflag:s29] =	ssyncset.done $0x0  }
0x6f: {  	s12 =	rddreg [dreg:$0x6];
	[sflag:s29] =	ssyncadd.s32 $0xFFFFC000  }
0x70: {  	[spmem:s2] =	stream.indirect.scatter.add.f32 [tilespmem:s22], [sflag:$0x4], $0x80, s12, s19, $0xb8;
	[tilespmem:$0x1D000] =	vst v63  }
0x71: {  	_ =	swait.ge [sflag:s30], $0x4000  }
0x72: {  	[sflag:s30] =	ssyncset.done $0x0  }
0x73: {  	[sflag:s30] =	ssyncadd.s32 $0xFFFFC000  }
0x74: {  	_ =	swait.ge [sflag:s31], $0x100  }
0x75: {  	[sflag:s31] =	ssyncset.done $0x0  }
0x76: {  	s3 =	sadd.s32 @!p1 $0x0, s11;
	[sflag:s31] =	ssyncadd.s32 $0xFFFFFF00  }
0x77: {  	[tilespmem:s22], [sflag:$0x2] =	stream.indirect.gather [hbm4b:s1+s19], $0x80, s23, s19, $0xb8;
	[tilespmem:$0x1D000] =	vst v63  }
0x78: {  	s7 =	simm.s32 @!p1 $0x100;
	s3 =	sadd.s32 @!p1 $0xA0, s3  }
0x79: {  	[tilespmem:s7], [sflag:$0x6] =	stream.linear.gather @!p1 [hbm4b:s3+s6], $0x100, $0x38;
	[tilespmem:$0x1D000] =	vst v63  }
0x7a: {  	p6 =	por $0x0, $0x0;
	_ =	swait.ge [sflag:s24], $0x4000  }
0x7b: {  	s3 =	simm.s32 $0x80;
	s6 =	simm.s32 $0x100;
	[sflag:s24] =	ssyncset.done $0x0  }
0x7c: {  	p1 =	por p6, p6;
	s7 =	rddreg [dreg:$0x7];
	[sflag:s24] =	ssyncadd.s32 $0xFFFFC000  }
.LBB2_4:
0x7d: {  	[spmem:s2] =	stream.indirect.scatter.add.f32 [tilespmem:s15], [sflag:$0x3], $0x80, s7, s19, $0xb8;
	[tilespmem:$0x1D000] =	vst v63  }
0x7e: {  	s9 =	simm.s32 @!p1 $0x3  }
0x7f: {  	_ =	swait.ge @!p1 [sflag:s9], $0x4000  }
0x80: {  	[sflag:s9] =	ssyncset.done @!p1 $0x0  }
0x81: {  	[sflag:s9] =	ssyncadd.s32 @!p1 $0xFFFFC000  }
0x82: {  	_ =	swait.ge [sflag:s18], $0x100  }
0x83: {  	[sflag:s18] =	ssyncset.done $0x0  }
0x84: {  	s5 =	rddreg [dreg:$0x5];
	[sflag:s18] =	ssyncadd.s32 $0xFFFFFF00  }
0x85: {  	[tilespmem:s15], [sflag:$0x1] =	stream.indirect.gather [hbm4b:s1+s19], $0x80, s4, s19, $0xb8;
	[tilespmem:$0x1D000] =	vst v63  }
0x86: {  	s10 =	simm.s32 @!p1 $0x2;
	s9 =	sadd.s32 s3, s5  }
0x87: {  	[tilespmem:s20], [sflag:$0x7] =	stream.linear.gather [hbm4b:s9+s4], $0x100, $0x38;
	[tilespmem:$0x1D000] =	vst v63  }
0x88: {  	_ =	swait.ge @!p1 [sflag:s10], $0x4000  }
0x89: {  	s12 =	simm.s32 @!p1 $0x380;
	s5 =	simm.s32 @!p1 $0x4;
	[sflag:s10] =	ssyncset.done @!p1 $0x0  }
0x8a: {  	s9 =	simm.s32 @!p1 $0x4400;
	[sflag:s10] =	ssyncadd.s32 @!p1 $0xFFFFC000;
	s10 =	simm.s32 @!p1 $0x80  }
0x8b: {  	[spmem:s2] =	stream.indirect.scatter.add.f32 @!p1 [tilespmem:s9], [sflag:$0x4], $0x80, s12, s10, $0xb8;
	[tilespmem:$0x1D000] =	vst v63  }
0x8c: {  	_ =	swait.ge @!p1 [sflag:s5], $0x4000  }
0x8d: {  	[sflag:s5] =	ssyncset.done @!p1 $0x0  }
0x8e: {  	[sflag:s5] =	ssyncadd.s32 @!p1 $0xFFFFC000  }
0x8f: {  	_ =	swait.ge [sflag:s21], $0x100  }
0x90: {  	[sflag:s21] =	ssyncset.done $0x0  }
0x91: {  	s10 =	sadd.s32 s3, s11;
	[sflag:s21] =	ssyncadd.s32 $0xFFFFFF00  }
0x92: {  	[tilespmem:s22], [sflag:$0x2] =	stream.indirect.gather [hbm4b:s1+s19], $0x80, s17, s19, $0xb8;
	[tilespmem:$0x1D000] =	vst v63  }
0x93: {  	s5 =	sadd.s32 $0x60, s10  }
0x94: {  	[tilespmem:s23], [sflag:$0x8] =	stream.linear.gather [hbm4b:s5+s4], $0x100, $0x38;
	[tilespmem:$0x1D000] =	vst v63  }
0x95: {  	_ =	swait.ge [sflag:s24], $0x4000  }
0x96: {  	[sflag:s24] =	ssyncset.done $0x0  }
0x97: {  	[sflag:s24] =	ssyncadd.s32 $0xFFFFC000  }
0x98: {  	[spmem:s2] =	stream.indirect.scatter.add.f32 [tilespmem:s15], [sflag:$0x3], $0x80, s19, s19, $0xb8;
	[tilespmem:$0x1D000] =	vst v63  }
0x99: {  	_ =	swait.ge [sflag:s26], $0x4000  }
0x9a: {  	[sflag:s26] =	ssyncset.done $0x0  }
0x9b: {  	s7 =	smov.u32 s6;
	[sflag:s26] =	ssyncadd.s32 $0xFFFFC000  }
0x9c: {  	p3 =	seq.s32 s7, $0x0;
	_ =	swait.ge [sflag:s28], $0x100  }
0x9d: {  	p1 =	por p3, p3;
	[sflag:s28] =	ssyncset.done $0x0  }
0x9e: {  	p3 =	seq.s32 s3, $0x980;
	s5 =	rddreg [dreg:$0x4];
	[sflag:s28] =	ssyncadd.s32 $0xFFFFFF00  }
0x9f: {  	[tilespmem:s15], [sflag:$0x1] =	stream.indirect.gather [hbm4b:s1+s19], $0x80, s20, s19, $0xb8;
	[tilespmem:$0x1D000] =	vst v63  }
0xa0: {  	s9 =	simm.s32 @!p3 $0x0;
	s5 =	sadd.s32 @!p3 s3, s5  }
0xa1: {  	[tilespmem:s9], [sflag:$0x5] =	stream.linear.gather @!p3 [hbm4b:s5+s9], $0x100, $0x38;
	[tilespmem:$0x1D000] =	vst v63  }
0xa2: {  	_ =	swait.ge [sflag:s29], $0x4000  }
0xa3: {  	[sflag:s29] =	ssyncset.done $0x0  }
0xa4: {  	s12 =	rddreg [dreg:$0x6];
	[sflag:s29] =	ssyncadd.s32 $0xFFFFC000  }
0xa5: {  	[spmem:s2] =	stream.indirect.scatter.add.f32 [tilespmem:s22], [sflag:$0x4], $0x80, s12, s19, $0xb8;
	[tilespmem:$0x1D000] =	vst v63  }
0xa6: {  	_ =	swait.ge [sflag:s30], $0x4000  }
0xa7: {  	[sflag:s30] =	ssyncset.done $0x0  }
0xa8: {  	[sflag:s30] =	ssyncadd.s32 $0xFFFFC000  }
0xa9: {  	_ =	swait.ge [sflag:s31], $0x100  }
0xaa: {  	s6 =	sadd.s32 $0x80, s6;
	s3 =	sadd.s32 @!p3 s3, s11;
	[sflag:s31] =	ssyncset.done $0x0  }
0xab: {  	p2 =	sne.s32 s6, $0xA00;
	s5 =	sadd.s32 @!p3 $0xA0, s3;
	[sflag:s31] =	ssyncadd.s32 $0xFFFFFF00  }
0xac: {  	[tilespmem:s22], [sflag:$0x2] =	stream.indirect.gather [hbm4b:s1+s19], $0x80, s23, s19, $0xb8;
	[tilespmem:$0x1D000] =	vst v63  }
.Ltmp1:
0xad: {  	s3 =	smov.u32 s7;
	s7 =	simm.s32 @!p3 $0x100;
	(pc) =	sbr.rel @p2 .LBB2_4-.Ltmp1, $4  }
0xae: {  	[tilespmem:s7], [sflag:$0x6] =	stream.linear.gather @!p3 [hbm4b:s5+s9], $0x100, $0x38;
	[tilespmem:$0x1D000] =	vst v63  }
0xaf: {  	_ =	swait.ge [sflag:s24], $0x4000  }
0xb0: {  	[sflag:s24] =	ssyncset.done $0x0  }
0xb1: {  	s7 =	rddreg [dreg:$0x7];
	[sflag:s24] =	ssyncadd.s32 $0xFFFFC000  }
0xb2: {  	[spmem:s2] =	stream.indirect.scatter.add.f32 [tilespmem:s15], [sflag:$0x3], $0x80, s7, s19, $0xb8;
	[tilespmem:$0x1D000] =	vst v63  }
0xb3: {  	s5 =	simm.s32 @!p1 $0x3  }
0xb4: {  	_ =	swait.ge @!p1 [sflag:s5], $0x4000  }
0xb5: {  	[sflag:s5] =	ssyncset.done @!p1 $0x0  }
0xb6: {  	[sflag:s5] =	ssyncadd.s32 @!p1 $0xFFFFC000  }
0xb7: {  	_ =	swait.ge [sflag:s18], $0x100  }
0xb8: {  	[sflag:s18] =	ssyncset.done $0x0  }
0xb9: {  	s9 =	rddreg [dreg:$0x5];
	[sflag:s18] =	ssyncadd.s32 $0xFFFFFF00  }
0xba: {  	[tilespmem:s15], [sflag:$0x1] =	stream.indirect.gather [hbm4b:s1+s19], $0x80, s4, s19, $0xb8;
	[tilespmem:$0x1D000] =	vst v63  }
0xbb: {  	s6 =	simm.s32 @!p1 $0x2;
	s5 =	sadd.s32 s3, s9  }
0xbc: {  	[tilespmem:s20], [sflag:$0x7] =	stream.linear.gather [hbm4b:s5+s4], $0x100, $0x38;
	[tilespmem:$0x1D000] =	vst v63  }
0xbd: {  	_ =	swait.ge @!p1 [sflag:s6], $0x4000  }
0xbe: {  	s7 =	simm.s32 @!p1 $0x380;
	[sflag:s6] =	ssyncset.done @!p1 $0x0  }
0xbf: {  	s5 =	simm.s32 @!p1 $0x4400;
	[sflag:s6] =	ssyncadd.s32 @!p1 $0xFFFFC000;
	s6 =	simm.s32 @!p1 $0x80  }
0xc0: {  	[spmem:s2] =	stream.indirect.scatter.add.f32 @!p1 [tilespmem:s5], [sflag:$0x4], $0x80, s7, s6, $0xb8;
	[tilespmem:$0x1D000] =	vst v63  }
0xc1: {  	s5 =	simm.s32 @!p1 $0x4  }
0xc2: {  	_ =	swait.ge @!p1 [sflag:s5], $0x4000  }
0xc3: {  	[sflag:s5] =	ssyncset.done @!p1 $0x0  }
0xc4: {  	[sflag:s5] =	ssyncadd.s32 @!p1 $0xFFFFC000  }
0xc5: {  	_ =	swait.ge [sflag:s21], $0x100  }
0xc6: {  	[sflag:s21] =	ssyncset.done $0x0  }
0xc7: {  	s10 =	sadd.s32 s3, s11;
	[sflag:s21] =	ssyncadd.s32 $0xFFFFFF00  }
0xc8: {  	[tilespmem:s22], [sflag:$0x2] =	stream.indirect.gather [hbm4b:s1+s19], $0x80, s17, s19, $0xb8;
	[tilespmem:$0x1D000] =	vst v63  }
0xc9: {  	s5 =	sadd.s32 $0x60, s10  }
0xca: {  	[tilespmem:s23], [sflag:$0x8] =	stream.linear.gather [hbm4b:s5+s4], $0x100, $0x38;
	[tilespmem:$0x1D000] =	vst v63  }
0xcb: {  	_ =	swait.ge [sflag:s24], $0x4000  }
0xcc: {  	[sflag:s24] =	ssyncset.done $0x0  }
0xcd: {  	[sflag:s24] =	ssyncadd.s32 $0xFFFFC000  }
0xce: {  	[spmem:s2] =	stream.indirect.scatter.add.f32 [tilespmem:s15], [sflag:$0x3], $0x80, s19, s19, $0xb8;
	[tilespmem:$0x1D000] =	vst v63  }
0xcf: {  	_ =	swait.ge [sflag:s26], $0x4000  }
0xd0: {  	[sflag:s26] =	ssyncset.done $0x0  }
0xd1: {  	[sflag:s26] =	ssyncadd.s32 $0xFFFFC000  }
0xd2: {  	_ =	swait.ge [sflag:s28], $0x100  }
0xd3: {  	[sflag:s28] =	ssyncset.done $0x0  }
0xd4: {  	p1 =	seq.s32 s3, $0x980;
	s5 =	rddreg [dreg:$0x4];
	[sflag:s28] =	ssyncadd.s32 $0xFFFFFF00  }
0xd5: {  	[tilespmem:s15], [sflag:$0x1] =	stream.indirect.gather [hbm4b:s1+s19], $0x80, s20, s19, $0xb8;
	[tilespmem:$0x1D000] =	vst v63  }
0xd6: {  	s6 =	simm.s32 @!p1 $0x0;
	s5 =	sadd.s32 @!p1 s3, s5  }
0xd7: {  	[tilespmem:s6], [sflag:$0x5] =	stream.linear.gather @!p1 [hbm4b:s5+s6], $0x100, $0x38;
	[tilespmem:$0x1D000] =	vst v63  }
0xd8: {  	_ =	swait.ge [sflag:s29], $0x4000  }
0xd9: {  	[sflag:s29] =	ssyncset.done $0x0  }
0xda: {  	s12 =	rddreg [dreg:$0x6];
	[sflag:s29] =	ssyncadd.s32 $0xFFFFC000  }
0xdb: {  	[spmem:s2] =	stream.indirect.scatter.add.f32 [tilespmem:s22], [sflag:$0x4], $0x80, s12, s19, $0xb8;
	[tilespmem:$0x1D000] =	vst v63  }
0xdc: {  	_ =	swait.ge [sflag:s30], $0x4000  }
0xdd: {  	[sflag:s30] =	ssyncset.done $0x0  }
0xde: {  	[sflag:s30] =	ssyncadd.s32 $0xFFFFC000  }
0xdf: {  	_ =	swait.ge [sflag:s31], $0x100  }
0xe0: {  	[sflag:s31] =	ssyncset.done $0x0  }
0xe1: {  	s3 =	sadd.s32 @!p1 s3, s11;
	[sflag:s31] =	ssyncadd.s32 $0xFFFFFF00  }
0xe2: {  	[tilespmem:s22], [sflag:$0x2] =	stream.indirect.gather [hbm4b:s1+s19], $0x80, s23, s19, $0xb8;
	[tilespmem:$0x1D000] =	vst v63  }
0xe3: {  	s3 =	sadd.s32 @!p1 $0xA0, s3;
	s5 =	simm.s32 @!p1 $0x100  }
0xe4: {  	[tilespmem:s5], [sflag:$0x6] =	stream.linear.gather @!p1 [hbm4b:s3+s6], $0x100, $0x38;
	[tilespmem:$0x1D000] =	vst v63  }
0xe5: {  	_ =	swait.ge [sflag:s24], $0x4000  }
0xe6: {  	[sflag:s24] =	ssyncset.done $0x0  }
0xe7: {  	s6 =	rddreg [dreg:$0x7];
	[sflag:s24] =	ssyncadd.s32 $0xFFFFC000  }
0xe8: {  	[spmem:s2] =	stream.indirect.scatter.add.f32 [tilespmem:s15], [sflag:$0x3], $0x80, s6, s19, $0xb8;
	[tilespmem:$0x1D000] =	vst v63  }
0xe9: {  	_ =	swait.ge [sflag:s29], $0x4000  }
0xea: {  	[sflag:s29] =	ssyncset.done $0x0  }
0xeb: {  	s7 =	simm.s32 $0x380;
	[sflag:s29] =	ssyncadd.s32 $0xFFFFC000  }
0xec: {  	[spmem:s2] =	stream.indirect.scatter.add.f32 [tilespmem:s22], [sflag:$0x4], $0x80, s7, s19, $0xb8;
	[tilespmem:$0x1D000] =	vst v63  }
0xed: {  	_ =	swait.ge [sflag:s26], $0x4000  }
0xee: {  	[sflag:s26] =	ssyncset.done $0x0  }
0xef: {  	[sflag:s26] =	ssyncadd.s32 $0xFFFFC000  }
0xf0: {  	_ =	swait.ge [sflag:s30], $0x4000  }
0xf1: {  	[sflag:s30] =	ssyncset.done $0x0  }
0xf2: {  	s9 =	stileid.u32;
	[sflag:s30] =	ssyncadd.s32 $0xFFFFC000  }
0xf3: {  	s3 =	sshll.u32 s9, $0x6;
	[bflag:$0x0] =	sbarrier.arrive $0xFFFF  }
0xf4: {  	s3 =	sor.u32 $0x1C09, s3;
	s10 =	rddreg [dreg:$0xa]  }
0xf5: {  	[hbm:s10], [sflag:s3] =	dma.local [spmem:s25], $0x2780  }
0xf6: {  	_ =	swait.ge [sflag:s16], $0x2780  }
0xf7: {  	s0 =	sadd.s32 $0x1, s0;
	s12 =	rddreg [dreg:$0xb]  }
0xf8: {  	p1 =	sne.s32 s0, s12  }
.Ltmp2:
0xf9: {  	_ = 	snop;
	(pc) =	sbr.rel @p1 .LBB2_1-.Ltmp2, $3  }
0xfa: {  	_ =	sdelay $0x1  }
0xfb: {  	[sflag:s16] =	ssyncset.done $0x0  }
0xfc: {  	[sflag:s16] =	ssyncadd.s32 $0xFFFFD880  }
0xfd: {  	_ =	sfence.sel $0x180000  }
0xfe: {  	[bflag:$0x0] =	sbarrier.arrive $0xFFFF  }
0xff: {  	_ =	strace $0x9000004A  }
0x100: {  	s0 =	stileid.u32;
	[bflag:$0x2] =	sbarrier.arrive $0xFFFF  }
0x101: {  	p0 =	sne.s32 s0, $0x0;
	s0 =	rddreg [dreg:$0x3]  }
0x102: {  	s0 =	sadd.s32 @!p0 $0x100000, s0  }
0x103: {  	[sflag:s0] =	ssyncadd.tile.s32 @!p0 $0x1;
	_ =	shalt  }
.Lfunc_end2:
_tile_overlayer_lowered:
.L_overlay_start_2:
0x104: {  	(tag) =	ssettag $0x2  }
0x105: {  	s0 =	rddreg [dreg:$0x0];
	s2 =	stileid.u32  }
0x106: {  	s1 =	rddreg [dreg:$0x1];
	p0 =	sne.s32 s2, $0x0  }
0x107: {  	s3 =	rddreg [dreg:$0x2];
	[bflag:$0x3] =	sbarrier.arrive $0xFFFF;
	s2 =	simm.s32 @!p0 $0x1C09  }
0x108: {  	[timem:s3], [sflag:s2] =	dma.local @!p0 [hbm:s0], s1  }
0x109: {  	s0 =	simm.s32 @!p0 $0x9  }
0x10a: {  	_ =	swait.ge @!p0 [sflag:s0], s1  }
0x10b: {  	s1 =	ssub.s32 @!p0 $0x0, s1;
	[sflag:s0] =	ssyncset.done @!p0 $0x0  }
0x10c: {  	[sflag:s0] =	ssyncadd.s32 @!p0 s1  }
0x10d: {  	[bflag:$0x3] =	sbarrier.arrive $0xFFFF  }
0x10e: {  	_ =	shalt  }

</sc_bundles>
